<compile_context>
chip_gen: v7x
topology: tpu7x:2x2x1
jax: 0.10.2.dev20260603
libtpu: 0.0.44.dev20260713+nightly
codegen_flags: <defaults>
</compile_context>

<pallas_src>
import functools

import jax
import jax.numpy as jnp
from jax import lax
from jax.experimental import pallas as pl
from jax.experimental.pallas import tpu as pltpu
from jax.experimental.pallas import tpu_sc as plsc

N = 10000
F_IN = 256
HID = 512
CLS = 64
E = 160000

NC = 2
NS = 16
LANE = 128
CHUNK = 96

ACC_ROWS = 10016
ZROWS = 626
OROWS = 624
TAIL = N - NS * OROWS

EPAD = 161280
CH_AGG = 105
EPAD_DEG = 163840
CH_DEG = 40

ROW_TILE = 2000
GRID_TC = N // ROW_TILE


IDXB = 15


def _agg_body(nbuf, nchunks, src_hbm, dst_hbm, table_hbm, zeros_hbm, out_hbm,
              src_v, dst_v, rows_v, acc, gsem, ssem, isem):
    c = lax.axis_index("c")
    s = lax.axis_index("s")
    nblocks = nchunks // IDXB
    pltpu.sync_copy(src_hbm.at[c, s, pl.ds(0, IDXB)],
                    src_v.at[pl.ds(0, IDXB)])
    pltpu.sync_copy(dst_hbm.at[s, pl.ds(0, IDXB)], dst_v.at[pl.ds(0, IDXB)])
    if nblocks > 1:
        pltpu.async_copy(src_hbm.at[c, s, pl.ds(IDXB, IDXB)],
                         src_v.at[pl.ds(IDXB, IDXB)], isem)
        pltpu.async_copy(dst_hbm.at[s, pl.ds(IDXB, IDXB)],
                         dst_v.at[pl.ds(IDXB, IDXB)], isem)
    for k in range(min(nbuf - 1, nchunks)):
        pltpu.async_copy(table_hbm.at[src_v.at[k]], rows_v.at[k],
                         gsem.at[k])
    pltpu.sync_copy(zeros_hbm, acc.at[pl.ds(s * ZROWS, ZROWS)])
    plsc.subcore_barrier()

    def chunk(j, carry):
        b = lax.rem(j, nbuf)
        pf = j + nbuf - 1
        nb = lax.rem(pf, nbuf)
        g = j // IDXB
        jj = j - g * IDXB
        row = lax.rem(g, 2) * IDXB + jj

        @pl.when(jnp.logical_and(jj == IDXB - nbuf, g + 1 < nblocks))
        def _idx_wait():
            pltpu.make_async_copy(src_hbm.at[c, s, pl.ds(0, IDXB)],
                                  src_v.at[pl.ds(0, IDXB)], isem).wait()
            pltpu.make_async_copy(dst_hbm.at[s, pl.ds(0, IDXB)],
                                  dst_v.at[pl.ds(0, IDXB)], isem).wait()

        @pl.when(pf < nchunks)
        def _prefetch():
            gp = pf // IDXB
            rowp = lax.rem(gp, 2) * IDXB + (pf - gp * IDXB)

            @pl.when(j >= 1)
            def _buf_free():
                pltpu.make_async_copy(rows_v.at[nb], acc.at[pl.ds(0, CHUNK)],
                                      ssem.at[nb]).wait()
            pltpu.async_copy(table_hbm.at[src_v.at[rowp]], rows_v.at[nb],
                             gsem.at[nb])

        pltpu.make_async_copy(table_hbm.at[src_v.at[row]], rows_v.at[b],
                              gsem.at[b]).wait()
        pltpu.async_copy(rows_v.at[b], acc.at[dst_v.at[row]], ssem.at[b],
                         add=True)

        @pl.when(jnp.logical_and(jj == 0, jnp.logical_and(g >= 1,
                                                          g + 1 < nblocks)))
        def _idx_prefetch():
            noff = lax.rem(g + 1, 2) * IDXB
            pltpu.async_copy(src_hbm.at[c, s, pl.ds((g + 1) * IDXB, IDXB)],
                             src_v.at[pl.ds(noff, IDXB)], isem)
            pltpu.async_copy(dst_hbm.at[s, pl.ds((g + 1) * IDXB, IDXB)],
                             dst_v.at[pl.ds(noff, IDXB)], isem)
        return carry

    lax.fori_loop(0, nchunks, chunk, 0)
    for k in range(min(nbuf, nchunks)):
        pltpu.make_async_copy(rows_v.at[k], acc.at[pl.ds(0, CHUNK)],
                              ssem.at[k]).wait()
    plsc.subcore_barrier()
    pltpu.sync_copy(acc.at[pl.ds(s * OROWS, OROWS)],
                    out_hbm.at[c, pl.ds(s * OROWS, OROWS)])

    @pl.when(s == 0)
    def _copy_tail():
        pltpu.sync_copy(acc.at[pl.ds(NS * OROWS, TAIL)],
                        out_hbm.at[c, pl.ds(NS * OROWS, TAIL)])


def _make_agg(feat, nchunks, nbuf):
    mesh = plsc.VectorSubcoreMesh(core_axis_name="c", subcore_axis_name="s")
    return pl.kernel(
        functools.partial(_agg_body, nbuf, nchunks),
        out_type=jax.ShapeDtypeStruct((NC, N, feat), jnp.float32),
        mesh=mesh,
        scratch_types=[
            pltpu.VMEM((2 * IDXB, CHUNK), jnp.int32),
            pltpu.VMEM((2 * IDXB, CHUNK), jnp.int32),
            pltpu.VMEM((nbuf, CHUNK, feat), jnp.float32),
            pltpu.VMEM_SHARED((ACC_ROWS, feat), jnp.float32),
            pltpu.SemaphoreType.DMA((nbuf,)),
            pltpu.SemaphoreType.DMA((nbuf,)),
            pltpu.SemaphoreType.DMA,
        ],
        compiler_params=pltpu.CompilerParams(use_tc_tiling_on_sc=False),
    )


def _deg_body(dst_hbm, ones_hbm, zeros_hbm, out_hbm, dst_v, ones_v, acc,
              ssem):
    c = lax.axis_index("c")
    s = lax.axis_index("s")
    pltpu.sync_copy(dst_hbm.at[c, s], dst_v)
    pltpu.sync_copy(ones_hbm, ones_v)
    pltpu.sync_copy(zeros_hbm, acc.at[pl.ds(s * ZROWS, ZROWS)])
    plsc.subcore_barrier()

    def chunk(j, carry):
        pltpu.async_copy(ones_v, acc.at[dst_v.at[j]], ssem, add=True)
        return carry

    lax.fori_loop(0, CH_DEG, chunk, 0)

    def drain(j, carry):
        pltpu.make_async_copy(ones_v, acc.at[pl.ds(0, LANE)], ssem).wait()
        return carry

    lax.fori_loop(0, CH_DEG, drain, 0)
    plsc.subcore_barrier()
    pltpu.sync_copy(acc.at[pl.ds(s * OROWS, OROWS)],
                    out_hbm.at[c, pl.ds(s * OROWS, OROWS)])

    @pl.when(s == 0)
    def _copy_tail():
        pltpu.sync_copy(acc.at[pl.ds(NS * OROWS, TAIL)],
                        out_hbm.at[c, pl.ds(NS * OROWS, TAIL)])


def _make_deg():
    mesh = plsc.VectorSubcoreMesh(core_axis_name="c", subcore_axis_name="s")
    return pl.kernel(
        _deg_body,
        out_type=jax.ShapeDtypeStruct((NC, N, 8), jnp.float32),
        mesh=mesh,
        scratch_types=[
            pltpu.VMEM((CH_DEG, LANE), jnp.int32),
            pltpu.VMEM((LANE, 8), jnp.float32),
            pltpu.VMEM_SHARED((ACC_ROWS, 8), jnp.float32),
            pltpu.SemaphoreType.DMA,
        ],
        compiler_params=pltpu.CompilerParams(use_tc_tiling_on_sc=False),
    )



def _scale_body(x_ref, d0_ref, d1_ref, xs_ref, dinv_ref, deginv_ref):
    deg = d0_ref[...] + d1_ref[...] + 1.0
    dinv = lax.rsqrt(deg)
    deginv = 1.0 / deg
    dinv_ref[...] = jnp.concatenate([dinv, dinv], axis=1)
    deginv_ref[...] = jnp.concatenate([deginv, deginv], axis=1)
    xs = x_ref[...] * dinv[:, :1]
    xs_ref[0] = xs[:, :128]
    xs_ref[1] = xs[:, 128:]


def _scale_call(x, d0, d1):
    return pl.pallas_call(
        _scale_body,
        grid=(GRID_TC,),
        in_specs=[
            pl.BlockSpec((ROW_TILE, F_IN), lambda i: (i, 0)),
            pl.BlockSpec((ROW_TILE, 8), lambda i: (i, 0)),
            pl.BlockSpec((ROW_TILE, 8), lambda i: (i, 0)),
        ],
        out_specs=[
            pl.BlockSpec((NC, ROW_TILE, 128), lambda i: (0, i, 0)),
            pl.BlockSpec((ROW_TILE, 16), lambda i: (i, 0)),
            pl.BlockSpec((ROW_TILE, 16), lambda i: (i, 0)),
        ],
        out_shape=[
            jax.ShapeDtypeStruct((NC, N, 128), jnp.float32),
            jax.ShapeDtypeStruct((N, 16), jnp.float32),
            jax.ShapeDtypeStruct((N, 16), jnp.float32),
        ],
    )(x, d0, d1)


def _dense_body(agg_ref, x_ref, dinv_ref, deginv_ref, w1_ref, b1_ref, w2_ref,
                z_ref, zs_ref):
    dinv = dinv_ref[:, :1]
    agg = jnp.concatenate([agg_ref[0], agg_ref[1]], axis=1)
    pre = dinv * agg + deginv_ref[:, :1] * x_ref[...]
    h = jnp.dot(pre, w1_ref[...], preferred_element_type=jnp.float32)
    h = jnp.maximum(h + b1_ref[...], 0.0)
    z = jnp.dot(h, w2_ref[...], preferred_element_type=jnp.float32)
    z_ref[...] = z
    zs = dinv * z
    zs_ref[0] = zs[:, :32]
    zs_ref[1] = zs[:, 32:]


def _dense_call(agg1, x, dinv, deginv, W1, b1, W2):
    return pl.pallas_call(
        _dense_body,
        grid=(GRID_TC,),
        in_specs=[
            pl.BlockSpec((NC, ROW_TILE, 128), lambda i: (0, i, 0)),
            pl.BlockSpec((ROW_TILE, F_IN), lambda i: (i, 0)),
            pl.BlockSpec((ROW_TILE, 16), lambda i: (i, 0)),
            pl.BlockSpec((ROW_TILE, 16), lambda i: (i, 0)),
            pl.BlockSpec((F_IN, HID), lambda i: (0, 0)),
            pl.BlockSpec((1, HID), lambda i: (0, 0)),
            pl.BlockSpec((HID, CLS), lambda i: (0, 0)),
        ],
        out_specs=[
            pl.BlockSpec((ROW_TILE, CLS), lambda i: (i, 0)),
            pl.BlockSpec((NC, ROW_TILE, 32), lambda i: (0, i, 0)),
        ],
        out_shape=[
            jax.ShapeDtypeStruct((N, CLS), jnp.float32),
            jax.ShapeDtypeStruct((NC, N, 32), jnp.float32),
        ],
    )(agg1, x, dinv, deginv, W1, b1, W2)


def _finish_body(agg_ref, z_ref, dinv_ref, deginv_ref, b2_ref, out_ref):
    agg = jnp.concatenate([agg_ref[0], agg_ref[1]], axis=1)
    out_ref[...] = (dinv_ref[:, :1] * agg + deginv_ref[:, :1] * z_ref[...]
                    + b2_ref[...])


def _finish_call(agg2, z, dinv, deginv, b2):
    return pl.pallas_call(
        _finish_body,
        grid=(GRID_TC,),
        in_specs=[
            pl.BlockSpec((NC, ROW_TILE, 32), lambda i: (0, i, 0)),
            pl.BlockSpec((ROW_TILE, CLS), lambda i: (i, 0)),
            pl.BlockSpec((ROW_TILE, 16), lambda i: (i, 0)),
            pl.BlockSpec((ROW_TILE, 16), lambda i: (i, 0)),
            pl.BlockSpec((1, CLS), lambda i: (0, 0)),
        ],
        out_specs=pl.BlockSpec((ROW_TILE, CLS), lambda i: (i, 0)),
        out_shape=jax.ShapeDtypeStruct((N, CLS), jnp.float32),
    )(agg2, z, dinv, deginv, b2)


def kernel(x, edge_index, W1, b1, W2, b2):
    src = edge_index[0]
    dst = edge_index[1]

    pad1 = EPAD - E
    src_p = jnp.concatenate([src, jnp.zeros((pad1,), jnp.int32)])
    src4 = jnp.stack([src_p, src_p + N]).reshape(NC, NS, CH_AGG, CHUNK)
    dst4 = jnp.concatenate(
        [dst, jnp.full((pad1,), N, jnp.int32)]).reshape(NS, CH_AGG, CHUNK)
    padd = EPAD_DEG - E
    dstd = jnp.concatenate(
        [dst, jnp.full((padd,), N, jnp.int32)]).reshape(NC, NS, CH_DEG, LANE)

    zeros128 = jnp.zeros((ZROWS, 128), jnp.float32)
    zeros32 = jnp.zeros((ZROWS, 32), jnp.float32)
    zeros8 = jnp.zeros((ZROWS, 8), jnp.float32)
    ones8 = jnp.ones((LANE, 8), jnp.float32)

    degp = _make_deg()(dstd, ones8, zeros8)

    xs2, dinv, deginv = _scale_call(x, degp[0], degp[1])

    agg1 = _make_agg(128, CH_AGG, 3)(src4, dst4, xs2.reshape(NC * N, 128),
                                     zeros128)

    z, zs2 = _dense_call(agg1, x, dinv, deginv, W1, b1.reshape(1, HID), W2)

    agg2 = _make_agg(32, CH_AGG, 6)(src4, dst4, zs2.reshape(NC * N, 32),
                                    zeros32)

    return _finish_call(agg2, z, dinv, deginv, b2.reshape(1, CLS))

# --- scband reference (transcript-rebuilt; emitter-appended) ---
"""Pipeline reference for scband-x-aigcn-53068615910296 (READ-ONLY COPY).

The authoritative reference and input builder live on the scoring server;
editing this copy changes nothing except your own understanding.
"""

import jax, jax.numpy as jnp
import numpy as np

N = 10000
E = 160000
F_IN = 256
HID = 512
CLS = 64


def _gcn_conv(x, src, dst, W, b, n_nodes):
    # symmetric-normalized GCN conv (self-loops already concatenated into src/dst)
    deg = jnp.zeros((n_nodes,), dtype=x.dtype).at[dst].add(1.0)
    dinv = jnp.where(deg > 0, deg ** -0.5, 0.0)
    norm = dinv[src] * dinv[dst]
    h = x @ W
    msg = h[src] * norm[:, None]
    out = jnp.zeros((n_nodes, W.shape[1]), dtype=x.dtype).at[dst].add(msg)
    return out + b


def setup_inputs(seed: int = 0):
    key = jax.random.key(seed)
    ks = jax.random.split(key, 4)
    x = jax.random.normal(ks[0], (N, F_IN), dtype=jnp.float32)
    edge_index = jax.random.randint(ks[1], (2, E), 0, N, dtype=jnp.int32)
    lim1 = (6.0 / (F_IN + HID)) ** 0.5
    W1 = jax.random.uniform(ks[2], (F_IN, HID), minval=-lim1, maxval=lim1, dtype=jnp.float32)
    b1 = jnp.zeros((HID,), dtype=jnp.float32)
    lim2 = (6.0 / (HID + CLS)) ** 0.5
    W2 = jax.random.uniform(ks[3], (HID, CLS), minval=-lim2, maxval=lim2, dtype=jnp.float32)
    b2 = jnp.zeros((CLS,), dtype=jnp.float32)
    return {"x": x, "edge_index": edge_index, "W1": W1, "b1": b1, "W2": W2, "b2": b2}


def reference(x, edge_index, W1, b1, W2, b2):
    loop = jnp.arange(N, dtype=edge_index.dtype)
    src = jnp.concatenate([edge_index[0], loop])
    dst = jnp.concatenate([edge_index[1], loop])
    h = _gcn_conv(x, src, dst, W1, b1, N)
    h = jax.nn.relu(h)
    # F.dropout(p=0.5, training=self.training) -> identity in eval mode
    out = _gcn_conv(h, src, dst, W2, b2, N)
    return out

if __name__ == "__main__":
    import jax
    _d = setup_inputs()
    print(jax.jit(kernel)(*tuple(_d.values())))

</pallas_src>

<mosaic_0001>
#map = affine_map<(d0, d1) -> (0, 0, 0, 0)>
#map1 = affine_map<(d0, d1) -> (0, 0)>
#map2 = affine_map<(d0, d1) -> (0, 0, 0)>
module attributes {stable_mosaic.version = 14 : i64} {
  func.func @_deg_body(%arg0: i32, %arg1: i32, %arg2: memref<2x16x40x128xi32, #tpu.memory_space<hbm>>, %arg3: memref<128x8xf32, #tpu.memory_space<hbm>>, %arg4: memref<626x8xf32, #tpu.memory_space<hbm>>, %arg5: memref<2x10000x8xf32, #tpu.memory_space<hbm>>, %arg6: memref<40x128xi32, #tpu.memory_space<vmem>>, %arg7: memref<128x8xf32, #tpu.memory_space<vmem>>, %arg8: memref<10016x8xf32, #tpu.memory_space<vmem_shared>>, %arg9: memref<!tpu.dma_semaphore, #tpu.memory_space<semaphore_mem>>) attributes {dimension_semantics = [#tpu.dimension_semantics<core_parallel>, #tpu.dimension_semantics<subcore_parallel>], iteration_bounds = array<i64: 2, 16>, scalar_prefetch = 0 : i64, scratch_operands = 4 : i64, tpu.core_type = #tpu.core_type<sc_vector_subcore>, window_params = [{transform_indices = #map}, {transform_indices = #map1}, {transform_indices = #map1}, {transform_indices = #map2}]} {
    "tpu.region"() ({
      %run_scoped3A = tpu.sem_alloc : memref<!tpu.dma_semaphore, #tpu.memory_space<semaphore_mem>>
      %dma_start3A = arith.constant 0 : i32
      %dma_start3A_19 = arith.constant 0 : i32
      %dma_start3A_20 = tpu.memref_slice %arg2[%arg0, %arg1, %dma_start3A, %dma_start3A_19] : memref<2x16x40x128xi32, #tpu.memory_space<hbm>> -> memref<1x1x40x128xi32, #tpu.memory_space<hbm>>
      %dma_start3A_21 = tpu.memref_squeeze %dma_start3A_20 : memref<1x1x40x128xi32, #tpu.memory_space<hbm>> -> memref<40x128xi32, #tpu.memory_space<hbm>>
      %dma_start3A_22 = arith.constant 0 : i32
      %dma_start3A_23 = arith.constant 0 : i32
      %dma_start3A_24 = tpu.memref_slice %arg2[%arg0, %arg1, %dma_start3A_22, %dma_start3A_23] : memref<2x16x40x128xi32, #tpu.memory_space<hbm>> -> memref<1x1x40x128xi32, #tpu.memory_space<hbm>>
      %dma_start3A_25 = tpu.memref_squeeze %dma_start3A_24 : memref<1x1x40x128xi32, #tpu.memory_space<hbm>> -> memref<40x128xi32, #tpu.memory_space<hbm>>
      tpu.enqueue_dma source(%dma_start3A_25 : memref<40x128xi32, #tpu.memory_space<hbm>>) target(%arg6 : memref<40x128xi32, #tpu.memory_space<vmem>>) target_semaphore(%run_scoped3A : memref<!tpu.dma_semaphore, #tpu.memory_space<semaphore_mem>>)
      %dma_wait3A = arith.constant 0 : i32
      %dma_wait3A_26 = arith.constant 0 : i32
      %dma_wait3A_27 = tpu.memref_slice %arg2[%arg0, %arg1, %dma_wait3A, %dma_wait3A_26] : memref<2x16x40x128xi32, #tpu.memory_space<hbm>> -> memref<1x1x40x128xi32, #tpu.memory_space<hbm>>
      %dma_wait3A_28 = tpu.memref_squeeze %dma_wait3A_27 : memref<1x1x40x128xi32, #tpu.memory_space<hbm>> -> memref<40x128xi32, #tpu.memory_space<hbm>>
      %dma_wait3A_29 = arith.constant 0 : i32
      %dma_wait3A_30 = arith.constant 0 : i32
      %dma_wait3A_31 = tpu.memref_slice %arg2[%arg0, %arg1, %dma_wait3A_29, %dma_wait3A_30] : memref<2x16x40x128xi32, #tpu.memory_space<hbm>> -> memref<1x1x40x128xi32, #tpu.memory_space<hbm>>
      %dma_wait3A_32 = tpu.memref_squeeze %dma_wait3A_31 : memref<1x1x40x128xi32, #tpu.memory_space<hbm>> -> memref<40x128xi32, #tpu.memory_space<hbm>>
      tpu.wait_dma2 semaphore(%run_scoped3A : memref<!tpu.dma_semaphore, #tpu.memory_space<semaphore_mem>>) src(%dma_wait3A_32 : memref<40x128xi32, #tpu.memory_space<hbm>>) dst(%arg6 : memref<40x128xi32, #tpu.memory_space<vmem>>)
      tpu.yield
    }) : () -> ()
    "tpu.region"() ({
      %run_scoped3A = tpu.sem_alloc : memref<!tpu.dma_semaphore, #tpu.memory_space<semaphore_mem>>
      tpu.enqueue_dma source(%arg3 : memref<128x8xf32, #tpu.memory_space<hbm>>) target(%arg7 : memref<128x8xf32, #tpu.memory_space<vmem>>) target_semaphore(%run_scoped3A : memref<!tpu.dma_semaphore, #tpu.memory_space<semaphore_mem>>)
      tpu.wait_dma2 semaphore(%run_scoped3A : memref<!tpu.dma_semaphore, #tpu.memory_space<semaphore_mem>>) src(%arg3 : memref<128x8xf32, #tpu.memory_space<hbm>>) dst(%arg7 : memref<128x8xf32, #tpu.memory_space<vmem>>)
      tpu.yield
    }) : () -> ()
    %mul3A = arith.constant 626 : i32
    %mul3A_0 = arith.muli %arg1, %mul3A : i32
    "tpu.region"() ({
      %run_scoped3A = tpu.sem_alloc : memref<!tpu.dma_semaphore, #tpu.memory_space<semaphore_mem>>
      %dma_start3A = arith.constant 0 : i32
      %dma_start3A_19 = tpu.memref_slice %arg8[%mul3A_0, %dma_start3A] : memref<10016x8xf32, #tpu.memory_space<vmem_shared>> -> memref<626x8xf32, #tpu.memory_space<vmem_shared>>
      tpu.enqueue_dma source(%arg4 : memref<626x8xf32, #tpu.memory_space<hbm>>) target(%dma_start3A_19 : memref<626x8xf32, #tpu.memory_space<vmem_shared>>) target_semaphore(%run_scoped3A : memref<!tpu.dma_semaphore, #tpu.memory_space<semaphore_mem>>)
      %dma_wait3A = arith.constant 0 : i32
      %dma_wait3A_20 = tpu.memref_slice %arg8[%mul3A_0, %dma_wait3A] : memref<10016x8xf32, #tpu.memory_space<vmem_shared>> -> memref<626x8xf32, #tpu.memory_space<vmem_shared>>
      tpu.wait_dma2 semaphore(%run_scoped3A : memref<!tpu.dma_semaphore, #tpu.memory_space<semaphore_mem>>) src(%arg4 : memref<626x8xf32, #tpu.memory_space<hbm>>) dst(%dma_wait3A_20 : memref<626x8xf32, #tpu.memory_space<vmem_shared>>)
      tpu.yield
    }) : () -> ()
    %barrier3A = arith.constant 0 : index
    tpu.barrier barrier_id(%barrier3A)
    %scan3A = arith.constant 0 : i32
    %scan3A_1 = arith.constant 0 : i32
    %scan3A_2 = arith.constant 40 : i32
    %scan3A_3 = arith.addi %scan3A_1, %scan3A_2 : i32
    %scan3A_4 = arith.constant 1 : i32
    scf.for %scan3A_19 = %scan3A_1 to %scan3A_3 step %scan3A_4  : i32 {
      %dma_start3A = arith.constant 0 : i32
      %dma_start3A_20 = tpu.memref_slice %arg6[%scan3A_19, %dma_start3A] : memref<40x128xi32, #tpu.memory_space<vmem>> -> memref<1x128xi32, #tpu.memory_space<vmem>>
      %dma_start3A_21 = tpu.memref_squeeze %dma_start3A_20 : memref<1x128xi32, #tpu.memory_space<vmem>> -> memref<128xi32, #tpu.memory_space<vmem>>
      %dma_start3A_22 = arith.constant 0 : i32
      %dma_start3A_23 = arith.constant 0 : i32
      %dma_start3A_24 = tpu.memref_slice %arg8[%dma_start3A_22, %dma_start3A_23] : memref<10016x8xf32, #tpu.memory_space<vmem_shared>> -> memref<10016x8xf32, #tpu.memory_space<vmem_shared>>
      tpu.enqueue_indirect_dma source(%arg7 : memref<128x8xf32, #tpu.memory_space<vmem>>) target(%dma_start3A_24 : memref<10016x8xf32, #tpu.memory_space<vmem_shared>>) offsets(%dma_start3A_21 : memref<128xi32, #tpu.memory_space<vmem>>) semaphore(%arg9 : memref<!tpu.dma_semaphore, #tpu.memory_space<semaphore_mem>>) {add = true}
    }
    %scan3A_5 = arith.constant 40 : i32
    %scan3A_6 = arith.constant 0 : i32
    %scan3A_7 = arith.constant 0 : i32
    %scan3A_8 = arith.constant 40 : i32
    %scan3A_9 = arith.addi %scan3A_7, %scan3A_8 : i32
    %scan3A_10 = arith.constant 1 : i32
    scf.for %scan3A_19 = %scan3A_7 to %scan3A_9 step %scan3A_10  : i32 {
      %dma_wait3A = arith.constant 0 : i32
      %dma_wait3A_20 = arith.constant 0 : i32
      %dma_wait3A_21 = tpu.memref_slice %arg8[%dma_wait3A, %dma_wait3A_20] : memref<10016x8xf32, #tpu.memory_space<vmem_shared>> -> memref<128x8xf32, #tpu.memory_space<vmem_shared>>
      %dma_wait3A_22 = arith.constant 0 : i32
      %dma_wait3A_23 = arith.constant 0 : i32
      %dma_wait3A_24 = tpu.memref_slice %arg8[%dma_wait3A_22, %dma_wait3A_23] : memref<10016x8xf32, #tpu.memory_space<vmem_shared>> -> memref<128x8xf32, #tpu.memory_space<vmem_shared>>
      tpu.wait_dma2 semaphore(%arg9 : memref<!tpu.dma_semaphore, #tpu.memory_space<semaphore_mem>>) src(%arg7 : memref<128x8xf32, #tpu.memory_space<vmem>>) dst(%dma_wait3A_24 : memref<128x8xf32, #tpu.memory_space<vmem_shared>>)
    }
    %scan3A_11 = arith.constant 40 : i32
    %barrier3A_12 = arith.constant 0 : index
    tpu.barrier barrier_id(%barrier3A_12)
    %mul3A_13 = arith.constant 624 : i32
    %mul3A_14 = arith.muli %arg1, %mul3A_13 : i32
    %mul3A_15 = arith.constant 624 : i32
    %mul3A_16 = arith.muli %arg1, %mul3A_15 : i32
    "tpu.region"() ({
      %run_scoped3A = tpu.sem_alloc : memref<!tpu.dma_semaphore, #tpu.memory_space<semaphore_mem>>
      %dma_start3A = arith.constant 0 : i32
      %dma_start3A_19 = tpu.memref_slice %arg5[%arg0, %mul3A_16, %dma_start3A] : memref<2x10000x8xf32, #tpu.memory_space<hbm>> -> memref<1x624x8xf32, #tpu.memory_space<hbm>>
      %dma_start3A_20 = tpu.memref_squeeze %dma_start3A_19 : memref<1x624x8xf32, #tpu.memory_space<hbm>> -> memref<624x8xf32, #tpu.memory_space<hbm>>
      %dma_start3A_21 = arith.constant 0 : i32
      %dma_start3A_22 = tpu.memref_slice %arg8[%mul3A_14, %dma_start3A_21] : memref<10016x8xf32, #tpu.memory_space<vmem_shared>> -> memref<624x8xf32, #tpu.memory_space<vmem_shared>>
      tpu.enqueue_dma source(%dma_start3A_22 : memref<624x8xf32, #tpu.memory_space<vmem_shared>>) target(%dma_start3A_20 : memref<624x8xf32, #tpu.memory_space<hbm>>) target_semaphore(%run_scoped3A : memref<!tpu.dma_semaphore, #tpu.memory_space<semaphore_mem>>)
      %dma_wait3A = arith.constant 0 : i32
      %dma_wait3A_23 = tpu.memref_slice %arg5[%arg0, %mul3A_16, %dma_wait3A] : memref<2x10000x8xf32, #tpu.memory_space<hbm>> -> memref<1x624x8xf32, #tpu.memory_space<hbm>>
      %dma_wait3A_24 = tpu.memref_squeeze %dma_wait3A_23 : memref<1x624x8xf32, #tpu.memory_space<hbm>> -> memref<624x8xf32, #tpu.memory_space<hbm>>
      %dma_wait3A_25 = arith.constant 0 : i32
      %dma_wait3A_26 = tpu.memref_slice %arg8[%mul3A_14, %dma_wait3A_25] : memref<10016x8xf32, #tpu.memory_space<vmem_shared>> -> memref<624x8xf32, #tpu.memory_space<vmem_shared>>
      tpu.wait_dma2 semaphore(%run_scoped3A : memref<!tpu.dma_semaphore, #tpu.memory_space<semaphore_mem>>) src(%dma_wait3A_26 : memref<624x8xf32, #tpu.memory_space<vmem_shared>>) dst(%dma_wait3A_24 : memref<624x8xf32, #tpu.memory_space<hbm>>)
      tpu.yield
    }) : () -> ()
    %eq3A = arith.constant 0 : i32
    %eq3A_17 = arith.cmpi eq, %arg1, %eq3A : i32
    %convert_element_type3A = arith.extui %eq3A_17 : i1 to i32
    %cond3A = arith.constant 0 : i32
    %cond3A_18 = arith.cmpi ne, %convert_element_type3A, %cond3A : i32
    scf.if %cond3A_18 {
      "tpu.region"() ({
        %run_scoped3A = tpu.sem_alloc : memref<!tpu.dma_semaphore, #tpu.memory_space<semaphore_mem>>
        %dma_start3A = arith.constant 9984 : i32
        %dma_start3A_19 = arith.constant 0 : i32
        %dma_start3A_20 = tpu.memref_slice %arg5[%arg0, %dma_start3A, %dma_start3A_19] : memref<2x10000x8xf32, #tpu.memory_space<hbm>> -> memref<1x16x8xf32, #tpu.memory_space<hbm>>
        %dma_start3A_21 = tpu.memref_squeeze %dma_start3A_20 : memref<1x16x8xf32, #tpu.memory_space<hbm>> -> memref<16x8xf32, #tpu.memory_space<hbm>>
        %dma_start3A_22 = arith.constant 9984 : i32
        %dma_start3A_23 = arith.constant 0 : i32
        %dma_start3A_24 = tpu.memref_slice %arg8[%dma_start3A_22, %dma_start3A_23] : memref<10016x8xf32, #tpu.memory_space<vmem_shared>> -> memref<16x8xf32, #tpu.memory_space<vmem_shared>>
        tpu.enqueue_dma source(%dma_start3A_24 : memref<16x8xf32, #tpu.memory_space<vmem_shared>>) target(%dma_start3A_21 : memref<16x8xf32, #tpu.memory_space<hbm>>) target_semaphore(%run_scoped3A : memref<!tpu.dma_semaphore, #tpu.memory_space<semaphore_mem>>)
        %dma_wait3A = arith.constant 9984 : i32
        %dma_wait3A_25 = arith.constant 0 : i32
        %dma_wait3A_26 = tpu.memref_slice %arg5[%arg0, %dma_wait3A, %dma_wait3A_25] : memref<2x10000x8xf32, #tpu.memory_space<hbm>> -> memref<1x16x8xf32, #tpu.memory_space<hbm>>
        %dma_wait3A_27 = tpu.memref_squeeze %dma_wait3A_26 : memref<1x16x8xf32, #tpu.memory_space<hbm>> -> memref<16x8xf32, #tpu.memory_space<hbm>>
        %dma_wait3A_28 = arith.constant 9984 : i32
        %dma_wait3A_29 = arith.constant 0 : i32
        %dma_wait3A_30 = tpu.memref_slice %arg8[%dma_wait3A_28, %dma_wait3A_29] : memref<10016x8xf32, #tpu.memory_space<vmem_shared>> -> memref<16x8xf32, #tpu.memory_space<vmem_shared>>
        tpu.wait_dma2 semaphore(%run_scoped3A : memref<!tpu.dma_semaphore, #tpu.memory_space<semaphore_mem>>) src(%dma_wait3A_30 : memref<16x8xf32, #tpu.memory_space<vmem_shared>>) dst(%dma_wait3A_27 : memref<16x8xf32, #tpu.memory_space<hbm>>)
        tpu.yield
      }) : () -> ()
    } else {
    }
    return
  }
}

#map = affine_map<(d0, d1) -> (0, 0, 0, 0)>
#map1 = affine_map<(d0, d1) -> (0, 0, 0)>
#map2 = affine_map<(d0, d1) -> (0, 0)>
module attributes {stable_mosaic.version = 14 : i64} {
  func.func @_agg_body(%arg0: i32, %arg1: i32, %arg2: memref<2x16x105x96xi32, #tpu.memory_space<hbm>>, %arg3: memref<16x105x96xi32, #tpu.memory_space<hbm>>, %arg4: memref<20000x128xf32, #tpu.memory_space<hbm>>, %arg5: memref<626x128xf32, #tpu.memory_space<hbm>>, %arg6: memref<2x10000x128xf32, #tpu.memory_space<hbm>>, %arg7: memref<30x96xi32, #tpu.memory_space<vmem>>, %arg8: memref<30x96xi32, #tpu.memory_space<vmem>>, %arg9: memref<3x96x128xf32, #tpu.memory_space<vmem>>, %arg10: memref<10016x128xf32, #tpu.memory_space<vmem_shared>>, %arg11: memref<3x!tpu.dma_semaphore, #tpu.memory_space<semaphore_mem>>, %arg12: memref<3x!tpu.dma_semaphore, #tpu.memory_space<semaphore_mem>>, %arg13: memref<!tpu.dma_semaphore, #tpu.memory_space<semaphore_mem>>) attributes {dimension_semantics = [#tpu.dimension_semantics<core_parallel>, #tpu.dimension_semantics<subcore_parallel>], iteration_bounds = array<i64: 2, 16>, scalar_prefetch = 0 : i64, scratch_operands = 7 : i64, tpu.core_type = #tpu.core_type<sc_vector_subcore>, window_params = [{transform_indices = #map}, {transform_indices = #map1}, {transform_indices = #map2}, {transform_indices = #map2}, {transform_indices = #map1}]} {
    "tpu.region"() ({
      %run_scoped3A = tpu.sem_alloc : memref<!tpu.dma_semaphore, #tpu.memory_space<semaphore_mem>>
      %dma_start3A_123 = arith.constant 0 : i32
      %dma_start3A_124 = arith.constant 0 : i32
      %dma_start3A_125 = tpu.memref_slice %arg7[%dma_start3A_123, %dma_start3A_124] : memref<30x96xi32, #tpu.memory_space<vmem>> -> memref<15x96xi32, #tpu.memory_space<vmem>>
      %dma_start3A_126 = arith.constant 0 : i32
      %dma_start3A_127 = arith.constant 0 : i32
      %dma_start3A_128 = tpu.memref_slice %arg2[%arg0, %arg1, %dma_start3A_126, %dma_start3A_127] : memref<2x16x105x96xi32, #tpu.memory_space<hbm>> -> memref<1x1x15x96xi32, #tpu.memory_space<hbm>>
      %dma_start3A_129 = tpu.memref_squeeze %dma_start3A_128 : memref<1x1x15x96xi32, #tpu.memory_space<hbm>> -> memref<15x96xi32, #tpu.memory_space<hbm>>
      %dma_start3A_130 = arith.constant 0 : i32
      %dma_start3A_131 = arith.constant 0 : i32
      %dma_start3A_132 = tpu.memref_slice %arg7[%dma_start3A_130, %dma_start3A_131] : memref<30x96xi32, #tpu.memory_space<vmem>> -> memref<15x96xi32, #tpu.memory_space<vmem>>
      %dma_start3A_133 = arith.constant 0 : i32
      %dma_start3A_134 = arith.constant 0 : i32
      %dma_start3A_135 = tpu.memref_slice %arg2[%arg0, %arg1, %dma_start3A_133, %dma_start3A_134] : memref<2x16x105x96xi32, #tpu.memory_space<hbm>> -> memref<1x1x15x96xi32, #tpu.memory_space<hbm>>
      %dma_start3A_136 = tpu.memref_squeeze %dma_start3A_135 : memref<1x1x15x96xi32, #tpu.memory_space<hbm>> -> memref<15x96xi32, #tpu.memory_space<hbm>>
      tpu.enqueue_dma source(%dma_start3A_136 : memref<15x96xi32, #tpu.memory_space<hbm>>) target(%dma_start3A_132 : memref<15x96xi32, #tpu.memory_space<vmem>>) target_semaphore(%run_scoped3A : memref<!tpu.dma_semaphore, #tpu.memory_space<semaphore_mem>>)
      %dma_wait3A_137 = arith.constant 0 : i32
      %dma_wait3A_138 = arith.constant 0 : i32
      %dma_wait3A_139 = tpu.memref_slice %arg7[%dma_wait3A_137, %dma_wait3A_138] : memref<30x96xi32, #tpu.memory_space<vmem>> -> memref<15x96xi32, #tpu.memory_space<vmem>>
      %dma_wait3A_140 = arith.constant 0 : i32
      %dma_wait3A_141 = arith.constant 0 : i32
      %dma_wait3A_142 = tpu.memref_slice %arg2[%arg0, %arg1, %dma_wait3A_140, %dma_wait3A_141] : memref<2x16x105x96xi32, #tpu.memory_space<hbm>> -> memref<1x1x15x96xi32, #tpu.memory_space<hbm>>
      %dma_wait3A_143 = tpu.memref_squeeze %dma_wait3A_142 : memref<1x1x15x96xi32, #tpu.memory_space<hbm>> -> memref<15x96xi32, #tpu.memory_space<hbm>>
      %dma_wait3A_144 = arith.constant 0 : i32
      %dma_wait3A_145 = arith.constant 0 : i32
      %dma_wait3A_146 = tpu.memref_slice %arg7[%dma_wait3A_144, %dma_wait3A_145] : memref<30x96xi32, #tpu.memory_space<vmem>> -> memref<15x96xi32, #tpu.memory_space<vmem>>
      %dma_wait3A_147 = arith.constant 0 : i32
      %dma_wait3A_148 = arith.constant 0 : i32
      %dma_wait3A_149 = tpu.memref_slice %arg2[%arg0, %arg1, %dma_wait3A_147, %dma_wait3A_148] : memref<2x16x105x96xi32, #tpu.memory_space<hbm>> -> memref<1x1x15x96xi32, #tpu.memory_space<hbm>>
      %dma_wait3A_150 = tpu.memref_squeeze %dma_wait3A_149 : memref<1x1x15x96xi32, #tpu.memory_space<hbm>> -> memref<15x96xi32, #tpu.memory_space<hbm>>
      tpu.wait_dma2 semaphore(%run_scoped3A : memref<!tpu.dma_semaphore, #tpu.memory_space<semaphore_mem>>) src(%dma_wait3A_150 : memref<15x96xi32, #tpu.memory_space<hbm>>) dst(%dma_wait3A_146 : memref<15x96xi32, #tpu.memory_space<vmem>>)
      tpu.yield
    }) : () -> ()
    "tpu.region"() ({
      %run_scoped3A = tpu.sem_alloc : memref<!tpu.dma_semaphore, #tpu.memory_space<semaphore_mem>>
      %dma_start3A_123 = arith.constant 0 : i32
      %dma_start3A_124 = arith.constant 0 : i32
      %dma_start3A_125 = tpu.memref_slice %arg8[%dma_start3A_123, %dma_start3A_124] : memref<30x96xi32, #tpu.memory_space<vmem>> -> memref<15x96xi32, #tpu.memory_space<vmem>>
      %dma_start3A_126 = arith.constant 0 : i32
      %dma_start3A_127 = arith.constant 0 : i32
      %dma_start3A_128 = tpu.memref_slice %arg3[%arg1, %dma_start3A_126, %dma_start3A_127] : memref<16x105x96xi32, #tpu.memory_space<hbm>> -> memref<1x15x96xi32, #tpu.memory_space<hbm>>
      %dma_start3A_129 = tpu.memref_squeeze %dma_start3A_128 : memref<1x15x96xi32, #tpu.memory_space<hbm>> -> memref<15x96xi32, #tpu.memory_space<hbm>>
      %dma_start3A_130 = arith.constant 0 : i32
      %dma_start3A_131 = arith.constant 0 : i32
      %dma_start3A_132 = tpu.memref_slice %arg8[%dma_start3A_130, %dma_start3A_131] : memref<30x96xi32, #tpu.memory_space<vmem>> -> memref<15x96xi32, #tpu.memory_space<vmem>>
      %dma_start3A_133 = arith.constant 0 : i32
      %dma_start3A_134 = arith.constant 0 : i32
      %dma_start3A_135 = tpu.memref_slice %arg3[%arg1, %dma_start3A_133, %dma_start3A_134] : memref<16x105x96xi32, #tpu.memory_space<hbm>> -> memref<1x15x96xi32, #tpu.memory_space<hbm>>
      %dma_start3A_136 = tpu.memref_squeeze %dma_start3A_135 : memref<1x15x96xi32, #tpu.memory_space<hbm>> -> memref<15x96xi32, #tpu.memory_space<hbm>>
      tpu.enqueue_dma source(%dma_start3A_136 : memref<15x96xi32, #tpu.memory_space<hbm>>) target(%dma_start3A_132 : memref<15x96xi32, #tpu.memory_space<vmem>>) target_semaphore(%run_scoped3A : memref<!tpu.dma_semaphore, #tpu.memory_space<semaphore_mem>>)
      %dma_wait3A_137 = arith.constant 0 : i32
      %dma_wait3A_138 = arith.constant 0 : i32
      %dma_wait3A_139 = tpu.memref_slice %arg8[%dma_wait3A_137, %dma_wait3A_138] : memref<30x96xi32, #tpu.memory_space<vmem>> -> memref<15x96xi32, #tpu.memory_space<vmem>>
      %dma_wait3A_140 = arith.constant 0 : i32
      %dma_wait3A_141 = arith.constant 0 : i32
      %dma_wait3A_142 = tpu.memref_slice %arg3[%arg1, %dma_wait3A_140, %dma_wait3A_141] : memref<16x105x96xi32, #tpu.memory_space<hbm>> -> memref<1x15x96xi32, #tpu.memory_space<hbm>>
      %dma_wait3A_143 = tpu.memref_squeeze %dma_wait3A_142 : memref<1x15x96xi32, #tpu.memory_space<hbm>> -> memref<15x96xi32, #tpu.memory_space<hbm>>
      %dma_wait3A_144 = arith.constant 0 : i32
      %dma_wait3A_145 = arith.constant 0 : i32
      %dma_wait3A_146 = tpu.memref_slice %arg8[%dma_wait3A_144, %dma_wait3A_145] : memref<30x96xi32, #tpu.memory_space<vmem>> -> memref<15x96xi32, #tpu.memory_space<vmem>>
      %dma_wait3A_147 = arith.constant 0 : i32
      %dma_wait3A_148 = arith.constant 0 : i32
      %dma_wait3A_149 = tpu.memref_slice %arg3[%arg1, %dma_wait3A_147, %dma_wait3A_148] : memref<16x105x96xi32, #tpu.memory_space<hbm>> -> memref<1x15x96xi32, #tpu.memory_space<hbm>>
      %dma_wait3A_150 = tpu.memref_squeeze %dma_wait3A_149 : memref<1x15x96xi32, #tpu.memory_space<hbm>> -> memref<15x96xi32, #tpu.memory_space<hbm>>
      tpu.wait_dma2 semaphore(%run_scoped3A : memref<!tpu.dma_semaphore, #tpu.memory_space<semaphore_mem>>) src(%dma_wait3A_150 : memref<15x96xi32, #tpu.memory_space<hbm>>) dst(%dma_wait3A_146 : memref<15x96xi32, #tpu.memory_space<vmem>>)
      tpu.yield
    }) : () -> ()
    %dma_start3A = arith.constant 15 : i32
    %dma_start3A_0 = arith.constant 0 : i32
    %dma_start3A_1 = tpu.memref_slice %arg7[%dma_start3A, %dma_start3A_0] : memref<30x96xi32, #tpu.memory_space<vmem>> -> memref<15x96xi32, #tpu.memory_space<vmem>>
    %dma_start3A_2 = arith.constant 15 : i32
    %dma_start3A_3 = arith.constant 0 : i32
    %dma_start3A_4 = tpu.memref_slice %arg2[%arg0, %arg1, %dma_start3A_2, %dma_start3A_3] : memref<2x16x105x96xi32, #tpu.memory_space<hbm>> -> memref<1x1x15x96xi32, #tpu.memory_space<hbm>>
    %dma_start3A_5 = tpu.memref_squeeze %dma_start3A_4 : memref<1x1x15x96xi32, #tpu.memory_space<hbm>> -> memref<15x96xi32, #tpu.memory_space<hbm>>
    %dma_start3A_6 = arith.constant 15 : i32
    %dma_start3A_7 = arith.constant 0 : i32
    %dma_start3A_8 = tpu.memref_slice %arg7[%dma_start3A_6, %dma_start3A_7] : memref<30x96xi32, #tpu.memory_space<vmem>> -> memref<15x96xi32, #tpu.memory_space<vmem>>
    %dma_start3A_9 = arith.constant 15 : i32
    %dma_start3A_10 = arith.constant 0 : i32
    %dma_start3A_11 = tpu.memref_slice %arg2[%arg0, %arg1, %dma_start3A_9, %dma_start3A_10] : memref<2x16x105x96xi32, #tpu.memory_space<hbm>> -> memref<1x1x15x96xi32, #tpu.memory_space<hbm>>
    %dma_start3A_12 = tpu.memref_squeeze %dma_start3A_11 : memref<1x1x15x96xi32, #tpu.memory_space<hbm>> -> memref<15x96xi32, #tpu.memory_space<hbm>>
    tpu.enqueue_dma source(%dma_start3A_12 : memref<15x96xi32, #tpu.memory_space<hbm>>) target(%dma_start3A_8 : memref<15x96xi32, #tpu.memory_space<vmem>>) target_semaphore(%arg13 : memref<!tpu.dma_semaphore, #tpu.memory_space<semaphore_mem>>)
    %dma_start3A_13 = arith.constant 15 : i32
    %dma_start3A_14 = arith.constant 0 : i32
    %dma_start3A_15 = tpu.memref_slice %arg8[%dma_start3A_13, %dma_start3A_14] : memref<30x96xi32, #tpu.memory_space<vmem>> -> memref<15x96xi32, #tpu.memory_space<vmem>>
    %dma_start3A_16 = arith.constant 15 : i32
    %dma_start3A_17 = arith.constant 0 : i32
    %dma_start3A_18 = tpu.memref_slice %arg3[%arg1, %dma_start3A_16, %dma_start3A_17] : memref<16x105x96xi32, #tpu.memory_space<hbm>> -> memref<1x15x96xi32, #tpu.memory_space<hbm>>
    %dma_start3A_19 = tpu.memref_squeeze %dma_start3A_18 : memref<1x15x96xi32, #tpu.memory_space<hbm>> -> memref<15x96xi32, #tpu.memory_space<hbm>>
    %dma_start3A_20 = arith.constant 15 : i32
    %dma_start3A_21 = arith.constant 0 : i32
    %dma_start3A_22 = tpu.memref_slice %arg8[%dma_start3A_20, %dma_start3A_21] : memref<30x96xi32, #tpu.memory_space<vmem>> -> memref<15x96xi32, #tpu.memory_space<vmem>>
    %dma_start3A_23 = arith.constant 15 : i32
    %dma_start3A_24 = arith.constant 0 : i32
    %dma_start3A_25 = tpu.memref_slice %arg3[%arg1, %dma_start3A_23, %dma_start3A_24] : memref<16x105x96xi32, #tpu.memory_space<hbm>> -> memref<1x15x96xi32, #tpu.memory_space<hbm>>
    %dma_start3A_26 = tpu.memref_squeeze %dma_start3A_25 : memref<1x15x96xi32, #tpu.memory_space<hbm>> -> memref<15x96xi32, #tpu.memory_space<hbm>>
    tpu.enqueue_dma source(%dma_start3A_26 : memref<15x96xi32, #tpu.memory_space<hbm>>) target(%dma_start3A_22 : memref<15x96xi32, #tpu.memory_space<vmem>>) target_semaphore(%arg13 : memref<!tpu.dma_semaphore, #tpu.memory_space<semaphore_mem>>)
    %dma_start3A_27 = arith.constant 0 : i32
    %dma_start3A_28 = arith.constant 0 : i32
    %dma_start3A_29 = arith.constant 0 : i32
    %dma_start3A_30 = arith.constant 0 : i32
    %dma_start3A_31 = arith.constant 0 : i32
    %dma_start3A_32 = tpu.memref_slice %arg9[%dma_start3A_28, %dma_start3A_30, %dma_start3A_31] : memref<3x96x128xf32, #tpu.memory_space<vmem>> -> memref<1x96x128xf32, #tpu.memory_space<vmem>>
    %dma_start3A_33 = tpu.memref_squeeze %dma_start3A_32 : memref<1x96x128xf32, #tpu.memory_space<vmem>> -> memref<96x128xf32, #tpu.memory_space<vmem>>
    %dma_start3A_34 = arith.constant 0 : i32
    %dma_start3A_35 = tpu.memref_slice %arg7[%dma_start3A_27, %dma_start3A_34] : memref<30x96xi32, #tpu.memory_space<vmem>> -> memref<1x96xi32, #tpu.memory_space<vmem>>
    %dma_start3A_36 = tpu.memref_squeeze %dma_start3A_35 : memref<1x96xi32, #tpu.memory_space<vmem>> -> memref<96xi32, #tpu.memory_space<vmem>>
    %dma_start3A_37 = arith.constant 0 : i32
    %dma_start3A_38 = arith.constant 0 : i32
    %dma_start3A_39 = tpu.memref_slice %arg4[%dma_start3A_37, %dma_start3A_38] : memref<20000x128xf32, #tpu.memory_space<hbm>> -> memref<20000x128xf32, #tpu.memory_space<hbm>>
    %dma_start3A_40 = tpu.memref_slice %arg11[%dma_start3A_29] : memref<3x!tpu.dma_semaphore, #tpu.memory_space<semaphore_mem>> -> memref<1x!tpu.dma_semaphore, #tpu.memory_space<semaphore_mem>>
    %dma_start3A_41 = tpu.memref_squeeze %dma_start3A_40 : memref<1x!tpu.dma_semaphore, #tpu.memory_space<semaphore_mem>> -> memref<!tpu.dma_semaphore, #tpu.memory_space<semaphore_mem>>
    tpu.enqueue_indirect_dma source(%dma_start3A_39 : memref<20000x128xf32, #tpu.memory_space<hbm>>) target(%dma_start3A_33 : memref<96x128xf32, #tpu.memory_space<vmem>>) offsets(%dma_start3A_36 : memref<96xi32, #tpu.memory_space<vmem>>) semaphore(%dma_start3A_41 : memref<!tpu.dma_semaphore, #tpu.memory_space<semaphore_mem>>)
    %dma_start3A_42 = arith.constant 1 : i32
    %dma_start3A_43 = arith.constant 1 : i32
    %dma_start3A_44 = arith.constant 1 : i32
    %dma_start3A_45 = arith.constant 0 : i32
    %dma_start3A_46 = arith.constant 0 : i32
    %dma_start3A_47 = tpu.memref_slice %arg9[%dma_start3A_43, %dma_start3A_45, %dma_start3A_46] : memref<3x96x128xf32, #tpu.memory_space<vmem>> -> memref<1x96x128xf32, #tpu.memory_space<vmem>>
    %dma_start3A_48 = tpu.memref_squeeze %dma_start3A_47 : memref<1x96x128xf32, #tpu.memory_space<vmem>> -> memref<96x128xf32, #tpu.memory_space<vmem>>
    %dma_start3A_49 = arith.constant 0 : i32
    %dma_start3A_50 = tpu.memref_slice %arg7[%dma_start3A_42, %dma_start3A_49] : memref<30x96xi32, #tpu.memory_space<vmem>> -> memref<1x96xi32, #tpu.memory_space<vmem>>
    %dma_start3A_51 = tpu.memref_squeeze %dma_start3A_50 : memref<1x96xi32, #tpu.memory_space<vmem>> -> memref<96xi32, #tpu.memory_space<vmem>>
    %dma_start3A_52 = arith.constant 0 : i32
    %dma_start3A_53 = arith.constant 0 : i32
    %dma_start3A_54 = tpu.memref_slice %arg4[%dma_start3A_52, %dma_start3A_53] : memref<20000x128xf32, #tpu.memory_space<hbm>> -> memref<20000x128xf32, #tpu.memory_space<hbm>>
    %dma_start3A_55 = tpu.memref_slice %arg11[%dma_start3A_44] : memref<3x!tpu.dma_semaphore, #tpu.memory_space<semaphore_mem>> -> memref<1x!tpu.dma_semaphore, #tpu.memory_space<semaphore_mem>>
    %dma_start3A_56 = tpu.memref_squeeze %dma_start3A_55 : memref<1x!tpu.dma_semaphore, #tpu.memory_space<semaphore_mem>> -> memref<!tpu.dma_semaphore, #tpu.memory_space<semaphore_mem>>
    tpu.enqueue_indirect_dma source(%dma_start3A_54 : memref<20000x128xf32, #tpu.memory_space<hbm>>) target(%dma_start3A_48 : memref<96x128xf32, #tpu.memory_space<vmem>>) offsets(%dma_start3A_51 : memref<96xi32, #tpu.memory_space<vmem>>) semaphore(%dma_start3A_56 : memref<!tpu.dma_semaphore, #tpu.memory_space<semaphore_mem>>)
    %mul3A = arith.constant 626 : i32
    %mul3A_57 = arith.muli %arg1, %mul3A : i32
    "tpu.region"() ({
      %run_scoped3A = tpu.sem_alloc : memref<!tpu.dma_semaphore, #tpu.memory_space<semaphore_mem>>
      %dma_start3A_123 = arith.constant 0 : i32
      %dma_start3A_124 = tpu.memref_slice %arg10[%mul3A_57, %dma_start3A_123] : memref<10016x128xf32, #tpu.memory_space<vmem_shared>> -> memref<626x128xf32, #tpu.memory_space<vmem_shared>>
      tpu.enqueue_dma source(%arg5 : memref<626x128xf32, #tpu.memory_space<hbm>>) target(%dma_start3A_124 : memref<626x128xf32, #tpu.memory_space<vmem_shared>>) target_semaphore(%run_scoped3A : memref<!tpu.dma_semaphore, #tpu.memory_space<semaphore_mem>>)
      %dma_wait3A_125 = arith.constant 0 : i32
      %dma_wait3A_126 = tpu.memref_slice %arg10[%mul3A_57, %dma_wait3A_125] : memref<10016x128xf32, #tpu.memory_space<vmem_shared>> -> memref<626x128xf32, #tpu.memory_space<vmem_shared>>
      tpu.wait_dma2 semaphore(%run_scoped3A : memref<!tpu.dma_semaphore, #tpu.memory_space<semaphore_mem>>) src(%arg5 : memref<626x128xf32, #tpu.memory_space<hbm>>) dst(%dma_wait3A_126 : memref<626x128xf32, #tpu.memory_space<vmem_shared>>)
      tpu.yield
    }) : () -> ()
    %barrier3A = arith.constant 0 : index
    tpu.barrier barrier_id(%barrier3A)
    %scan3A = arith.constant 0 : i32
    %scan3A_58 = arith.constant 0 : i32
    %scan3A_59 = arith.constant 105 : i32
    %scan3A_60 = arith.addi %scan3A_58, %scan3A_59 : i32
    %scan3A_61 = arith.constant 1 : i32
    scf.for %scan3A_123 = %scan3A_58 to %scan3A_60 step %scan3A_61  : i32 {
      %rem3A = arith.constant 3 : i32
      %rem3A_124 = arith.remsi %scan3A_123, %rem3A : i32
      %add3A = arith.constant 3 : i32
      %add3A_125 = arith.addi %scan3A_123, %add3A : i32
      %sub3A = arith.constant 1 : i32
      %sub3A_126 = arith.subi %add3A_125, %sub3A : i32
      %rem3A_127 = arith.constant 3 : i32
      %rem3A_128 = arith.remsi %sub3A_126, %rem3A_127 : i32
      %jit3A = arith.constant 15 : i32
      %div3A = arith.divsi %scan3A_123, %jit3A : i32
      %sign3A = arith.constant 0 : i32
      %sign3A_129 = arith.cmpi sgt, %scan3A_123, %sign3A : i32
      %sign3A_130 = arith.extui %sign3A_129 : i1 to i32
      %sign3A_131 = arith.constant 0 : i32
      %sign3A_132 = arith.cmpi slt, %scan3A_123, %sign3A_131 : i32
      %sign3A_133 = arith.extui %sign3A_132 : i1 to i32
      %sign3A_134 = arith.subi %sign3A_130, %sign3A_133 : i32
      %sign3A_135 = arith.constant 0 : i32
      %sign3A_136 = arith.cmpi sgt, %jit3A, %sign3A_135 : i32
      %sign3A_137 = arith.extui %sign3A_136 : i1 to i32
      %sign3A_138 = arith.constant 0 : i32
      %sign3A_139 = arith.cmpi slt, %jit3A, %sign3A_138 : i32
      %sign3A_140 = arith.extui %sign3A_139 : i1 to i32
      %sign3A_141 = arith.subi %sign3A_137, %sign3A_140 : i32
      %ne3A = arith.cmpi ne, %sign3A_134, %sign3A_141 : i32
      %rem3A_142 = arith.remsi %scan3A_123, %jit3A : i32
      %ne3A_143 = arith.constant 0 : i32
      %ne3A_144 = arith.cmpi ne, %rem3A_142, %ne3A_143 : i32
      %and3A = arith.andi %ne3A, %ne3A_144 : i1
      %sub3A_145 = arith.constant 1 : i32
      %sub3A_146 = arith.subi %div3A, %sub3A_145 : i32
      %select_n3A = arith.select %and3A, %sub3A_146, %div3A : i32
      %mul3A_147 = arith.constant 15 : i32
      %mul3A_148 = arith.muli %select_n3A, %mul3A_147 : i32
      %sub3A_149 = arith.subi %scan3A_123, %mul3A_148 : i32
      %rem3A_150 = arith.constant 2 : i32
      %rem3A_151 = arith.remsi %select_n3A, %rem3A_150 : i32
      %mul3A_152 = arith.constant 15 : i32
      %mul3A_153 = arith.muli %rem3A_151, %mul3A_152 : i32
      %add3A_154 = arith.addi %mul3A_153, %sub3A_149 : i32
      %eq3A_155 = arith.constant 12 : i32
      %eq3A_156 = arith.cmpi eq, %sub3A_149, %eq3A_155 : i32
      %add3A_157 = arith.constant 1 : i32
      %add3A_158 = arith.addi %select_n3A, %add3A_157 : i32
      %lt3A = arith.constant 7 : i32
      %lt3A_159 = arith.cmpi slt, %add3A_158, %lt3A : i32
      %and3A_160 = arith.andi %eq3A_156, %lt3A_159 : i1
      %convert_element_type3A_161 = arith.extui %and3A_160 : i1 to i32
      %cond3A_162 = arith.constant 0 : i32
      %cond3A_163 = arith.cmpi ne, %convert_element_type3A_161, %cond3A_162 : i32
      scf.if %cond3A_163 {
        %dma_wait3A_205 = arith.constant 0 : i32
        %dma_wait3A_206 = arith.constant 0 : i32
        %dma_wait3A_207 = tpu.memref_slice %arg7[%dma_wait3A_205, %dma_wait3A_206] : memref<30x96xi32, #tpu.memory_space<vmem>> -> memref<15x96xi32, #tpu.memory_space<vmem>>
        %dma_wait3A_208 = arith.constant 0 : i32
        %dma_wait3A_209 = arith.constant 0 : i32
        %dma_wait3A_210 = tpu.memref_slice %arg2[%arg0, %arg1, %dma_wait3A_208, %dma_wait3A_209] : memref<2x16x105x96xi32, #tpu.memory_space<hbm>> -> memref<1x1x15x96xi32, #tpu.memory_space<hbm>>
        %dma_wait3A_211 = tpu.memref_squeeze %dma_wait3A_210 : memref<1x1x15x96xi32, #tpu.memory_space<hbm>> -> memref<15x96xi32, #tpu.memory_space<hbm>>
        %dma_wait3A_212 = arith.constant 0 : i32
        %dma_wait3A_213 = arith.constant 0 : i32
        %dma_wait3A_214 = tpu.memref_slice %arg7[%dma_wait3A_212, %dma_wait3A_213] : memref<30x96xi32, #tpu.memory_space<vmem>> -> memref<15x96xi32, #tpu.memory_space<vmem>>
        %dma_wait3A_215 = arith.constant 0 : i32
        %dma_wait3A_216 = arith.constant 0 : i32
        %dma_wait3A_217 = tpu.memref_slice %arg2[%arg0, %arg1, %dma_wait3A_215, %dma_wait3A_216] : memref<2x16x105x96xi32, #tpu.memory_space<hbm>> -> memref<1x1x15x96xi32, #tpu.memory_space<hbm>>
        %dma_wait3A_218 = tpu.memref_squeeze %dma_wait3A_217 : memref<1x1x15x96xi32, #tpu.memory_space<hbm>> -> memref<15x96xi32, #tpu.memory_space<hbm>>
        tpu.wait_dma2 semaphore(%arg13 : memref<!tpu.dma_semaphore, #tpu.memory_space<semaphore_mem>>) src(%dma_wait3A_218 : memref<15x96xi32, #tpu.memory_space<hbm>>) dst(%dma_wait3A_214 : memref<15x96xi32, #tpu.memory_space<vmem>>)
        %dma_wait3A_219 = arith.constant 0 : i32
        %dma_wait3A_220 = arith.constant 0 : i32
        %dma_wait3A_221 = tpu.memref_slice %arg8[%dma_wait3A_219, %dma_wait3A_220] : memref<30x96xi32, #tpu.memory_space<vmem>> -> memref<15x96xi32, #tpu.memory_space<vmem>>
        %dma_wait3A_222 = arith.constant 0 : i32
        %dma_wait3A_223 = arith.constant 0 : i32
        %dma_wait3A_224 = tpu.memref_slice %arg3[%arg1, %dma_wait3A_222, %dma_wait3A_223] : memref<16x105x96xi32, #tpu.memory_space<hbm>> -> memref<1x15x96xi32, #tpu.memory_space<hbm>>
        %dma_wait3A_225 = tpu.memref_squeeze %dma_wait3A_224 : memref<1x15x96xi32, #tpu.memory_space<hbm>> -> memref<15x96xi32, #tpu.memory_space<hbm>>
        %dma_wait3A_226 = arith.constant 0 : i32
        %dma_wait3A_227 = arith.constant 0 : i32
        %dma_wait3A_228 = tpu.memref_slice %arg8[%dma_wait3A_226, %dma_wait3A_227] : memref<30x96xi32, #tpu.memory_space<vmem>> -> memref<15x96xi32, #tpu.memory_space<vmem>>
        %dma_wait3A_229 = arith.constant 0 : i32
        %dma_wait3A_230 = arith.constant 0 : i32
        %dma_wait3A_231 = tpu.memref_slice %arg3[%arg1, %dma_wait3A_229, %dma_wait3A_230] : memref<16x105x96xi32, #tpu.memory_space<hbm>> -> memref<1x15x96xi32, #tpu.memory_space<hbm>>
        %dma_wait3A_232 = tpu.memref_squeeze %dma_wait3A_231 : memref<1x15x96xi32, #tpu.memory_space<hbm>> -> memref<15x96xi32, #tpu.memory_space<hbm>>
        tpu.wait_dma2 semaphore(%arg13 : memref<!tpu.dma_semaphore, #tpu.memory_space<semaphore_mem>>) src(%dma_wait3A_232 : memref<15x96xi32, #tpu.memory_space<hbm>>) dst(%dma_wait3A_228 : memref<15x96xi32, #tpu.memory_space<vmem>>)
      } else {
      }
      %lt3A_164 = arith.constant 105 : i32
      %lt3A_165 = arith.cmpi slt, %sub3A_126, %lt3A_164 : i32
      %convert_element_type3A_166 = arith.extui %lt3A_165 : i1 to i32
      %cond3A_167 = arith.constant 0 : i32
      %cond3A_168 = arith.cmpi ne, %convert_element_type3A_166, %cond3A_167 : i32
      scf.if %cond3A_168 {
        %jit3A_205 = arith.constant 15 : i32
        %div3A_206 = arith.divsi %sub3A_126, %jit3A_205 : i32
        %sign3A_207 = arith.constant 0 : i32
        %sign3A_208 = arith.cmpi sgt, %sub3A_126, %sign3A_207 : i32
        %sign3A_209 = arith.extui %sign3A_208 : i1 to i32
        %sign3A_210 = arith.constant 0 : i32
        %sign3A_211 = arith.cmpi slt, %sub3A_126, %sign3A_210 : i32
        %sign3A_212 = arith.extui %sign3A_211 : i1 to i32
        %sign3A_213 = arith.subi %sign3A_209, %sign3A_212 : i32
        %sign3A_214 = arith.constant 0 : i32
        %sign3A_215 = arith.cmpi sgt, %jit3A_205, %sign3A_214 : i32
        %sign3A_216 = arith.extui %sign3A_215 : i1 to i32
        %sign3A_217 = arith.constant 0 : i32
        %sign3A_218 = arith.cmpi slt, %jit3A_205, %sign3A_217 : i32
        %sign3A_219 = arith.extui %sign3A_218 : i1 to i32
        %sign3A_220 = arith.subi %sign3A_216, %sign3A_219 : i32
        %ne3A_221 = arith.cmpi ne, %sign3A_213, %sign3A_220 : i32
        %rem3A_222 = arith.remsi %sub3A_126, %jit3A_205 : i32
        %ne3A_223 = arith.constant 0 : i32
        %ne3A_224 = arith.cmpi ne, %rem3A_222, %ne3A_223 : i32
        %and3A_225 = arith.andi %ne3A_221, %ne3A_224 : i1
        %sub3A_226 = arith.constant 1 : i32
        %sub3A_227 = arith.subi %div3A_206, %sub3A_226 : i32
        %select_n3A_228 = arith.select %and3A_225, %sub3A_227, %div3A_206 : i32
        %rem3A_229 = arith.constant 2 : i32
        %rem3A_230 = arith.remsi %select_n3A_228, %rem3A_229 : i32
        %mul3A_231 = arith.constant 15 : i32
        %mul3A_232 = arith.muli %rem3A_230, %mul3A_231 : i32
        %mul3A_233 = arith.constant 15 : i32
        %mul3A_234 = arith.muli %select_n3A_228, %mul3A_233 : i32
        %sub3A_235 = arith.subi %sub3A_126, %mul3A_234 : i32
        %add3A_236 = arith.addi %mul3A_232, %sub3A_235 : i32
        %ge3A_237 = arith.constant 1 : i32
        %ge3A_238 = arith.cmpi sge, %scan3A_123, %ge3A_237 : i32
        %convert_element_type3A_239 = arith.extui %ge3A_238 : i1 to i32
        %cond3A_240 = arith.constant 0 : i32
        %cond3A_241 = arith.cmpi ne, %convert_element_type3A_239, %cond3A_240 : i32
        scf.if %cond3A_241 {
          %dma_wait3A_254 = arith.constant 0 : i32
          %dma_wait3A_255 = arith.constant 0 : i32
          %dma_wait3A_256 = tpu.memref_slice %arg9[%rem3A_128, %dma_wait3A_254, %dma_wait3A_255] : memref<3x96x128xf32, #tpu.memory_space<vmem>> -> memref<1x96x128xf32, #tpu.memory_space<vmem>>
          %dma_wait3A_257 = tpu.memref_squeeze %dma_wait3A_256 : memref<1x96x128xf32, #tpu.memory_space<vmem>> -> memref<96x128xf32, #tpu.memory_space<vmem>>
          %dma_wait3A_258 = arith.constant 0 : i32
          %dma_wait3A_259 = arith.constant 0 : i32
          %dma_wait3A_260 = tpu.memref_slice %arg10[%dma_wait3A_258, %dma_wait3A_259] : memref<10016x128xf32, #tpu.memory_space<vmem_shared>> -> memref<96x128xf32, #tpu.memory_space<vmem_shared>>
          %dma_wait3A_261 = tpu.memref_slice %arg12[%rem3A_128] : memref<3x!tpu.dma_semaphore, #tpu.memory_space<semaphore_mem>> -> memref<1x!tpu.dma_semaphore, #tpu.memory_space<semaphore_mem>>
          %dma_wait3A_262 = tpu.memref_squeeze %dma_wait3A_261 : memref<1x!tpu.dma_semaphore, #tpu.memory_space<semaphore_mem>> -> memref<!tpu.dma_semaphore, #tpu.memory_space<semaphore_mem>>
          %dma_wait3A_263 = arith.constant 0 : i32
          %dma_wait3A_264 = arith.constant 0 : i32
          %dma_wait3A_265 = tpu.memref_slice %arg10[%dma_wait3A_263, %dma_wait3A_264] : memref<10016x128xf32, #tpu.memory_space<vmem_shared>> -> memref<96x128xf32, #tpu.memory_space<vmem_shared>>
          %dma_wait3A_266 = arith.constant 0 : i32
          %dma_wait3A_267 = arith.constant 0 : i32
          %dma_wait3A_268 = tpu.memref_slice %arg9[%rem3A_128, %dma_wait3A_266, %dma_wait3A_267] : memref<3x96x128xf32, #tpu.memory_space<vmem>> -> memref<1x96x128xf32, #tpu.memory_space<vmem>>
          %dma_wait3A_269 = tpu.memref_squeeze %dma_wait3A_268 : memref<1x96x128xf32, #tpu.memory_space<vmem>> -> memref<96x128xf32, #tpu.memory_space<vmem>>
          tpu.wait_dma2 semaphore(%dma_wait3A_262 : memref<!tpu.dma_semaphore, #tpu.memory_space<semaphore_mem>>) src(%dma_wait3A_269 : memref<96x128xf32, #tpu.memory_space<vmem>>) dst(%dma_wait3A_265 : memref<96x128xf32, #tpu.memory_space<vmem_shared>>)
        } else {
        }
        %dma_start3A_242 = arith.constant 0 : i32
        %dma_start3A_243 = arith.constant 0 : i32
        %dma_start3A_244 = tpu.memref_slice %arg9[%rem3A_128, %dma_start3A_242, %dma_start3A_243] : memref<3x96x128xf32, #tpu.memory_space<vmem>> -> memref<1x96x128xf32, #tpu.memory_space<vmem>>
        %dma_start3A_245 = tpu.memref_squeeze %dma_start3A_244 : memref<1x96x128xf32, #tpu.memory_space<vmem>> -> memref<96x128xf32, #tpu.memory_space<vmem>>
        %dma_start3A_246 = arith.constant 0 : i32
        %dma_start3A_247 = tpu.memref_slice %arg7[%add3A_236, %dma_start3A_246] : memref<30x96xi32, #tpu.memory_space<vmem>> -> memref<1x96xi32, #tpu.memory_space<vmem>>
        %dma_start3A_248 = tpu.memref_squeeze %dma_start3A_247 : memref<1x96xi32, #tpu.memory_space<vmem>> -> memref<96xi32, #tpu.memory_space<vmem>>
        %dma_start3A_249 = arith.constant 0 : i32
        %dma_start3A_250 = arith.constant 0 : i32
        %dma_start3A_251 = tpu.memref_slice %arg4[%dma_start3A_249, %dma_start3A_250] : memref<20000x128xf32, #tpu.memory_space<hbm>> -> memref<20000x128xf32, #tpu.memory_space<hbm>>
        %dma_start3A_252 = tpu.memref_slice %arg11[%rem3A_128] : memref<3x!tpu.dma_semaphore, #tpu.memory_space<semaphore_mem>> -> memref<1x!tpu.dma_semaphore, #tpu.memory_space<semaphore_mem>>
        %dma_start3A_253 = tpu.memref_squeeze %dma_start3A_252 : memref<1x!tpu.dma_semaphore, #tpu.memory_space<semaphore_mem>> -> memref<!tpu.dma_semaphore, #tpu.memory_space<semaphore_mem>>
        tpu.enqueue_indirect_dma source(%dma_start3A_251 : memref<20000x128xf32, #tpu.memory_space<hbm>>) target(%dma_start3A_245 : memref<96x128xf32, #tpu.memory_space<vmem>>) offsets(%dma_start3A_248 : memref<96xi32, #tpu.memory_space<vmem>>) semaphore(%dma_start3A_253 : memref<!tpu.dma_semaphore, #tpu.memory_space<semaphore_mem>>)
      } else {
      }
      %dma_wait3A_169 = arith.constant 0 : i32
      %dma_wait3A_170 = arith.constant 0 : i32
      %dma_wait3A_171 = tpu.memref_slice %arg9[%rem3A_124, %dma_wait3A_169, %dma_wait3A_170] : memref<3x96x128xf32, #tpu.memory_space<vmem>> -> memref<1x96x128xf32, #tpu.memory_space<vmem>>
      %dma_wait3A_172 = tpu.memref_squeeze %dma_wait3A_171 : memref<1x96x128xf32, #tpu.memory_space<vmem>> -> memref<96x128xf32, #tpu.memory_space<vmem>>
      %dma_wait3A_173 = arith.constant 0 : i32
      %dma_wait3A_174 = tpu.memref_slice %arg7[%add3A_154, %dma_wait3A_173] : memref<30x96xi32, #tpu.memory_space<vmem>> -> memref<1x96xi32, #tpu.memory_space<vmem>>
      %dma_wait3A_175 = tpu.memref_squeeze %dma_wait3A_174 : memref<1x96xi32, #tpu.memory_space<vmem>> -> memref<96xi32, #tpu.memory_space<vmem>>
      %dma_wait3A_176 = arith.constant 0 : i32
      %dma_wait3A_177 = arith.constant 0 : i32
      %dma_wait3A_178 = tpu.memref_slice %arg4[%dma_wait3A_176, %dma_wait3A_177] : memref<20000x128xf32, #tpu.memory_space<hbm>> -> memref<20000x128xf32, #tpu.memory_space<hbm>>
      %dma_wait3A_179 = tpu.memref_slice %arg11[%rem3A_124] : memref<3x!tpu.dma_semaphore, #tpu.memory_space<semaphore_mem>> -> memref<1x!tpu.dma_semaphore, #tpu.memory_space<semaphore_mem>>
      %dma_wait3A_180 = tpu.memref_squeeze %dma_wait3A_179 : memref<1x!tpu.dma_semaphore, #tpu.memory_space<semaphore_mem>> -> memref<!tpu.dma_semaphore, #tpu.memory_space<semaphore_mem>>
      tpu.wait_indirect_dma semaphore(%dma_wait3A_180 : memref<!tpu.dma_semaphore, #tpu.memory_space<semaphore_mem>>) src(%dma_wait3A_178 : memref<20000x128xf32, #tpu.memory_space<hbm>>) dst(%dma_wait3A_172 : memref<96x128xf32, #tpu.memory_space<vmem>>)
      %dma_start3A_181 = arith.constant 0 : i32
      %dma_start3A_182 = arith.constant 0 : i32
      %dma_start3A_183 = tpu.memref_slice %arg9[%rem3A_124, %dma_start3A_181, %dma_start3A_182] : memref<3x96x128xf32, #tpu.memory_space<vmem>> -> memref<1x96x128xf32, #tpu.memory_space<vmem>>
      %dma_start3A_184 = tpu.memref_squeeze %dma_start3A_183 : memref<1x96x128xf32, #tpu.memory_space<vmem>> -> memref<96x128xf32, #tpu.memory_space<vmem>>
      %dma_start3A_185 = arith.constant 0 : i32
      %dma_start3A_186 = tpu.memref_slice %arg8[%add3A_154, %dma_start3A_185] : memref<30x96xi32, #tpu.memory_space<vmem>> -> memref<1x96xi32, #tpu.memory_space<vmem>>
      %dma_start3A_187 = tpu.memref_squeeze %dma_start3A_186 : memref<1x96xi32, #tpu.memory_space<vmem>> -> memref<96xi32, #tpu.memory_space<vmem>>
      %dma_start3A_188 = arith.constant 0 : i32
      %dma_start3A_189 = arith.constant 0 : i32
      %dma_start3A_190 = tpu.memref_slice %arg10[%dma_start3A_188, %dma_start3A_189] : memref<10016x128xf32, #tpu.memory_space<vmem_shared>> -> memref<10016x128xf32, #tpu.memory_space<vmem_shared>>
      %dma_start3A_191 = tpu.memref_slice %arg12[%rem3A_124] : memref<3x!tpu.dma_semaphore, #tpu.memory_space<semaphore_mem>> -> memref<1x!tpu.dma_semaphore, #tpu.memory_space<semaphore_mem>>
      %dma_start3A_192 = tpu.memref_squeeze %dma_start3A_191 : memref<1x!tpu.dma_semaphore, #tpu.memory_space<semaphore_mem>> -> memref<!tpu.dma_semaphore, #tpu.memory_space<semaphore_mem>>
      tpu.enqueue_indirect_dma source(%dma_start3A_184 : memref<96x128xf32, #tpu.memory_space<vmem>>) target(%dma_start3A_190 : memref<10016x128xf32, #tpu.memory_space<vmem_shared>>) offsets(%dma_start3A_187 : memref<96xi32, #tpu.memory_space<vmem>>) semaphore(%dma_start3A_192 : memref<!tpu.dma_semaphore, #tpu.memory_space<semaphore_mem>>) {add = true}
      %eq3A_193 = arith.constant 0 : i32
      %eq3A_194 = arith.cmpi eq, %sub3A_149, %eq3A_193 : i32
      %ge3A = arith.constant 1 : i32
      %ge3A_195 = arith.cmpi sge, %select_n3A, %ge3A : i32
      %add3A_196 = arith.constant 1 : i32
      %add3A_197 = arith.addi %select_n3A, %add3A_196 : i32
      %lt3A_198 = arith.constant 7 : i32
      %lt3A_199 = arith.cmpi slt, %add3A_197, %lt3A_198 : i32
      %and3A_200 = arith.andi %ge3A_195, %lt3A_199 : i1
      %and3A_201 = arith.andi %eq3A_194, %and3A_200 : i1
      %convert_element_type3A_202 = arith.extui %and3A_201 : i1 to i32
      %cond3A_203 = arith.constant 0 : i32
      %cond3A_204 = arith.cmpi ne, %convert_element_type3A_202, %cond3A_203 : i32
      scf.if %cond3A_204 {
        %add3A_205 = arith.constant 1 : i32
        %add3A_206 = arith.addi %select_n3A, %add3A_205 : i32
        %rem3A_207 = arith.constant 2 : i32
        %rem3A_208 = arith.remsi %add3A_206, %rem3A_207 : i32
        %mul3A_209 = arith.constant 15 : i32
        %mul3A_210 = arith.muli %rem3A_208, %mul3A_209 : i32
        %add3A_211 = arith.constant 1 : i32
        %add3A_212 = arith.addi %select_n3A, %add3A_211 : i32
        %mul3A_213 = arith.constant 15 : i32
        %mul3A_214 = arith.muli %add3A_212, %mul3A_213 : i32
        %dma_start3A_215 = arith.constant 0 : i32
        %dma_start3A_216 = tpu.memref_slice %arg7[%mul3A_210, %dma_start3A_215] : memref<30x96xi32, #tpu.memory_space<vmem>> -> memref<15x96xi32, #tpu.memory_space<vmem>>
        %dma_start3A_217 = arith.constant 0 : i32
        %dma_start3A_218 = tpu.memref_slice %arg2[%arg0, %arg1, %mul3A_214, %dma_start3A_217] : memref<2x16x105x96xi32, #tpu.memory_space<hbm>> -> memref<1x1x15x96xi32, #tpu.memory_space<hbm>>
        %dma_start3A_219 = tpu.memref_squeeze %dma_start3A_218 : memref<1x1x15x96xi32, #tpu.memory_space<hbm>> -> memref<15x96xi32, #tpu.memory_space<hbm>>
        %dma_start3A_220 = arith.constant 0 : i32
        %dma_start3A_221 = tpu.memref_slice %arg7[%mul3A_210, %dma_start3A_220] : memref<30x96xi32, #tpu.memory_space<vmem>> -> memref<15x96xi32, #tpu.memory_space<vmem>>
        %dma_start3A_222 = arith.constant 0 : i32
        %dma_start3A_223 = tpu.memref_slice %arg2[%arg0, %arg1, %mul3A_214, %dma_start3A_222] : memref<2x16x105x96xi32, #tpu.memory_space<hbm>> -> memref<1x1x15x96xi32, #tpu.memory_space<hbm>>
        %dma_start3A_224 = tpu.memref_squeeze %dma_start3A_223 : memref<1x1x15x96xi32, #tpu.memory_space<hbm>> -> memref<15x96xi32, #tpu.memory_space<hbm>>
        tpu.enqueue_dma source(%dma_start3A_224 : memref<15x96xi32, #tpu.memory_space<hbm>>) target(%dma_start3A_221 : memref<15x96xi32, #tpu.memory_space<vmem>>) target_semaphore(%arg13 : memref<!tpu.dma_semaphore, #tpu.memory_space<semaphore_mem>>)
        %add3A_225 = arith.constant 1 : i32
        %add3A_226 = arith.addi %select_n3A, %add3A_225 : i32
        %mul3A_227 = arith.constant 15 : i32
        %mul3A_228 = arith.muli %add3A_226, %mul3A_227 : i32
        %dma_start3A_229 = arith.constant 0 : i32
        %dma_start3A_230 = tpu.memref_slice %arg8[%mul3A_210, %dma_start3A_229] : memref<30x96xi32, #tpu.memory_space<vmem>> -> memref<15x96xi32, #tpu.memory_space<vmem>>
        %dma_start3A_231 = arith.constant 0 : i32
        %dma_start3A_232 = tpu.memref_slice %arg3[%arg1, %mul3A_228, %dma_start3A_231] : memref<16x105x96xi32, #tpu.memory_space<hbm>> -> memref<1x15x96xi32, #tpu.memory_space<hbm>>
        %dma_start3A_233 = tpu.memref_squeeze %dma_start3A_232 : memref<1x15x96xi32, #tpu.memory_space<hbm>> -> memref<15x96xi32, #tpu.memory_space<hbm>>
        %dma_start3A_234 = arith.constant 0 : i32
        %dma_start3A_235 = tpu.memref_slice %arg8[%mul3A_210, %dma_start3A_234] : memref<30x96xi32, #tpu.memory_space<vmem>> -> memref<15x96xi32, #tpu.memory_space<vmem>>
        %dma_start3A_236 = arith.constant 0 : i32
        %dma_start3A_237 = tpu.memref_slice %arg3[%arg1, %mul3A_228, %dma_start3A_236] : memref<16x105x96xi32, #tpu.memory_space<hbm>> -> memref<1x15x96xi32, #tpu.memory_space<hbm>>
        %dma_start3A_238 = tpu.memref_squeeze %dma_start3A_237 : memref<1x15x96xi32, #tpu.memory_space<hbm>> -> memref<15x96xi32, #tpu.memory_space<hbm>>
        tpu.enqueue_dma source(%dma_start3A_238 : memref<15x96xi32, #tpu.memory_space<hbm>>) target(%dma_start3A_235 : memref<15x96xi32, #tpu.memory_space<vmem>>) target_semaphore(%arg13 : memref<!tpu.dma_semaphore, #tpu.memory_space<semaphore_mem>>)
      } else {
      }
    }
    %scan3A_62 = arith.constant 105 : i32
    %dma_wait3A = arith.constant 0 : i32
    %dma_wait3A_63 = arith.constant 0 : i32
    %dma_wait3A_64 = arith.constant 0 : i32
    %dma_wait3A_65 = arith.constant 0 : i32
    %dma_wait3A_66 = tpu.memref_slice %arg9[%dma_wait3A, %dma_wait3A_64, %dma_wait3A_65] : memref<3x96x128xf32, #tpu.memory_space<vmem>> -> memref<1x96x128xf32, #tpu.memory_space<vmem>>
    %dma_wait3A_67 = tpu.memref_squeeze %dma_wait3A_66 : memref<1x96x128xf32, #tpu.memory_space<vmem>> -> memref<96x128xf32, #tpu.memory_space<vmem>>
    %dma_wait3A_68 = arith.constant 0 : i32
    %dma_wait3A_69 = arith.constant 0 : i32
    %dma_wait3A_70 = tpu.memref_slice %arg10[%dma_wait3A_68, %dma_wait3A_69] : memref<10016x128xf32, #tpu.memory_space<vmem_shared>> -> memref<96x128xf32, #tpu.memory_space<vmem_shared>>
    %dma_wait3A_71 = tpu.memref_slice %arg12[%dma_wait3A_63] : memref<3x!tpu.dma_semaphore, #tpu.memory_space<semaphore_mem>> -> memref<1x!tpu.dma_semaphore, #tpu.memory_space<semaphore_mem>>
    %dma_wait3A_72 = tpu.memref_squeeze %dma_wait3A_71 : memref<1x!tpu.dma_semaphore, #tpu.memory_space<semaphore_mem>> -> memref<!tpu.dma_semaphore, #tpu.memory_space<semaphore_mem>>
    %dma_wait3A_73 = arith.constant 0 : i32
    %dma_wait3A_74 = arith.constant 0 : i32
    %dma_wait3A_75 = tpu.memref_slice %arg10[%dma_wait3A_73, %dma_wait3A_74] : memref<10016x128xf32, #tpu.memory_space<vmem_shared>> -> memref<96x128xf32, #tpu.memory_space<vmem_shared>>
    %dma_wait3A_76 = arith.constant 0 : i32
    %dma_wait3A_77 = arith.constant 0 : i32
    %dma_wait3A_78 = tpu.memref_slice %arg9[%dma_wait3A, %dma_wait3A_76, %dma_wait3A_77] : memref<3x96x128xf32, #tpu.memory_space<vmem>> -> memref<1x96x128xf32, #tpu.memory_space<vmem>>
    %dma_wait3A_79 = tpu.memref_squeeze %dma_wait3A_78 : memref<1x96x128xf32, #tpu.memory_space<vmem>> -> memref<96x128xf32, #tpu.memory_space<vmem>>
    tpu.wait_dma2 semaphore(%dma_wait3A_72 : memref<!tpu.dma_semaphore, #tpu.memory_space<semaphore_mem>>) src(%dma_wait3A_79 : memref<96x128xf32, #tpu.memory_space<vmem>>) dst(%dma_wait3A_75 : memref<96x128xf32, #tpu.memory_space<vmem_shared>>)
    %dma_wait3A_80 = arith.constant 1 : i32
    %dma_wait3A_81 = arith.constant 1 : i32
    %dma_wait3A_82 = arith.constant 0 : i32
    %dma_wait3A_83 = arith.constant 0 : i32
    %dma_wait3A_84 = tpu.memref_slice %arg9[%dma_wait3A_80, %dma_wait3A_82, %dma_wait3A_83] : memref<3x96x128xf32, #tpu.memory_space<vmem>> -> memref<1x96x128xf32, #tpu.memory_space<vmem>>
    %dma_wait3A_85 = tpu.memref_squeeze %dma_wait3A_84 : memref<1x96x128xf32, #tpu.memory_space<vmem>> -> memref<96x128xf32, #tpu.memory_space<vmem>>
    %dma_wait3A_86 = arith.constant 0 : i32
    %dma_wait3A_87 = arith.constant 0 : i32
    %dma_wait3A_88 = tpu.memref_slice %arg10[%dma_wait3A_86, %dma_wait3A_87] : memref<10016x128xf32, #tpu.memory_space<vmem_shared>> -> memref<96x128xf32, #tpu.memory_space<vmem_shared>>
    %dma_wait3A_89 = tpu.memref_slice %arg12[%dma_wait3A_81] : memref<3x!tpu.dma_semaphore, #tpu.memory_space<semaphore_mem>> -> memref<1x!tpu.dma_semaphore, #tpu.memory_space<semaphore_mem>>
    %dma_wait3A_90 = tpu.memref_squeeze %dma_wait3A_89 : memref<1x!tpu.dma_semaphore, #tpu.memory_space<semaphore_mem>> -> memref<!tpu.dma_semaphore, #tpu.memory_space<semaphore_mem>>
    %dma_wait3A_91 = arith.constant 0 : i32
    %dma_wait3A_92 = arith.constant 0 : i32
    %dma_wait3A_93 = tpu.memref_slice %arg10[%dma_wait3A_91, %dma_wait3A_92] : memref<10016x128xf32, #tpu.memory_space<vmem_shared>> -> memref<96x128xf32, #tpu.memory_space<vmem_shared>>
    %dma_wait3A_94 = arith.constant 0 : i32
    %dma_wait3A_95 = arith.constant 0 : i32
    %dma_wait3A_96 = tpu.memref_slice %arg9[%dma_wait3A_80, %dma_wait3A_94, %dma_wait3A_95] : memref<3x96x128xf32, #tpu.memory_space<vmem>> -> memref<1x96x128xf32, #tpu.memory_space<vmem>>
    %dma_wait3A_97 = tpu.memref_squeeze %dma_wait3A_96 : memref<1x96x128xf32, #tpu.memory_space<vmem>> -> memref<96x128xf32, #tpu.memory_space<vmem>>
    tpu.wait_dma2 semaphore(%dma_wait3A_90 : memref<!tpu.dma_semaphore, #tpu.memory_space<semaphore_mem>>) src(%dma_wait3A_97 : memref<96x128xf32, #tpu.memory_space<vmem>>) dst(%dma_wait3A_93 : memref<96x128xf32, #tpu.memory_space<vmem_shared>>)
    %dma_wait3A_98 = arith.constant 2 : i32
    %dma_wait3A_99 = arith.constant 2 : i32
    %dma_wait3A_100 = arith.constant 0 : i32
    %dma_wait3A_101 = arith.constant 0 : i32
    %dma_wait3A_102 = tpu.memref_slice %arg9[%dma_wait3A_98, %dma_wait3A_100, %dma_wait3A_101] : memref<3x96x128xf32, #tpu.memory_space<vmem>> -> memref<1x96x128xf32, #tpu.memory_space<vmem>>
    %dma_wait3A_103 = tpu.memref_squeeze %dma_wait3A_102 : memref<1x96x128xf32, #tpu.memory_space<vmem>> -> memref<96x128xf32, #tpu.memory_space<vmem>>
    %dma_wait3A_104 = arith.constant 0 : i32
    %dma_wait3A_105 = arith.constant 0 : i32
    %dma_wait3A_106 = tpu.memref_slice %arg10[%dma_wait3A_104, %dma_wait3A_105] : memref<10016x128xf32, #tpu.memory_space<vmem_shared>> -> memref<96x128xf32, #tpu.memory_space<vmem_shared>>
    %dma_wait3A_107 = tpu.memref_slice %arg12[%dma_wait3A_99] : memref<3x!tpu.dma_semaphore, #tpu.memory_space<semaphore_mem>> -> memref<1x!tpu.dma_semaphore, #tpu.memory_space<semaphore_mem>>
    %dma_wait3A_108 = tpu.memref_squeeze %dma_wait3A_107 : memref<1x!tpu.dma_semaphore, #tpu.memory_space<semaphore_mem>> -> memref<!tpu.dma_semaphore, #tpu.memory_space<semaphore_mem>>
    %dma_wait3A_109 = arith.constant 0 : i32
    %dma_wait3A_110 = arith.constant 0 : i32
    %dma_wait3A_111 = tpu.memref_slice %arg10[%dma_wait3A_109, %dma_wait3A_110] : memref<10016x128xf32, #tpu.memory_space<vmem_shared>> -> memref<96x128xf32, #tpu.memory_space<vmem_shared>>
    %dma_wait3A_112 = arith.constant 0 : i32
    %dma_wait3A_113 = arith.constant 0 : i32
    %dma_wait3A_114 = tpu.memref_slice %arg9[%dma_wait3A_98, %dma_wait3A_112, %dma_wait3A_113] : memref<3x96x128xf32, #tpu.memory_space<vmem>> -> memref<1x96x128xf32, #tpu.memory_space<vmem>>
    %dma_wait3A_115 = tpu.memref_squeeze %dma_wait3A_114 : memref<1x96x128xf32, #tpu.memory_space<vmem>> -> memref<96x128xf32, #tpu.memory_space<vmem>>
    tpu.wait_dma2 semaphore(%dma_wait3A_108 : memref<!tpu.dma_semaphore, #tpu.memory_space<semaphore_mem>>) src(%dma_wait3A_115 : memref<96x128xf32, #tpu.memory_space<vmem>>) dst(%dma_wait3A_111 : memref<96x128xf32, #tpu.memory_space<vmem_shared>>)
    %barrier3A_116 = arith.constant 0 : index
    tpu.barrier barrier_id(%barrier3A_116)
    %mul3A_117 = arith.constant 624 : i32
    %mul3A_118 = arith.muli %arg1, %mul3A_117 : i32
    %mul3A_119 = arith.constant 624 : i32
    %mul3A_120 = arith.muli %arg1, %mul3A_119 : i32
    "tpu.region"() ({
      %run_scoped3A = tpu.sem_alloc : memref<!tpu.dma_semaphore, #tpu.memory_space<semaphore_mem>>
      %dma_start3A_123 = arith.constant 0 : i32
      %dma_start3A_124 = tpu.memref_slice %arg6[%arg0, %mul3A_120, %dma_start3A_123] : memref<2x10000x128xf32, #tpu.memory_space<hbm>> -> memref<1x624x128xf32, #tpu.memory_space<hbm>>
      %dma_start3A_125 = tpu.memref_squeeze %dma_start3A_124 : memref<1x624x128xf32, #tpu.memory_space<hbm>> -> memref<624x128xf32, #tpu.memory_space<hbm>>
      %dma_start3A_126 = arith.constant 0 : i32
      %dma_start3A_127 = tpu.memref_slice %arg10[%mul3A_118, %dma_start3A_126] : memref<10016x128xf32, #tpu.memory_space<vmem_shared>> -> memref<624x128xf32, #tpu.memory_space<vmem_shared>>
      tpu.enqueue_dma source(%dma_start3A_127 : memref<624x128xf32, #tpu.memory_space<vmem_shared>>) target(%dma_start3A_125 : memref<624x128xf32, #tpu.memory_space<hbm>>) target_semaphore(%run_scoped3A : memref<!tpu.dma_semaphore, #tpu.memory_space<semaphore_mem>>)
      %dma_wait3A_128 = arith.constant 0 : i32
      %dma_wait3A_129 = tpu.memref_slice %arg6[%arg0, %mul3A_120, %dma_wait3A_128] : memref<2x10000x128xf32, #tpu.memory_space<hbm>> -> memref<1x624x128xf32, #tpu.memory_space<hbm>>
      %dma_wait3A_130 = tpu.memref_squeeze %dma_wait3A_129 : memref<1x624x128xf32, #tpu.memory_space<hbm>> -> memref<624x128xf32, #tpu.memory_space<hbm>>
      %dma_wait3A_131 = arith.constant 0 : i32
      %dma_wait3A_132 = tpu.memref_slice %arg10[%mul3A_118, %dma_wait3A_131] : memref<10016x128xf32, #tpu.memory_space<vmem_shared>> -> memref<624x128xf32, #tpu.memory_space<vmem_shared>>
      tpu.wait_dma2 semaphore(%run_scoped3A : memref<!tpu.dma_semaphore, #tpu.memory_space<semaphore_mem>>) src(%dma_wait3A_132 : memref<624x128xf32, #tpu.memory_space<vmem_shared>>) dst(%dma_wait3A_130 : memref<624x128xf32, #tpu.memory_space<hbm>>)
      tpu.yield
    }) : () -> ()
    %eq3A = arith.constant 0 : i32
    %eq3A_121 = arith.cmpi eq, %arg1, %eq3A : i32
    %convert_element_type3A = arith.extui %eq3A_121 : i1 to i32
    %cond3A = arith.constant 0 : i32
    %cond3A_122 = arith.cmpi ne, %convert_element_type3A, %cond3A : i32
    scf.if %cond3A_122 {
      "tpu.region"() ({
        %run_scoped3A = tpu.sem_alloc : memref<!tpu.dma_semaphore, #tpu.memory_space<semaphore_mem>>
        %dma_start3A_123 = arith.constant 9984 : i32
        %dma_start3A_124 = arith.constant 0 : i32
        %dma_start3A_125 = tpu.memref_slice %arg6[%arg0, %dma_start3A_123, %dma_start3A_124] : memref<2x10000x128xf32, #tpu.memory_space<hbm>> -> memref<1x16x128xf32, #tpu.memory_space<hbm>>
        %dma_start3A_126 = tpu.memref_squeeze %dma_start3A_125 : memref<1x16x128xf32, #tpu.memory_space<hbm>> -> memref<16x128xf32, #tpu.memory_space<hbm>>
        %dma_start3A_127 = arith.constant 9984 : i32
        %dma_start3A_128 = arith.constant 0 : i32
        %dma_start3A_129 = tpu.memref_slice %arg10[%dma_start3A_127, %dma_start3A_128] : memref<10016x128xf32, #tpu.memory_space<vmem_shared>> -> memref<16x128xf32, #tpu.memory_space<vmem_shared>>
        tpu.enqueue_dma source(%dma_start3A_129 : memref<16x128xf32, #tpu.memory_space<vmem_shared>>) target(%dma_start3A_126 : memref<16x128xf32, #tpu.memory_space<hbm>>) target_semaphore(%run_scoped3A : memref<!tpu.dma_semaphore, #tpu.memory_space<semaphore_mem>>)
        %dma_wait3A_130 = arith.constant 9984 : i32
        %dma_wait3A_131 = arith.constant 0 : i32
        %dma_wait3A_132 = tpu.memref_slice %arg6[%arg0, %dma_wait3A_130, %dma_wait3A_131] : memref<2x10000x128xf32, #tpu.memory_space<hbm>> -> memref<1x16x128xf32, #tpu.memory_space<hbm>>
        %dma_wait3A_133 = tpu.memref_squeeze %dma_wait3A_132 : memref<1x16x128xf32, #tpu.memory_space<hbm>> -> memref<16x128xf32, #tpu.memory_space<hbm>>
        %dma_wait3A_134 = arith.constant 9984 : i32
        %dma_wait3A_135 = arith.constant 0 : i32
        %dma_wait3A_136 = tpu.memref_slice %arg10[%dma_wait3A_134, %dma_wait3A_135] : memref<10016x128xf32, #tpu.memory_space<vmem_shared>> -> memref<16x128xf32, #tpu.memory_space<vmem_shared>>
        tpu.wait_dma2 semaphore(%run_scoped3A : memref<!tpu.dma_semaphore, #tpu.memory_space<semaphore_mem>>) src(%dma_wait3A_136 : memref<16x128xf32, #tpu.memory_space<vmem_shared>>) dst(%dma_wait3A_133 : memref<16x128xf32, #tpu.memory_space<hbm>>)
        tpu.yield
      }) : () -> ()
    } else {
    }
    return
  }
}

#map = affine_map<(d0, d1) -> (0, 0, 0, 0)>
#map1 = affine_map<(d0, d1) -> (0, 0, 0)>
#map2 = affine_map<(d0, d1) -> (0, 0)>
module attributes {stable_mosaic.version = 14 : i64} {
  func.func @_agg_body(%arg0: i32, %arg1: i32, %arg2: memref<2x16x105x96xi32, #tpu.memory_space<hbm>>, %arg3: memref<16x105x96xi32, #tpu.memory_space<hbm>>, %arg4: memref<20000x32xf32, #tpu.memory_space<hbm>>, %arg5: memref<626x32xf32, #tpu.memory_space<hbm>>, %arg6: memref<2x10000x32xf32, #tpu.memory_space<hbm>>, %arg7: memref<30x96xi32, #tpu.memory_space<vmem>>, %arg8: memref<30x96xi32, #tpu.memory_space<vmem>>, %arg9: memref<6x96x32xf32, #tpu.memory_space<vmem>>, %arg10: memref<10016x32xf32, #tpu.memory_space<vmem_shared>>, %arg11: memref<6x!tpu.dma_semaphore, #tpu.memory_space<semaphore_mem>>, %arg12: memref<6x!tpu.dma_semaphore, #tpu.memory_space<semaphore_mem>>, %arg13: memref<!tpu.dma_semaphore, #tpu.memory_space<semaphore_mem>>) attributes {dimension_semantics = [#tpu.dimension_semantics<core_parallel>, #tpu.dimension_semantics<subcore_parallel>], iteration_bounds = array<i64: 2, 16>, scalar_prefetch = 0 : i64, scratch_operands = 7 : i64, tpu.core_type = #tpu.core_type<sc_vector_subcore>, window_params = [{transform_indices = #map}, {transform_indices = #map1}, {transform_indices = #map2}, {transform_indices = #map2}, {transform_indices = #map1}]} {
    "tpu.region"() ({
      %run_scoped3A = tpu.sem_alloc : memref<!tpu.dma_semaphore, #tpu.memory_space<semaphore_mem>>
      %dma_start3A_222 = arith.constant 0 : i32
      %dma_start3A_223 = arith.constant 0 : i32
      %dma_start3A_224 = tpu.memref_slice %arg7[%dma_start3A_222, %dma_start3A_223] : memref<30x96xi32, #tpu.memory_space<vmem>> -> memref<15x96xi32, #tpu.memory_space<vmem>>
      %dma_start3A_225 = arith.constant 0 : i32
      %dma_start3A_226 = arith.constant 0 : i32
      %dma_start3A_227 = tpu.memref_slice %arg2[%arg0, %arg1, %dma_start3A_225, %dma_start3A_226] : memref<2x16x105x96xi32, #tpu.memory_space<hbm>> -> memref<1x1x15x96xi32, #tpu.memory_space<hbm>>
      %dma_start3A_228 = tpu.memref_squeeze %dma_start3A_227 : memref<1x1x15x96xi32, #tpu.memory_space<hbm>> -> memref<15x96xi32, #tpu.memory_space<hbm>>
      %dma_start3A_229 = arith.constant 0 : i32
      %dma_start3A_230 = arith.constant 0 : i32
      %dma_start3A_231 = tpu.memref_slice %arg7[%dma_start3A_229, %dma_start3A_230] : memref<30x96xi32, #tpu.memory_space<vmem>> -> memref<15x96xi32, #tpu.memory_space<vmem>>
      %dma_start3A_232 = arith.constant 0 : i32
      %dma_start3A_233 = arith.constant 0 : i32
      %dma_start3A_234 = tpu.memref_slice %arg2[%arg0, %arg1, %dma_start3A_232, %dma_start3A_233] : memref<2x16x105x96xi32, #tpu.memory_space<hbm>> -> memref<1x1x15x96xi32, #tpu.memory_space<hbm>>
      %dma_start3A_235 = tpu.memref_squeeze %dma_start3A_234 : memref<1x1x15x96xi32, #tpu.memory_space<hbm>> -> memref<15x96xi32, #tpu.memory_space<hbm>>
      tpu.enqueue_dma source(%dma_start3A_235 : memref<15x96xi32, #tpu.memory_space<hbm>>) target(%dma_start3A_231 : memref<15x96xi32, #tpu.memory_space<vmem>>) target_semaphore(%run_scoped3A : memref<!tpu.dma_semaphore, #tpu.memory_space<semaphore_mem>>)
      %dma_wait3A_236 = arith.constant 0 : i32
      %dma_wait3A_237 = arith.constant 0 : i32
      %dma_wait3A_238 = tpu.memref_slice %arg7[%dma_wait3A_236, %dma_wait3A_237] : memref<30x96xi32, #tpu.memory_space<vmem>> -> memref<15x96xi32, #tpu.memory_space<vmem>>
      %dma_wait3A_239 = arith.constant 0 : i32
      %dma_wait3A_240 = arith.constant 0 : i32
      %dma_wait3A_241 = tpu.memref_slice %arg2[%arg0, %arg1, %dma_wait3A_239, %dma_wait3A_240] : memref<2x16x105x96xi32, #tpu.memory_space<hbm>> -> memref<1x1x15x96xi32, #tpu.memory_space<hbm>>
      %dma_wait3A_242 = tpu.memref_squeeze %dma_wait3A_241 : memref<1x1x15x96xi32, #tpu.memory_space<hbm>> -> memref<15x96xi32, #tpu.memory_space<hbm>>
      %dma_wait3A_243 = arith.constant 0 : i32
      %dma_wait3A_244 = arith.constant 0 : i32
      %dma_wait3A_245 = tpu.memref_slice %arg7[%dma_wait3A_243, %dma_wait3A_244] : memref<30x96xi32, #tpu.memory_space<vmem>> -> memref<15x96xi32, #tpu.memory_space<vmem>>
      %dma_wait3A_246 = arith.constant 0 : i32
      %dma_wait3A_247 = arith.constant 0 : i32
      %dma_wait3A_248 = tpu.memref_slice %arg2[%arg0, %arg1, %dma_wait3A_246, %dma_wait3A_247] : memref<2x16x105x96xi32, #tpu.memory_space<hbm>> -> memref<1x1x15x96xi32, #tpu.memory_space<hbm>>
      %dma_wait3A_249 = tpu.memref_squeeze %dma_wait3A_248 : memref<1x1x15x96xi32, #tpu.memory_space<hbm>> -> memref<15x96xi32, #tpu.memory_space<hbm>>
      tpu.wait_dma2 semaphore(%run_scoped3A : memref<!tpu.dma_semaphore, #tpu.memory_space<semaphore_mem>>) src(%dma_wait3A_249 : memref<15x96xi32, #tpu.memory_space<hbm>>) dst(%dma_wait3A_245 : memref<15x96xi32, #tpu.memory_space<vmem>>)
      tpu.yield
    }) : () -> ()
    "tpu.region"() ({
      %run_scoped3A = tpu.sem_alloc : memref<!tpu.dma_semaphore, #tpu.memory_space<semaphore_mem>>
      %dma_start3A_222 = arith.constant 0 : i32
      %dma_start3A_223 = arith.constant 0 : i32
      %dma_start3A_224 = tpu.memref_slice %arg8[%dma_start3A_222, %dma_start3A_223] : memref<30x96xi32, #tpu.memory_space<vmem>> -> memref<15x96xi32, #tpu.memory_space<vmem>>
      %dma_start3A_225 = arith.constant 0 : i32
      %dma_start3A_226 = arith.constant 0 : i32
      %dma_start3A_227 = tpu.memref_slice %arg3[%arg1, %dma_start3A_225, %dma_start3A_226] : memref<16x105x96xi32, #tpu.memory_space<hbm>> -> memref<1x15x96xi32, #tpu.memory_space<hbm>>
      %dma_start3A_228 = tpu.memref_squeeze %dma_start3A_227 : memref<1x15x96xi32, #tpu.memory_space<hbm>> -> memref<15x96xi32, #tpu.memory_space<hbm>>
      %dma_start3A_229 = arith.constant 0 : i32
      %dma_start3A_230 = arith.constant 0 : i32
      %dma_start3A_231 = tpu.memref_slice %arg8[%dma_start3A_229, %dma_start3A_230] : memref<30x96xi32, #tpu.memory_space<vmem>> -> memref<15x96xi32, #tpu.memory_space<vmem>>
      %dma_start3A_232 = arith.constant 0 : i32
      %dma_start3A_233 = arith.constant 0 : i32
      %dma_start3A_234 = tpu.memref_slice %arg3[%arg1, %dma_start3A_232, %dma_start3A_233] : memref<16x105x96xi32, #tpu.memory_space<hbm>> -> memref<1x15x96xi32, #tpu.memory_space<hbm>>
      %dma_start3A_235 = tpu.memref_squeeze %dma_start3A_234 : memref<1x15x96xi32, #tpu.memory_space<hbm>> -> memref<15x96xi32, #tpu.memory_space<hbm>>
      tpu.enqueue_dma source(%dma_start3A_235 : memref<15x96xi32, #tpu.memory_space<hbm>>) target(%dma_start3A_231 : memref<15x96xi32, #tpu.memory_space<vmem>>) target_semaphore(%run_scoped3A : memref<!tpu.dma_semaphore, #tpu.memory_space<semaphore_mem>>)
      %dma_wait3A_236 = arith.constant 0 : i32
      %dma_wait3A_237 = arith.constant 0 : i32
      %dma_wait3A_238 = tpu.memref_slice %arg8[%dma_wait3A_236, %dma_wait3A_237] : memref<30x96xi32, #tpu.memory_space<vmem>> -> memref<15x96xi32, #tpu.memory_space<vmem>>
      %dma_wait3A_239 = arith.constant 0 : i32
      %dma_wait3A_240 = arith.constant 0 : i32
      %dma_wait3A_241 = tpu.memref_slice %arg3[%arg1, %dma_wait3A_239, %dma_wait3A_240] : memref<16x105x96xi32, #tpu.memory_space<hbm>> -> memref<1x15x96xi32, #tpu.memory_space<hbm>>
      %dma_wait3A_242 = tpu.memref_squeeze %dma_wait3A_241 : memref<1x15x96xi32, #tpu.memory_space<hbm>> -> memref<15x96xi32, #tpu.memory_space<hbm>>
      %dma_wait3A_243 = arith.constant 0 : i32
      %dma_wait3A_244 = arith.constant 0 : i32
      %dma_wait3A_245 = tpu.memref_slice %arg8[%dma_wait3A_243, %dma_wait3A_244] : memref<30x96xi32, #tpu.memory_space<vmem>> -> memref<15x96xi32, #tpu.memory_space<vmem>>
      %dma_wait3A_246 = arith.constant 0 : i32
      %dma_wait3A_247 = arith.constant 0 : i32
      %dma_wait3A_248 = tpu.memref_slice %arg3[%arg1, %dma_wait3A_246, %dma_wait3A_247] : memref<16x105x96xi32, #tpu.memory_space<hbm>> -> memref<1x15x96xi32, #tpu.memory_space<hbm>>
      %dma_wait3A_249 = tpu.memref_squeeze %dma_wait3A_248 : memref<1x15x96xi32, #tpu.memory_space<hbm>> -> memref<15x96xi32, #tpu.memory_space<hbm>>
      tpu.wait_dma2 semaphore(%run_scoped3A : memref<!tpu.dma_semaphore, #tpu.memory_space<semaphore_mem>>) src(%dma_wait3A_249 : memref<15x96xi32, #tpu.memory_space<hbm>>) dst(%dma_wait3A_245 : memref<15x96xi32, #tpu.memory_space<vmem>>)
      tpu.yield
    }) : () -> ()
    %dma_start3A = arith.constant 15 : i32
    %dma_start3A_0 = arith.constant 0 : i32
    %dma_start3A_1 = tpu.memref_slice %arg7[%dma_start3A, %dma_start3A_0] : memref<30x96xi32, #tpu.memory_space<vmem>> -> memref<15x96xi32, #tpu.memory_space<vmem>>
    %dma_start3A_2 = arith.constant 15 : i32
    %dma_start3A_3 = arith.constant 0 : i32
    %dma_start3A_4 = tpu.memref_slice %arg2[%arg0, %arg1, %dma_start3A_2, %dma_start3A_3] : memref<2x16x105x96xi32, #tpu.memory_space<hbm>> -> memref<1x1x15x96xi32, #tpu.memory_space<hbm>>
    %dma_start3A_5 = tpu.memref_squeeze %dma_start3A_4 : memref<1x1x15x96xi32, #tpu.memory_space<hbm>> -> memref<15x96xi32, #tpu.memory_space<hbm>>
    %dma_start3A_6 = arith.constant 15 : i32
    %dma_start3A_7 = arith.constant 0 : i32
    %dma_start3A_8 = tpu.memref_slice %arg7[%dma_start3A_6, %dma_start3A_7] : memref<30x96xi32, #tpu.memory_space<vmem>> -> memref<15x96xi32, #tpu.memory_space<vmem>>
    %dma_start3A_9 = arith.constant 15 : i32
    %dma_start3A_10 = arith.constant 0 : i32
    %dma_start3A_11 = tpu.memref_slice %arg2[%arg0, %arg1, %dma_start3A_9, %dma_start3A_10] : memref<2x16x105x96xi32, #tpu.memory_space<hbm>> -> memref<1x1x15x96xi32, #tpu.memory_space<hbm>>
    %dma_start3A_12 = tpu.memref_squeeze %dma_start3A_11 : memref<1x1x15x96xi32, #tpu.memory_space<hbm>> -> memref<15x96xi32, #tpu.memory_space<hbm>>
    tpu.enqueue_dma source(%dma_start3A_12 : memref<15x96xi32, #tpu.memory_space<hbm>>) target(%dma_start3A_8 : memref<15x96xi32, #tpu.memory_space<vmem>>) target_semaphore(%arg13 : memref<!tpu.dma_semaphore, #tpu.memory_space<semaphore_mem>>)
    %dma_start3A_13 = arith.constant 15 : i32
    %dma_start3A_14 = arith.constant 0 : i32
    %dma_start3A_15 = tpu.memref_slice %arg8[%dma_start3A_13, %dma_start3A_14] : memref<30x96xi32, #tpu.memory_space<vmem>> -> memref<15x96xi32, #tpu.memory_space<vmem>>
    %dma_start3A_16 = arith.constant 15 : i32
    %dma_start3A_17 = arith.constant 0 : i32
    %dma_start3A_18 = tpu.memref_slice %arg3[%arg1, %dma_start3A_16, %dma_start3A_17] : memref<16x105x96xi32, #tpu.memory_space<hbm>> -> memref<1x15x96xi32, #tpu.memory_space<hbm>>
    %dma_start3A_19 = tpu.memref_squeeze %dma_start3A_18 : memref<1x15x96xi32, #tpu.memory_space<hbm>> -> memref<15x96xi32, #tpu.memory_space<hbm>>
    %dma_start3A_20 = arith.constant 15 : i32
    %dma_start3A_21 = arith.constant 0 : i32
    %dma_start3A_22 = tpu.memref_slice %arg8[%dma_start3A_20, %dma_start3A_21] : memref<30x96xi32, #tpu.memory_space<vmem>> -> memref<15x96xi32, #tpu.memory_space<vmem>>
    %dma_start3A_23 = arith.constant 15 : i32
    %dma_start3A_24 = arith.constant 0 : i32
    %dma_start3A_25 = tpu.memref_slice %arg3[%arg1, %dma_start3A_23, %dma_start3A_24] : memref<16x105x96xi32, #tpu.memory_space<hbm>> -> memref<1x15x96xi32, #tpu.memory_space<hbm>>
    %dma_start3A_26 = tpu.memref_squeeze %dma_start3A_25 : memref<1x15x96xi32, #tpu.memory_space<hbm>> -> memref<15x96xi32, #tpu.memory_space<hbm>>
    tpu.enqueue_dma source(%dma_start3A_26 : memref<15x96xi32, #tpu.memory_space<hbm>>) target(%dma_start3A_22 : memref<15x96xi32, #tpu.memory_space<vmem>>) target_semaphore(%arg13 : memref<!tpu.dma_semaphore, #tpu.memory_space<semaphore_mem>>)
    %dma_start3A_27 = arith.constant 0 : i32
    %dma_start3A_28 = arith.constant 0 : i32
    %dma_start3A_29 = arith.constant 0 : i32
    %dma_start3A_30 = arith.constant 0 : i32
    %dma_start3A_31 = arith.constant 0 : i32
    %dma_start3A_32 = tpu.memref_slice %arg9[%dma_start3A_28, %dma_start3A_30, %dma_start3A_31] : memref<6x96x32xf32, #tpu.memory_space<vmem>> -> memref<1x96x32xf32, #tpu.memory_space<vmem>>
    %dma_start3A_33 = tpu.memref_squeeze %dma_start3A_32 : memref<1x96x32xf32, #tpu.memory_space<vmem>> -> memref<96x32xf32, #tpu.memory_space<vmem>>
    %dma_start3A_34 = arith.constant 0 : i32
    %dma_start3A_35 = tpu.memref_slice %arg7[%dma_start3A_27, %dma_start3A_34] : memref<30x96xi32, #tpu.memory_space<vmem>> -> memref<1x96xi32, #tpu.memory_space<vmem>>
    %dma_start3A_36 = tpu.memref_squeeze %dma_start3A_35 : memref<1x96xi32, #tpu.memory_space<vmem>> -> memref<96xi32, #tpu.memory_space<vmem>>
    %dma_start3A_37 = arith.constant 0 : i32
    %dma_start3A_38 = arith.constant 0 : i32
    %dma_start3A_39 = tpu.memref_slice %arg4[%dma_start3A_37, %dma_start3A_38] : memref<20000x32xf32, #tpu.memory_space<hbm>> -> memref<20000x32xf32, #tpu.memory_space<hbm>>
    %dma_start3A_40 = tpu.memref_slice %arg11[%dma_start3A_29] : memref<6x!tpu.dma_semaphore, #tpu.memory_space<semaphore_mem>> -> memref<1x!tpu.dma_semaphore, #tpu.memory_space<semaphore_mem>>
    %dma_start3A_41 = tpu.memref_squeeze %dma_start3A_40 : memref<1x!tpu.dma_semaphore, #tpu.memory_space<semaphore_mem>> -> memref<!tpu.dma_semaphore, #tpu.memory_space<semaphore_mem>>
    tpu.enqueue_indirect_dma source(%dma_start3A_39 : memref<20000x32xf32, #tpu.memory_space<hbm>>) target(%dma_start3A_33 : memref<96x32xf32, #tpu.memory_space<vmem>>) offsets(%dma_start3A_36 : memref<96xi32, #tpu.memory_space<vmem>>) semaphore(%dma_start3A_41 : memref<!tpu.dma_semaphore, #tpu.memory_space<semaphore_mem>>)
    %dma_start3A_42 = arith.constant 1 : i32
    %dma_start3A_43 = arith.constant 1 : i32
    %dma_start3A_44 = arith.constant 1 : i32
    %dma_start3A_45 = arith.constant 0 : i32
    %dma_start3A_46 = arith.constant 0 : i32
    %dma_start3A_47 = tpu.memref_slice %arg9[%dma_start3A_43, %dma_start3A_45, %dma_start3A_46] : memref<6x96x32xf32, #tpu.memory_space<vmem>> -> memref<1x96x32xf32, #tpu.memory_space<vmem>>
    %dma_start3A_48 = tpu.memref_squeeze %dma_start3A_47 : memref<1x96x32xf32, #tpu.memory_space<vmem>> -> memref<96x32xf32, #tpu.memory_space<vmem>>
    %dma_start3A_49 = arith.constant 0 : i32
    %dma_start3A_50 = tpu.memref_slice %arg7[%dma_start3A_42, %dma_start3A_49] : memref<30x96xi32, #tpu.memory_space<vmem>> -> memref<1x96xi32, #tpu.memory_space<vmem>>
    %dma_start3A_51 = tpu.memref_squeeze %dma_start3A_50 : memref<1x96xi32, #tpu.memory_space<vmem>> -> memref<96xi32, #tpu.memory_space<vmem>>
    %dma_start3A_52 = arith.constant 0 : i32
    %dma_start3A_53 = arith.constant 0 : i32
    %dma_start3A_54 = tpu.memref_slice %arg4[%dma_start3A_52, %dma_start3A_53] : memref<20000x32xf32, #tpu.memory_space<hbm>> -> memref<20000x32xf32, #tpu.memory_space<hbm>>
    %dma_start3A_55 = tpu.memref_slice %arg11[%dma_start3A_44] : memref<6x!tpu.dma_semaphore, #tpu.memory_space<semaphore_mem>> -> memref<1x!tpu.dma_semaphore, #tpu.memory_space<semaphore_mem>>
    %dma_start3A_56 = tpu.memref_squeeze %dma_start3A_55 : memref<1x!tpu.dma_semaphore, #tpu.memory_space<semaphore_mem>> -> memref<!tpu.dma_semaphore, #tpu.memory_space<semaphore_mem>>
    tpu.enqueue_indirect_dma source(%dma_start3A_54 : memref<20000x32xf32, #tpu.memory_space<hbm>>) target(%dma_start3A_48 : memref<96x32xf32, #tpu.memory_space<vmem>>) offsets(%dma_start3A_51 : memref<96xi32, #tpu.memory_space<vmem>>) semaphore(%dma_start3A_56 : memref<!tpu.dma_semaphore, #tpu.memory_space<semaphore_mem>>)
    %dma_start3A_57 = arith.constant 2 : i32
    %dma_start3A_58 = arith.constant 2 : i32
    %dma_start3A_59 = arith.constant 2 : i32
    %dma_start3A_60 = arith.constant 0 : i32
    %dma_start3A_61 = arith.constant 0 : i32
    %dma_start3A_62 = tpu.memref_slice %arg9[%dma_start3A_58, %dma_start3A_60, %dma_start3A_61] : memref<6x96x32xf32, #tpu.memory_space<vmem>> -> memref<1x96x32xf32, #tpu.memory_space<vmem>>
    %dma_start3A_63 = tpu.memref_squeeze %dma_start3A_62 : memref<1x96x32xf32, #tpu.memory_space<vmem>> -> memref<96x32xf32, #tpu.memory_space<vmem>>
    %dma_start3A_64 = arith.constant 0 : i32
    %dma_start3A_65 = tpu.memref_slice %arg7[%dma_start3A_57, %dma_start3A_64] : memref<30x96xi32, #tpu.memory_space<vmem>> -> memref<1x96xi32, #tpu.memory_space<vmem>>
    %dma_start3A_66 = tpu.memref_squeeze %dma_start3A_65 : memref<1x96xi32, #tpu.memory_space<vmem>> -> memref<96xi32, #tpu.memory_space<vmem>>
    %dma_start3A_67 = arith.constant 0 : i32
    %dma_start3A_68 = arith.constant 0 : i32
    %dma_start3A_69 = tpu.memref_slice %arg4[%dma_start3A_67, %dma_start3A_68] : memref<20000x32xf32, #tpu.memory_space<hbm>> -> memref<20000x32xf32, #tpu.memory_space<hbm>>
    %dma_start3A_70 = tpu.memref_slice %arg11[%dma_start3A_59] : memref<6x!tpu.dma_semaphore, #tpu.memory_space<semaphore_mem>> -> memref<1x!tpu.dma_semaphore, #tpu.memory_space<semaphore_mem>>
    %dma_start3A_71 = tpu.memref_squeeze %dma_start3A_70 : memref<1x!tpu.dma_semaphore, #tpu.memory_space<semaphore_mem>> -> memref<!tpu.dma_semaphore, #tpu.memory_space<semaphore_mem>>
    tpu.enqueue_indirect_dma source(%dma_start3A_69 : memref<20000x32xf32, #tpu.memory_space<hbm>>) target(%dma_start3A_63 : memref<96x32xf32, #tpu.memory_space<vmem>>) offsets(%dma_start3A_66 : memref<96xi32, #tpu.memory_space<vmem>>) semaphore(%dma_start3A_71 : memref<!tpu.dma_semaphore, #tpu.memory_space<semaphore_mem>>)
    %dma_start3A_72 = arith.constant 3 : i32
    %dma_start3A_73 = arith.constant 3 : i32
    %dma_start3A_74 = arith.constant 3 : i32
    %dma_start3A_75 = arith.constant 0 : i32
    %dma_start3A_76 = arith.constant 0 : i32
    %dma_start3A_77 = tpu.memref_slice %arg9[%dma_start3A_73, %dma_start3A_75, %dma_start3A_76] : memref<6x96x32xf32, #tpu.memory_space<vmem>> -> memref<1x96x32xf32, #tpu.memory_space<vmem>>
    %dma_start3A_78 = tpu.memref_squeeze %dma_start3A_77 : memref<1x96x32xf32, #tpu.memory_space<vmem>> -> memref<96x32xf32, #tpu.memory_space<vmem>>
    %dma_start3A_79 = arith.constant 0 : i32
    %dma_start3A_80 = tpu.memref_slice %arg7[%dma_start3A_72, %dma_start3A_79] : memref<30x96xi32, #tpu.memory_space<vmem>> -> memref<1x96xi32, #tpu.memory_space<vmem>>
    %dma_start3A_81 = tpu.memref_squeeze %dma_start3A_80 : memref<1x96xi32, #tpu.memory_space<vmem>> -> memref<96xi32, #tpu.memory_space<vmem>>
    %dma_start3A_82 = arith.constant 0 : i32
    %dma_start3A_83 = arith.constant 0 : i32
    %dma_start3A_84 = tpu.memref_slice %arg4[%dma_start3A_82, %dma_start3A_83] : memref<20000x32xf32, #tpu.memory_space<hbm>> -> memref<20000x32xf32, #tpu.memory_space<hbm>>
    %dma_start3A_85 = tpu.memref_slice %arg11[%dma_start3A_74] : memref<6x!tpu.dma_semaphore, #tpu.memory_space<semaphore_mem>> -> memref<1x!tpu.dma_semaphore, #tpu.memory_space<semaphore_mem>>
    %dma_start3A_86 = tpu.memref_squeeze %dma_start3A_85 : memref<1x!tpu.dma_semaphore, #tpu.memory_space<semaphore_mem>> -> memref<!tpu.dma_semaphore, #tpu.memory_space<semaphore_mem>>
    tpu.enqueue_indirect_dma source(%dma_start3A_84 : memref<20000x32xf32, #tpu.memory_space<hbm>>) target(%dma_start3A_78 : memref<96x32xf32, #tpu.memory_space<vmem>>) offsets(%dma_start3A_81 : memref<96xi32, #tpu.memory_space<vmem>>) semaphore(%dma_start3A_86 : memref<!tpu.dma_semaphore, #tpu.memory_space<semaphore_mem>>)
    %dma_start3A_87 = arith.constant 4 : i32
    %dma_start3A_88 = arith.constant 4 : i32
    %dma_start3A_89 = arith.constant 4 : i32
    %dma_start3A_90 = arith.constant 0 : i32
    %dma_start3A_91 = arith.constant 0 : i32
    %dma_start3A_92 = tpu.memref_slice %arg9[%dma_start3A_88, %dma_start3A_90, %dma_start3A_91] : memref<6x96x32xf32, #tpu.memory_space<vmem>> -> memref<1x96x32xf32, #tpu.memory_space<vmem>>
    %dma_start3A_93 = tpu.memref_squeeze %dma_start3A_92 : memref<1x96x32xf32, #tpu.memory_space<vmem>> -> memref<96x32xf32, #tpu.memory_space<vmem>>
    %dma_start3A_94 = arith.constant 0 : i32
    %dma_start3A_95 = tpu.memref_slice %arg7[%dma_start3A_87, %dma_start3A_94] : memref<30x96xi32, #tpu.memory_space<vmem>> -> memref<1x96xi32, #tpu.memory_space<vmem>>
    %dma_start3A_96 = tpu.memref_squeeze %dma_start3A_95 : memref<1x96xi32, #tpu.memory_space<vmem>> -> memref<96xi32, #tpu.memory_space<vmem>>
    %dma_start3A_97 = arith.constant 0 : i32
    %dma_start3A_98 = arith.constant 0 : i32
    %dma_start3A_99 = tpu.memref_slice %arg4[%dma_start3A_97, %dma_start3A_98] : memref<20000x32xf32, #tpu.memory_space<hbm>> -> memref<20000x32xf32, #tpu.memory_space<hbm>>
    %dma_start3A_100 = tpu.memref_slice %arg11[%dma_start3A_89] : memref<6x!tpu.dma_semaphore, #tpu.memory_space<semaphore_mem>> -> memref<1x!tpu.dma_semaphore, #tpu.memory_space<semaphore_mem>>
    %dma_start3A_101 = tpu.memref_squeeze %dma_start3A_100 : memref<1x!tpu.dma_semaphore, #tpu.memory_space<semaphore_mem>> -> memref<!tpu.dma_semaphore, #tpu.memory_space<semaphore_mem>>
    tpu.enqueue_indirect_dma source(%dma_start3A_99 : memref<20000x32xf32, #tpu.memory_space<hbm>>) target(%dma_start3A_93 : memref<96x32xf32, #tpu.memory_space<vmem>>) offsets(%dma_start3A_96 : memref<96xi32, #tpu.memory_space<vmem>>) semaphore(%dma_start3A_101 : memref<!tpu.dma_semaphore, #tpu.memory_space<semaphore_mem>>)
    %mul3A = arith.constant 626 : i32
    %mul3A_102 = arith.muli %arg1, %mul3A : i32
    "tpu.region"() ({
      %run_scoped3A = tpu.sem_alloc : memref<!tpu.dma_semaphore, #tpu.memory_space<semaphore_mem>>
      %dma_start3A_222 = arith.constant 0 : i32
      %dma_start3A_223 = tpu.memref_slice %arg10[%mul3A_102, %dma_start3A_222] : memref<10016x32xf32, #tpu.memory_space<vmem_shared>> -> memref<626x32xf32, #tpu.memory_space<vmem_shared>>
      tpu.enqueue_dma source(%arg5 : memref<626x32xf32, #tpu.memory_space<hbm>>) target(%dma_start3A_223 : memref<626x32xf32, #tpu.memory_space<vmem_shared>>) target_semaphore(%run_scoped3A : memref<!tpu.dma_semaphore, #tpu.memory_space<semaphore_mem>>)
      %dma_wait3A_224 = arith.constant 0 : i32
      %dma_wait3A_225 = tpu.memref_slice %arg10[%mul3A_102, %dma_wait3A_224] : memref<10016x32xf32, #tpu.memory_space<vmem_shared>> -> memref<626x32xf32, #tpu.memory_space<vmem_shared>>
      tpu.wait_dma2 semaphore(%run_scoped3A : memref<!tpu.dma_semaphore, #tpu.memory_space<semaphore_mem>>) src(%arg5 : memref<626x32xf32, #tpu.memory_space<hbm>>) dst(%dma_wait3A_225 : memref<626x32xf32, #tpu.memory_space<vmem_shared>>)
      tpu.yield
    }) : () -> ()
    %barrier3A = arith.constant 0 : index
    tpu.barrier barrier_id(%barrier3A)
    %scan3A = arith.constant 0 : i32
    %scan3A_103 = arith.constant 0 : i32
    %scan3A_104 = arith.constant 105 : i32
    %scan3A_105 = arith.addi %scan3A_103, %scan3A_104 : i32
    %scan3A_106 = arith.constant 1 : i32
    scf.for %scan3A_222 = %scan3A_103 to %scan3A_105 step %scan3A_106  : i32 {
      %rem3A = arith.constant 6 : i32
      %rem3A_223 = arith.remsi %scan3A_222, %rem3A : i32
      %add3A = arith.constant 6 : i32
      %add3A_224 = arith.addi %scan3A_222, %add3A : i32
      %sub3A = arith.constant 1 : i32
      %sub3A_225 = arith.subi %add3A_224, %sub3A : i32
      %rem3A_226 = arith.constant 6 : i32
      %rem3A_227 = arith.remsi %sub3A_225, %rem3A_226 : i32
      %jit3A = arith.constant 15 : i32
      %div3A = arith.divsi %scan3A_222, %jit3A : i32
      %sign3A = arith.constant 0 : i32
      %sign3A_228 = arith.cmpi sgt, %scan3A_222, %sign3A : i32
      %sign3A_229 = arith.extui %sign3A_228 : i1 to i32
      %sign3A_230 = arith.constant 0 : i32
      %sign3A_231 = arith.cmpi slt, %scan3A_222, %sign3A_230 : i32
      %sign3A_232 = arith.extui %sign3A_231 : i1 to i32
      %sign3A_233 = arith.subi %sign3A_229, %sign3A_232 : i32
      %sign3A_234 = arith.constant 0 : i32
      %sign3A_235 = arith.cmpi sgt, %jit3A, %sign3A_234 : i32
      %sign3A_236 = arith.extui %sign3A_235 : i1 to i32
      %sign3A_237 = arith.constant 0 : i32
      %sign3A_238 = arith.cmpi slt, %jit3A, %sign3A_237 : i32
      %sign3A_239 = arith.extui %sign3A_238 : i1 to i32
      %sign3A_240 = arith.subi %sign3A_236, %sign3A_239 : i32
      %ne3A = arith.cmpi ne, %sign3A_233, %sign3A_240 : i32
      %rem3A_241 = arith.remsi %scan3A_222, %jit3A : i32
      %ne3A_242 = arith.constant 0 : i32
      %ne3A_243 = arith.cmpi ne, %rem3A_241, %ne3A_242 : i32
      %and3A = arith.andi %ne3A, %ne3A_243 : i1
      %sub3A_244 = arith.constant 1 : i32
      %sub3A_245 = arith.subi %div3A, %sub3A_244 : i32
      %select_n3A = arith.select %and3A, %sub3A_245, %div3A : i32
      %mul3A_246 = arith.constant 15 : i32
      %mul3A_247 = arith.muli %select_n3A, %mul3A_246 : i32
      %sub3A_248 = arith.subi %scan3A_222, %mul3A_247 : i32
      %rem3A_249 = arith.constant 2 : i32
      %rem3A_250 = arith.remsi %select_n3A, %rem3A_249 : i32
      %mul3A_251 = arith.constant 15 : i32
      %mul3A_252 = arith.muli %rem3A_250, %mul3A_251 : i32
      %add3A_253 = arith.addi %mul3A_252, %sub3A_248 : i32
      %eq3A_254 = arith.constant 9 : i32
      %eq3A_255 = arith.cmpi eq, %sub3A_248, %eq3A_254 : i32
      %add3A_256 = arith.constant 1 : i32
      %add3A_257 = arith.addi %select_n3A, %add3A_256 : i32
      %lt3A = arith.constant 7 : i32
      %lt3A_258 = arith.cmpi slt, %add3A_257, %lt3A : i32
      %and3A_259 = arith.andi %eq3A_255, %lt3A_258 : i1
      %convert_element_type3A_260 = arith.extui %and3A_259 : i1 to i32
      %cond3A_261 = arith.constant 0 : i32
      %cond3A_262 = arith.cmpi ne, %convert_element_type3A_260, %cond3A_261 : i32
      scf.if %cond3A_262 {
        %dma_wait3A_304 = arith.constant 0 : i32
        %dma_wait3A_305 = arith.constant 0 : i32
        %dma_wait3A_306 = tpu.memref_slice %arg7[%dma_wait3A_304, %dma_wait3A_305] : memref<30x96xi32, #tpu.memory_space<vmem>> -> memref<15x96xi32, #tpu.memory_space<vmem>>
        %dma_wait3A_307 = arith.constant 0 : i32
        %dma_wait3A_308 = arith.constant 0 : i32
        %dma_wait3A_309 = tpu.memref_slice %arg2[%arg0, %arg1, %dma_wait3A_307, %dma_wait3A_308] : memref<2x16x105x96xi32, #tpu.memory_space<hbm>> -> memref<1x1x15x96xi32, #tpu.memory_space<hbm>>
        %dma_wait3A_310 = tpu.memref_squeeze %dma_wait3A_309 : memref<1x1x15x96xi32, #tpu.memory_space<hbm>> -> memref<15x96xi32, #tpu.memory_space<hbm>>
        %dma_wait3A_311 = arith.constant 0 : i32
        %dma_wait3A_312 = arith.constant 0 : i32
        %dma_wait3A_313 = tpu.memref_slice %arg7[%dma_wait3A_311, %dma_wait3A_312] : memref<30x96xi32, #tpu.memory_space<vmem>> -> memref<15x96xi32, #tpu.memory_space<vmem>>
        %dma_wait3A_314 = arith.constant 0 : i32
        %dma_wait3A_315 = arith.constant 0 : i32
        %dma_wait3A_316 = tpu.memref_slice %arg2[%arg0, %arg1, %dma_wait3A_314, %dma_wait3A_315] : memref<2x16x105x96xi32, #tpu.memory_space<hbm>> -> memref<1x1x15x96xi32, #tpu.memory_space<hbm>>
        %dma_wait3A_317 = tpu.memref_squeeze %dma_wait3A_316 : memref<1x1x15x96xi32, #tpu.memory_space<hbm>> -> memref<15x96xi32, #tpu.memory_space<hbm>>
        tpu.wait_dma2 semaphore(%arg13 : memref<!tpu.dma_semaphore, #tpu.memory_space<semaphore_mem>>) src(%dma_wait3A_317 : memref<15x96xi32, #tpu.memory_space<hbm>>) dst(%dma_wait3A_313 : memref<15x96xi32, #tpu.memory_space<vmem>>)
        %dma_wait3A_318 = arith.constant 0 : i32
        %dma_wait3A_319 = arith.constant 0 : i32
        %dma_wait3A_320 = tpu.memref_slice %arg8[%dma_wait3A_318, %dma_wait3A_319] : memref<30x96xi32, #tpu.memory_space<vmem>> -> memref<15x96xi32, #tpu.memory_space<vmem>>
        %dma_wait3A_321 = arith.constant 0 : i32
        %dma_wait3A_322 = arith.constant 0 : i32
        %dma_wait3A_323 = tpu.memref_slice %arg3[%arg1, %dma_wait3A_321, %dma_wait3A_322] : memref<16x105x96xi32, #tpu.memory_space<hbm>> -> memref<1x15x96xi32, #tpu.memory_space<hbm>>
        %dma_wait3A_324 = tpu.memref_squeeze %dma_wait3A_323 : memref<1x15x96xi32, #tpu.memory_space<hbm>> -> memref<15x96xi32, #tpu.memory_space<hbm>>
        %dma_wait3A_325 = arith.constant 0 : i32
        %dma_wait3A_326 = arith.constant 0 : i32
        %dma_wait3A_327 = tpu.memref_slice %arg8[%dma_wait3A_325, %dma_wait3A_326] : memref<30x96xi32, #tpu.memory_space<vmem>> -> memref<15x96xi32, #tpu.memory_space<vmem>>
        %dma_wait3A_328 = arith.constant 0 : i32
        %dma_wait3A_329 = arith.constant 0 : i32
        %dma_wait3A_330 = tpu.memref_slice %arg3[%arg1, %dma_wait3A_328, %dma_wait3A_329] : memref<16x105x96xi32, #tpu.memory_space<hbm>> -> memref<1x15x96xi32, #tpu.memory_space<hbm>>
        %dma_wait3A_331 = tpu.memref_squeeze %dma_wait3A_330 : memref<1x15x96xi32, #tpu.memory_space<hbm>> -> memref<15x96xi32, #tpu.memory_space<hbm>>
        tpu.wait_dma2 semaphore(%arg13 : memref<!tpu.dma_semaphore, #tpu.memory_space<semaphore_mem>>) src(%dma_wait3A_331 : memref<15x96xi32, #tpu.memory_space<hbm>>) dst(%dma_wait3A_327 : memref<15x96xi32, #tpu.memory_space<vmem>>)
      } else {
      }
      %lt3A_263 = arith.constant 105 : i32
      %lt3A_264 = arith.cmpi slt, %sub3A_225, %lt3A_263 : i32
      %convert_element_type3A_265 = arith.extui %lt3A_264 : i1 to i32
      %cond3A_266 = arith.constant 0 : i32
      %cond3A_267 = arith.cmpi ne, %convert_element_type3A_265, %cond3A_266 : i32
      scf.if %cond3A_267 {
        %jit3A_304 = arith.constant 15 : i32
        %div3A_305 = arith.divsi %sub3A_225, %jit3A_304 : i32
        %sign3A_306 = arith.constant 0 : i32
        %sign3A_307 = arith.cmpi sgt, %sub3A_225, %sign3A_306 : i32
        %sign3A_308 = arith.extui %sign3A_307 : i1 to i32
        %sign3A_309 = arith.constant 0 : i32
        %sign3A_310 = arith.cmpi slt, %sub3A_225, %sign3A_309 : i32
        %sign3A_311 = arith.extui %sign3A_310 : i1 to i32
        %sign3A_312 = arith.subi %sign3A_308, %sign3A_311 : i32
        %sign3A_313 = arith.constant 0 : i32
        %sign3A_314 = arith.cmpi sgt, %jit3A_304, %sign3A_313 : i32
        %sign3A_315 = arith.extui %sign3A_314 : i1 to i32
        %sign3A_316 = arith.constant 0 : i32
        %sign3A_317 = arith.cmpi slt, %jit3A_304, %sign3A_316 : i32
        %sign3A_318 = arith.extui %sign3A_317 : i1 to i32
        %sign3A_319 = arith.subi %sign3A_315, %sign3A_318 : i32
        %ne3A_320 = arith.cmpi ne, %sign3A_312, %sign3A_319 : i32
        %rem3A_321 = arith.remsi %sub3A_225, %jit3A_304 : i32
        %ne3A_322 = arith.constant 0 : i32
        %ne3A_323 = arith.cmpi ne, %rem3A_321, %ne3A_322 : i32
        %and3A_324 = arith.andi %ne3A_320, %ne3A_323 : i1
        %sub3A_325 = arith.constant 1 : i32
        %sub3A_326 = arith.subi %div3A_305, %sub3A_325 : i32
        %select_n3A_327 = arith.select %and3A_324, %sub3A_326, %div3A_305 : i32
        %rem3A_328 = arith.constant 2 : i32
        %rem3A_329 = arith.remsi %select_n3A_327, %rem3A_328 : i32
        %mul3A_330 = arith.constant 15 : i32
        %mul3A_331 = arith.muli %rem3A_329, %mul3A_330 : i32
        %mul3A_332 = arith.constant 15 : i32
        %mul3A_333 = arith.muli %select_n3A_327, %mul3A_332 : i32
        %sub3A_334 = arith.subi %sub3A_225, %mul3A_333 : i32
        %add3A_335 = arith.addi %mul3A_331, %sub3A_334 : i32
        %ge3A_336 = arith.constant 1 : i32
        %ge3A_337 = arith.cmpi sge, %scan3A_222, %ge3A_336 : i32
        %convert_element_type3A_338 = arith.extui %ge3A_337 : i1 to i32
        %cond3A_339 = arith.constant 0 : i32
        %cond3A_340 = arith.cmpi ne, %convert_element_type3A_338, %cond3A_339 : i32
        scf.if %cond3A_340 {
          %dma_wait3A_353 = arith.constant 0 : i32
          %dma_wait3A_354 = arith.constant 0 : i32
          %dma_wait3A_355 = tpu.memref_slice %arg9[%rem3A_227, %dma_wait3A_353, %dma_wait3A_354] : memref<6x96x32xf32, #tpu.memory_space<vmem>> -> memref<1x96x32xf32, #tpu.memory_space<vmem>>
          %dma_wait3A_356 = tpu.memref_squeeze %dma_wait3A_355 : memref<1x96x32xf32, #tpu.memory_space<vmem>> -> memref<96x32xf32, #tpu.memory_space<vmem>>
          %dma_wait3A_357 = arith.constant 0 : i32
          %dma_wait3A_358 = arith.constant 0 : i32
          %dma_wait3A_359 = tpu.memref_slice %arg10[%dma_wait3A_357, %dma_wait3A_358] : memref<10016x32xf32, #tpu.memory_space<vmem_shared>> -> memref<96x32xf32, #tpu.memory_space<vmem_shared>>
          %dma_wait3A_360 = tpu.memref_slice %arg12[%rem3A_227] : memref<6x!tpu.dma_semaphore, #tpu.memory_space<semaphore_mem>> -> memref<1x!tpu.dma_semaphore, #tpu.memory_space<semaphore_mem>>
          %dma_wait3A_361 = tpu.memref_squeeze %dma_wait3A_360 : memref<1x!tpu.dma_semaphore, #tpu.memory_space<semaphore_mem>> -> memref<!tpu.dma_semaphore, #tpu.memory_space<semaphore_mem>>
          %dma_wait3A_362 = arith.constant 0 : i32
          %dma_wait3A_363 = arith.constant 0 : i32
          %dma_wait3A_364 = tpu.memref_slice %arg10[%dma_wait3A_362, %dma_wait3A_363] : memref<10016x32xf32, #tpu.memory_space<vmem_shared>> -> memref<96x32xf32, #tpu.memory_space<vmem_shared>>
          %dma_wait3A_365 = arith.constant 0 : i32
          %dma_wait3A_366 = arith.constant 0 : i32
          %dma_wait3A_367 = tpu.memref_slice %arg9[%rem3A_227, %dma_wait3A_365, %dma_wait3A_366] : memref<6x96x32xf32, #tpu.memory_space<vmem>> -> memref<1x96x32xf32, #tpu.memory_space<vmem>>
          %dma_wait3A_368 = tpu.memref_squeeze %dma_wait3A_367 : memref<1x96x32xf32, #tpu.memory_space<vmem>> -> memref<96x32xf32, #tpu.memory_space<vmem>>
          tpu.wait_dma2 semaphore(%dma_wait3A_361 : memref<!tpu.dma_semaphore, #tpu.memory_space<semaphore_mem>>) src(%dma_wait3A_368 : memref<96x32xf32, #tpu.memory_space<vmem>>) dst(%dma_wait3A_364 : memref<96x32xf32, #tpu.memory_space<vmem_shared>>)
        } else {
        }
        %dma_start3A_341 = arith.constant 0 : i32
        %dma_start3A_342 = arith.constant 0 : i32
        %dma_start3A_343 = tpu.memref_slice %arg9[%rem3A_227, %dma_start3A_341, %dma_start3A_342] : memref<6x96x32xf32, #tpu.memory_space<vmem>> -> memref<1x96x32xf32, #tpu.memory_space<vmem>>
        %dma_start3A_344 = tpu.memref_squeeze %dma_start3A_343 : memref<1x96x32xf32, #tpu.memory_space<vmem>> -> memref<96x32xf32, #tpu.memory_space<vmem>>
        %dma_start3A_345 = arith.constant 0 : i32
        %dma_start3A_346 = tpu.memref_slice %arg7[%add3A_335, %dma_start3A_345] : memref<30x96xi32, #tpu.memory_space<vmem>> -> memref<1x96xi32, #tpu.memory_space<vmem>>
        %dma_start3A_347 = tpu.memref_squeeze %dma_start3A_346 : memref<1x96xi32, #tpu.memory_space<vmem>> -> memref<96xi32, #tpu.memory_space<vmem>>
        %dma_start3A_348 = arith.constant 0 : i32
        %dma_start3A_349 = arith.constant 0 : i32
        %dma_start3A_350 = tpu.memref_slice %arg4[%dma_start3A_348, %dma_start3A_349] : memref<20000x32xf32, #tpu.memory_space<hbm>> -> memref<20000x32xf32, #tpu.memory_space<hbm>>
        %dma_start3A_351 = tpu.memref_slice %arg11[%rem3A_227] : memref<6x!tpu.dma_semaphore, #tpu.memory_space<semaphore_mem>> -> memref<1x!tpu.dma_semaphore, #tpu.memory_space<semaphore_mem>>
        %dma_start3A_352 = tpu.memref_squeeze %dma_start3A_351 : memref<1x!tpu.dma_semaphore, #tpu.memory_space<semaphore_mem>> -> memref<!tpu.dma_semaphore, #tpu.memory_space<semaphore_mem>>
        tpu.enqueue_indirect_dma source(%dma_start3A_350 : memref<20000x32xf32, #tpu.memory_space<hbm>>) target(%dma_start3A_344 : memref<96x32xf32, #tpu.memory_space<vmem>>) offsets(%dma_start3A_347 : memref<96xi32, #tpu.memory_space<vmem>>) semaphore(%dma_start3A_352 : memref<!tpu.dma_semaphore, #tpu.memory_space<semaphore_mem>>)
      } else {
      }
      %dma_wait3A_268 = arith.constant 0 : i32
      %dma_wait3A_269 = arith.constant 0 : i32
      %dma_wait3A_270 = tpu.memref_slice %arg9[%rem3A_223, %dma_wait3A_268, %dma_wait3A_269] : memref<6x96x32xf32, #tpu.memory_space<vmem>> -> memref<1x96x32xf32, #tpu.memory_space<vmem>>
      %dma_wait3A_271 = tpu.memref_squeeze %dma_wait3A_270 : memref<1x96x32xf32, #tpu.memory_space<vmem>> -> memref<96x32xf32, #tpu.memory_space<vmem>>
      %dma_wait3A_272 = arith.constant 0 : i32
      %dma_wait3A_273 = tpu.memref_slice %arg7[%add3A_253, %dma_wait3A_272] : memref<30x96xi32, #tpu.memory_space<vmem>> -> memref<1x96xi32, #tpu.memory_space<vmem>>
      %dma_wait3A_274 = tpu.memref_squeeze %dma_wait3A_273 : memref<1x96xi32, #tpu.memory_space<vmem>> -> memref<96xi32, #tpu.memory_space<vmem>>
      %dma_wait3A_275 = arith.constant 0 : i32
      %dma_wait3A_276 = arith.constant 0 : i32
      %dma_wait3A_277 = tpu.memref_slice %arg4[%dma_wait3A_275, %dma_wait3A_276] : memref<20000x32xf32, #tpu.memory_space<hbm>> -> memref<20000x32xf32, #tpu.memory_space<hbm>>
      %dma_wait3A_278 = tpu.memref_slice %arg11[%rem3A_223] : memref<6x!tpu.dma_semaphore, #tpu.memory_space<semaphore_mem>> -> memref<1x!tpu.dma_semaphore, #tpu.memory_space<semaphore_mem>>
      %dma_wait3A_279 = tpu.memref_squeeze %dma_wait3A_278 : memref<1x!tpu.dma_semaphore, #tpu.memory_space<semaphore_mem>> -> memref<!tpu.dma_semaphore, #tpu.memory_space<semaphore_mem>>
      tpu.wait_indirect_dma semaphore(%dma_wait3A_279 : memref<!tpu.dma_semaphore, #tpu.memory_space<semaphore_mem>>) src(%dma_wait3A_277 : memref<20000x32xf32, #tpu.memory_space<hbm>>) dst(%dma_wait3A_271 : memref<96x32xf32, #tpu.memory_space<vmem>>)
      %dma_start3A_280 = arith.constant 0 : i32
      %dma_start3A_281 = arith.constant 0 : i32
      %dma_start3A_282 = tpu.memref_slice %arg9[%rem3A_223, %dma_start3A_280, %dma_start3A_281] : memref<6x96x32xf32, #tpu.memory_space<vmem>> -> memref<1x96x32xf32, #tpu.memory_space<vmem>>
      %dma_start3A_283 = tpu.memref_squeeze %dma_start3A_282 : memref<1x96x32xf32, #tpu.memory_space<vmem>> -> memref<96x32xf32, #tpu.memory_space<vmem>>
      %dma_start3A_284 = arith.constant 0 : i32
      %dma_start3A_285 = tpu.memref_slice %arg8[%add3A_253, %dma_start3A_284] : memref<30x96xi32, #tpu.memory_space<vmem>> -> memref<1x96xi32, #tpu.memory_space<vmem>>
      %dma_start3A_286 = tpu.memref_squeeze %dma_start3A_285 : memref<1x96xi32, #tpu.memory_space<vmem>> -> memref<96xi32, #tpu.memory_space<vmem>>
      %dma_start3A_287 = arith.constant 0 : i32
      %dma_start3A_288 = arith.constant 0 : i32
      %dma_start3A_289 = tpu.memref_slice %arg10[%dma_start3A_287, %dma_start3A_288] : memref<10016x32xf32, #tpu.memory_space<vmem_shared>> -> memref<10016x32xf32, #tpu.memory_space<vmem_shared>>
      %dma_start3A_290 = tpu.memref_slice %arg12[%rem3A_223] : memref<6x!tpu.dma_semaphore, #tpu.memory_space<semaphore_mem>> -> memref<1x!tpu.dma_semaphore, #tpu.memory_space<semaphore_mem>>
      %dma_start3A_291 = tpu.memref_squeeze %dma_start3A_290 : memref<1x!tpu.dma_semaphore, #tpu.memory_space<semaphore_mem>> -> memref<!tpu.dma_semaphore, #tpu.memory_space<semaphore_mem>>
      tpu.enqueue_indirect_dma source(%dma_start3A_283 : memref<96x32xf32, #tpu.memory_space<vmem>>) target(%dma_start3A_289 : memref<10016x32xf32, #tpu.memory_space<vmem_shared>>) offsets(%dma_start3A_286 : memref<96xi32, #tpu.memory_space<vmem>>) semaphore(%dma_start3A_291 : memref<!tpu.dma_semaphore, #tpu.memory_space<semaphore_mem>>) {add = true}
      %eq3A_292 = arith.constant 0 : i32
      %eq3A_293 = arith.cmpi eq, %sub3A_248, %eq3A_292 : i32
      %ge3A = arith.constant 1 : i32
      %ge3A_294 = arith.cmpi sge, %select_n3A, %ge3A : i32
      %add3A_295 = arith.constant 1 : i32
      %add3A_296 = arith.addi %select_n3A, %add3A_295 : i32
      %lt3A_297 = arith.constant 7 : i32
      %lt3A_298 = arith.cmpi slt, %add3A_296, %lt3A_297 : i32
      %and3A_299 = arith.andi %ge3A_294, %lt3A_298 : i1
      %and3A_300 = arith.andi %eq3A_293, %and3A_299 : i1
      %convert_element_type3A_301 = arith.extui %and3A_300 : i1 to i32
      %cond3A_302 = arith.constant 0 : i32
      %cond3A_303 = arith.cmpi ne, %convert_element_type3A_301, %cond3A_302 : i32
      scf.if %cond3A_303 {
        %add3A_304 = arith.constant 1 : i32
        %add3A_305 = arith.addi %select_n3A, %add3A_304 : i32
        %rem3A_306 = arith.constant 2 : i32
        %rem3A_307 = arith.remsi %add3A_305, %rem3A_306 : i32
        %mul3A_308 = arith.constant 15 : i32
        %mul3A_309 = arith.muli %rem3A_307, %mul3A_308 : i32
        %add3A_310 = arith.constant 1 : i32
        %add3A_311 = arith.addi %select_n3A, %add3A_310 : i32
        %mul3A_312 = arith.constant 15 : i32
        %mul3A_313 = arith.muli %add3A_311, %mul3A_312 : i32
        %dma_start3A_314 = arith.constant 0 : i32
        %dma_start3A_315 = tpu.memref_slice %arg7[%mul3A_309, %dma_start3A_314] : memref<30x96xi32, #tpu.memory_space<vmem>> -> memref<15x96xi32, #tpu.memory_space<vmem>>
        %dma_start3A_316 = arith.constant 0 : i32
        %dma_start3A_317 = tpu.memref_slice %arg2[%arg0, %arg1, %mul3A_313, %dma_start3A_316] : memref<2x16x105x96xi32, #tpu.memory_space<hbm>> -> memref<1x1x15x96xi32, #tpu.memory_space<hbm>>
        %dma_start3A_318 = tpu.memref_squeeze %dma_start3A_317 : memref<1x1x15x96xi32, #tpu.memory_space<hbm>> -> memref<15x96xi32, #tpu.memory_space<hbm>>
        %dma_start3A_319 = arith.constant 0 : i32
        %dma_start3A_320 = tpu.memref_slice %arg7[%mul3A_309, %dma_start3A_319] : memref<30x96xi32, #tpu.memory_space<vmem>> -> memref<15x96xi32, #tpu.memory_space<vmem>>
        %dma_start3A_321 = arith.constant 0 : i32
        %dma_start3A_322 = tpu.memref_slice %arg2[%arg0, %arg1, %mul3A_313, %dma_start3A_321] : memref<2x16x105x96xi32, #tpu.memory_space<hbm>> -> memref<1x1x15x96xi32, #tpu.memory_space<hbm>>
        %dma_start3A_323 = tpu.memref_squeeze %dma_start3A_322 : memref<1x1x15x96xi32, #tpu.memory_space<hbm>> -> memref<15x96xi32, #tpu.memory_space<hbm>>
        tpu.enqueue_dma source(%dma_start3A_323 : memref<15x96xi32, #tpu.memory_space<hbm>>) target(%dma_start3A_320 : memref<15x96xi32, #tpu.memory_space<vmem>>) target_semaphore(%arg13 : memref<!tpu.dma_semaphore, #tpu.memory_space<semaphore_mem>>)
        %add3A_324 = arith.constant 1 : i32
        %add3A_325 = arith.addi %select_n3A, %add3A_324 : i32
        %mul3A_326 = arith.constant 15 : i32
        %mul3A_327 = arith.muli %add3A_325, %mul3A_326 : i32
        %dma_start3A_328 = arith.constant 0 : i32
        %dma_start3A_329 = tpu.memref_slice %arg8[%mul3A_309, %dma_start3A_328] : memref<30x96xi32, #tpu.memory_space<vmem>> -> memref<15x96xi32, #tpu.memory_space<vmem>>
        %dma_start3A_330 = arith.constant 0 : i32
        %dma_start3A_331 = tpu.memref_slice %arg3[%arg1, %mul3A_327, %dma_start3A_330] : memref<16x105x96xi32, #tpu.memory_space<hbm>> -> memref<1x15x96xi32, #tpu.memory_space<hbm>>
        %dma_start3A_332 = tpu.memref_squeeze %dma_start3A_331 : memref<1x15x96xi32, #tpu.memory_space<hbm>> -> memref<15x96xi32, #tpu.memory_space<hbm>>
        %dma_start3A_333 = arith.constant 0 : i32
        %dma_start3A_334 = tpu.memref_slice %arg8[%mul3A_309, %dma_start3A_333] : memref<30x96xi32, #tpu.memory_space<vmem>> -> memref<15x96xi32, #tpu.memory_space<vmem>>
        %dma_start3A_335 = arith.constant 0 : i32
        %dma_start3A_336 = tpu.memref_slice %arg3[%arg1, %mul3A_327, %dma_start3A_335] : memref<16x105x96xi32, #tpu.memory_space<hbm>> -> memref<1x15x96xi32, #tpu.memory_space<hbm>>
        %dma_start3A_337 = tpu.memref_squeeze %dma_start3A_336 : memref<1x15x96xi32, #tpu.memory_space<hbm>> -> memref<15x96xi32, #tpu.memory_space<hbm>>
        tpu.enqueue_dma source(%dma_start3A_337 : memref<15x96xi32, #tpu.memory_space<hbm>>) target(%dma_start3A_334 : memref<15x96xi32, #tpu.memory_space<vmem>>) target_semaphore(%arg13 : memref<!tpu.dma_semaphore, #tpu.memory_space<semaphore_mem>>)
      } else {
      }
    }
    %scan3A_107 = arith.constant 105 : i32
    %dma_wait3A = arith.constant 0 : i32
    %dma_wait3A_108 = arith.constant 0 : i32
    %dma_wait3A_109 = arith.constant 0 : i32
    %dma_wait3A_110 = arith.constant 0 : i32
    %dma_wait3A_111 = tpu.memref_slice %arg9[%dma_wait3A, %dma_wait3A_109, %dma_wait3A_110] : memref<6x96x32xf32, #tpu.memory_space<vmem>> -> memref<1x96x32xf32, #tpu.memory_space<vmem>>
    %dma_wait3A_112 = tpu.memref_squeeze %dma_wait3A_111 : memref<1x96x32xf32, #tpu.memory_space<vmem>> -> memref<96x32xf32, #tpu.memory_space<vmem>>
    %dma_wait3A_113 = arith.constant 0 : i32
    %dma_wait3A_114 = arith.constant 0 : i32
    %dma_wait3A_115 = tpu.memref_slice %arg10[%dma_wait3A_113, %dma_wait3A_114] : memref<10016x32xf32, #tpu.memory_space<vmem_shared>> -> memref<96x32xf32, #tpu.memory_space<vmem_shared>>
    %dma_wait3A_116 = tpu.memref_slice %arg12[%dma_wait3A_108] : memref<6x!tpu.dma_semaphore, #tpu.memory_space<semaphore_mem>> -> memref<1x!tpu.dma_semaphore, #tpu.memory_space<semaphore_mem>>
    %dma_wait3A_117 = tpu.memref_squeeze %dma_wait3A_116 : memref<1x!tpu.dma_semaphore, #tpu.memory_space<semaphore_mem>> -> memref<!tpu.dma_semaphore, #tpu.memory_space<semaphore_mem>>
    %dma_wait3A_118 = arith.constant 0 : i32
    %dma_wait3A_119 = arith.constant 0 : i32
    %dma_wait3A_120 = tpu.memref_slice %arg10[%dma_wait3A_118, %dma_wait3A_119] : memref<10016x32xf32, #tpu.memory_space<vmem_shared>> -> memref<96x32xf32, #tpu.memory_space<vmem_shared>>
    %dma_wait3A_121 = arith.constant 0 : i32
    %dma_wait3A_122 = arith.constant 0 : i32
    %dma_wait3A_123 = tpu.memref_slice %arg9[%dma_wait3A, %dma_wait3A_121, %dma_wait3A_122] : memref<6x96x32xf32, #tpu.memory_space<vmem>> -> memref<1x96x32xf32, #tpu.memory_space<vmem>>
    %dma_wait3A_124 = tpu.memref_squeeze %dma_wait3A_123 : memref<1x96x32xf32, #tpu.memory_space<vmem>> -> memref<96x32xf32, #tpu.memory_space<vmem>>
    tpu.wait_dma2 semaphore(%dma_wait3A_117 : memref<!tpu.dma_semaphore, #tpu.memory_space<semaphore_mem>>) src(%dma_wait3A_124 : memref<96x32xf32, #tpu.memory_space<vmem>>) dst(%dma_wait3A_120 : memref<96x32xf32, #tpu.memory_space<vmem_shared>>)
    %dma_wait3A_125 = arith.constant 1 : i32
    %dma_wait3A_126 = arith.constant 1 : i32
    %dma_wait3A_127 = arith.constant 0 : i32
    %dma_wait3A_128 = arith.constant 0 : i32
    %dma_wait3A_129 = tpu.memref_slice %arg9[%dma_wait3A_125, %dma_wait3A_127, %dma_wait3A_128] : memref<6x96x32xf32, #tpu.memory_space<vmem>> -> memref<1x96x32xf32, #tpu.memory_space<vmem>>
    %dma_wait3A_130 = tpu.memref_squeeze %dma_wait3A_129 : memref<1x96x32xf32, #tpu.memory_space<vmem>> -> memref<96x32xf32, #tpu.memory_space<vmem>>
    %dma_wait3A_131 = arith.constant 0 : i32
    %dma_wait3A_132 = arith.constant 0 : i32
    %dma_wait3A_133 = tpu.memref_slice %arg10[%dma_wait3A_131, %dma_wait3A_132] : memref<10016x32xf32, #tpu.memory_space<vmem_shared>> -> memref<96x32xf32, #tpu.memory_space<vmem_shared>>
    %dma_wait3A_134 = tpu.memref_slice %arg12[%dma_wait3A_126] : memref<6x!tpu.dma_semaphore, #tpu.memory_space<semaphore_mem>> -> memref<1x!tpu.dma_semaphore, #tpu.memory_space<semaphore_mem>>
    %dma_wait3A_135 = tpu.memref_squeeze %dma_wait3A_134 : memref<1x!tpu.dma_semaphore, #tpu.memory_space<semaphore_mem>> -> memref<!tpu.dma_semaphore, #tpu.memory_space<semaphore_mem>>
    %dma_wait3A_136 = arith.constant 0 : i32
    %dma_wait3A_137 = arith.constant 0 : i32
    %dma_wait3A_138 = tpu.memref_slice %arg10[%dma_wait3A_136, %dma_wait3A_137] : memref<10016x32xf32, #tpu.memory_space<vmem_shared>> -> memref<96x32xf32, #tpu.memory_space<vmem_shared>>
    %dma_wait3A_139 = arith.constant 0 : i32
    %dma_wait3A_140 = arith.constant 0 : i32
    %dma_wait3A_141 = tpu.memref_slice %arg9[%dma_wait3A_125, %dma_wait3A_139, %dma_wait3A_140] : memref<6x96x32xf32, #tpu.memory_space<vmem>> -> memref<1x96x32xf32, #tpu.memory_space<vmem>>
    %dma_wait3A_142 = tpu.memref_squeeze %dma_wait3A_141 : memref<1x96x32xf32, #tpu.memory_space<vmem>> -> memref<96x32xf32, #tpu.memory_space<vmem>>
    tpu.wait_dma2 semaphore(%dma_wait3A_135 : memref<!tpu.dma_semaphore, #tpu.memory_space<semaphore_mem>>) src(%dma_wait3A_142 : memref<96x32xf32, #tpu.memory_space<vmem>>) dst(%dma_wait3A_138 : memref<96x32xf32, #tpu.memory_space<vmem_shared>>)
    %dma_wait3A_143 = arith.constant 2 : i32
    %dma_wait3A_144 = arith.constant 2 : i32
    %dma_wait3A_145 = arith.constant 0 : i32
    %dma_wait3A_146 = arith.constant 0 : i32
    %dma_wait3A_147 = tpu.memref_slice %arg9[%dma_wait3A_143, %dma_wait3A_145, %dma_wait3A_146] : memref<6x96x32xf32, #tpu.memory_space<vmem>> -> memref<1x96x32xf32, #tpu.memory_space<vmem>>
    %dma_wait3A_148 = tpu.memref_squeeze %dma_wait3A_147 : memref<1x96x32xf32, #tpu.memory_space<vmem>> -> memref<96x32xf32, #tpu.memory_space<vmem>>
    %dma_wait3A_149 = arith.constant 0 : i32
    %dma_wait3A_150 = arith.constant 0 : i32
    %dma_wait3A_151 = tpu.memref_slice %arg10[%dma_wait3A_149, %dma_wait3A_150] : memref<10016x32xf32, #tpu.memory_space<vmem_shared>> -> memref<96x32xf32, #tpu.memory_space<vmem_shared>>
    %dma_wait3A_152 = tpu.memref_slice %arg12[%dma_wait3A_144] : memref<6x!tpu.dma_semaphore, #tpu.memory_space<semaphore_mem>> -> memref<1x!tpu.dma_semaphore, #tpu.memory_space<semaphore_mem>>
    %dma_wait3A_153 = tpu.memref_squeeze %dma_wait3A_152 : memref<1x!tpu.dma_semaphore, #tpu.memory_space<semaphore_mem>> -> memref<!tpu.dma_semaphore, #tpu.memory_space<semaphore_mem>>
    %dma_wait3A_154 = arith.constant 0 : i32
    %dma_wait3A_155 = arith.constant 0 : i32
    %dma_wait3A_156 = tpu.memref_slice %arg10[%dma_wait3A_154, %dma_wait3A_155] : memref<10016x32xf32, #tpu.memory_space<vmem_shared>> -> memref<96x32xf32, #tpu.memory_space<vmem_shared>>
    %dma_wait3A_157 = arith.constant 0 : i32
    %dma_wait3A_158 = arith.constant 0 : i32
    %dma_wait3A_159 = tpu.memref_slice %arg9[%dma_wait3A_143, %dma_wait3A_157, %dma_wait3A_158] : memref<6x96x32xf32, #tpu.memory_space<vmem>> -> memref<1x96x32xf32, #tpu.memory_space<vmem>>
    %dma_wait3A_160 = tpu.memref_squeeze %dma_wait3A_159 : memref<1x96x32xf32, #tpu.memory_space<vmem>> -> memref<96x32xf32, #tpu.memory_space<vmem>>
    tpu.wait_dma2 semaphore(%dma_wait3A_153 : memref<!tpu.dma_semaphore, #tpu.memory_space<semaphore_mem>>) src(%dma_wait3A_160 : memref<96x32xf32, #tpu.memory_space<vmem>>) dst(%dma_wait3A_156 : memref<96x32xf32, #tpu.memory_space<vmem_shared>>)
    %dma_wait3A_161 = arith.constant 3 : i32
    %dma_wait3A_162 = arith.constant 3 : i32
    %dma_wait3A_163 = arith.constant 0 : i32
    %dma_wait3A_164 = arith.constant 0 : i32
    %dma_wait3A_165 = tpu.memref_slice %arg9[%dma_wait3A_161, %dma_wait3A_163, %dma_wait3A_164] : memref<6x96x32xf32, #tpu.memory_space<vmem>> -> memref<1x96x32xf32, #tpu.memory_space<vmem>>
    %dma_wait3A_166 = tpu.memref_squeeze %dma_wait3A_165 : memref<1x96x32xf32, #tpu.memory_space<vmem>> -> memref<96x32xf32, #tpu.memory_space<vmem>>
    %dma_wait3A_167 = arith.constant 0 : i32
    %dma_wait3A_168 = arith.constant 0 : i32
    %dma_wait3A_169 = tpu.memref_slice %arg10[%dma_wait3A_167, %dma_wait3A_168] : memref<10016x32xf32, #tpu.memory_space<vmem_shared>> -> memref<96x32xf32, #tpu.memory_space<vmem_shared>>
    %dma_wait3A_170 = tpu.memref_slice %arg12[%dma_wait3A_162] : memref<6x!tpu.dma_semaphore, #tpu.memory_space<semaphore_mem>> -> memref<1x!tpu.dma_semaphore, #tpu.memory_space<semaphore_mem>>
    %dma_wait3A_171 = tpu.memref_squeeze %dma_wait3A_170 : memref<1x!tpu.dma_semaphore, #tpu.memory_space<semaphore_mem>> -> memref<!tpu.dma_semaphore, #tpu.memory_space<semaphore_mem>>
    %dma_wait3A_172 = arith.constant 0 : i32
    %dma_wait3A_173 = arith.constant 0 : i32
    %dma_wait3A_174 = tpu.memref_slice %arg10[%dma_wait3A_172, %dma_wait3A_173] : memref<10016x32xf32, #tpu.memory_space<vmem_shared>> -> memref<96x32xf32, #tpu.memory_space<vmem_shared>>
    %dma_wait3A_175 = arith.constant 0 : i32
    %dma_wait3A_176 = arith.constant 0 : i32
    %dma_wait3A_177 = tpu.memref_slice %arg9[%dma_wait3A_161, %dma_wait3A_175, %dma_wait3A_176] : memref<6x96x32xf32, #tpu.memory_space<vmem>> -> memref<1x96x32xf32, #tpu.memory_space<vmem>>
    %dma_wait3A_178 = tpu.memref_squeeze %dma_wait3A_177 : memref<1x96x32xf32, #tpu.memory_space<vmem>> -> memref<96x32xf32, #tpu.memory_space<vmem>>
    tpu.wait_dma2 semaphore(%dma_wait3A_171 : memref<!tpu.dma_semaphore, #tpu.memory_space<semaphore_mem>>) src(%dma_wait3A_178 : memref<96x32xf32, #tpu.memory_space<vmem>>) dst(%dma_wait3A_174 : memref<96x32xf32, #tpu.memory_space<vmem_shared>>)
    %dma_wait3A_179 = arith.constant 4 : i32
    %dma_wait3A_180 = arith.constant 4 : i32
    %dma_wait3A_181 = arith.constant 0 : i32
    %dma_wait3A_182 = arith.constant 0 : i32
    %dma_wait3A_183 = tpu.memref_slice %arg9[%dma_wait3A_179, %dma_wait3A_181, %dma_wait3A_182] : memref<6x96x32xf32, #tpu.memory_space<vmem>> -> memref<1x96x32xf32, #tpu.memory_space<vmem>>
    %dma_wait3A_184 = tpu.memref_squeeze %dma_wait3A_183 : memref<1x96x32xf32, #tpu.memory_space<vmem>> -> memref<96x32xf32, #tpu.memory_space<vmem>>
    %dma_wait3A_185 = arith.constant 0 : i32
    %dma_wait3A_186 = arith.constant 0 : i32
    %dma_wait3A_187 = tpu.memref_slice %arg10[%dma_wait3A_185, %dma_wait3A_186] : memref<10016x32xf32, #tpu.memory_space<vmem_shared>> -> memref<96x32xf32, #tpu.memory_space<vmem_shared>>
    %dma_wait3A_188 = tpu.memref_slice %arg12[%dma_wait3A_180] : memref<6x!tpu.dma_semaphore, #tpu.memory_space<semaphore_mem>> -> memref<1x!tpu.dma_semaphore, #tpu.memory_space<semaphore_mem>>
    %dma_wait3A_189 = tpu.memref_squeeze %dma_wait3A_188 : memref<1x!tpu.dma_semaphore, #tpu.memory_space<semaphore_mem>> -> memref<!tpu.dma_semaphore, #tpu.memory_space<semaphore_mem>>
    %dma_wait3A_190 = arith.constant 0 : i32
    %dma_wait3A_191 = arith.constant 0 : i32
    %dma_wait3A_192 = tpu.memref_slice %arg10[%dma_wait3A_190, %dma_wait3A_191] : memref<10016x32xf32, #tpu.memory_space<vmem_shared>> -> memref<96x32xf32, #tpu.memory_space<vmem_shared>>
    %dma_wait3A_193 = arith.constant 0 : i32
    %dma_wait3A_194 = arith.constant 0 : i32
    %dma_wait3A_195 = tpu.memref_slice %arg9[%dma_wait3A_179, %dma_wait3A_193, %dma_wait3A_194] : memref<6x96x32xf32, #tpu.memory_space<vmem>> -> memref<1x96x32xf32, #tpu.memory_space<vmem>>
    %dma_wait3A_196 = tpu.memref_squeeze %dma_wait3A_195 : memref<1x96x32xf32, #tpu.memory_space<vmem>> -> memref<96x32xf32, #tpu.memory_space<vmem>>
    tpu.wait_dma2 semaphore(%dma_wait3A_189 : memref<!tpu.dma_semaphore, #tpu.memory_space<semaphore_mem>>) src(%dma_wait3A_196 : memref<96x32xf32, #tpu.memory_space<vmem>>) dst(%dma_wait3A_192 : memref<96x32xf32, #tpu.memory_space<vmem_shared>>)
    %dma_wait3A_197 = arith.constant 5 : i32
    %dma_wait3A_198 = arith.constant 5 : i32
    %dma_wait3A_199 = arith.constant 0 : i32
    %dma_wait3A_200 = arith.constant 0 : i32
    %dma_wait3A_201 = tpu.memref_slice %arg9[%dma_wait3A_197, %dma_wait3A_199, %dma_wait3A_200] : memref<6x96x32xf32, #tpu.memory_space<vmem>> -> memref<1x96x32xf32, #tpu.memory_space<vmem>>
    %dma_wait3A_202 = tpu.memref_squeeze %dma_wait3A_201 : memref<1x96x32xf32, #tpu.memory_space<vmem>> -> memref<96x32xf32, #tpu.memory_space<vmem>>
    %dma_wait3A_203 = arith.constant 0 : i32
    %dma_wait3A_204 = arith.constant 0 : i32
    %dma_wait3A_205 = tpu.memref_slice %arg10[%dma_wait3A_203, %dma_wait3A_204] : memref<10016x32xf32, #tpu.memory_space<vmem_shared>> -> memref<96x32xf32, #tpu.memory_space<vmem_shared>>
    %dma_wait3A_206 = tpu.memref_slice %arg12[%dma_wait3A_198] : memref<6x!tpu.dma_semaphore, #tpu.memory_space<semaphore_mem>> -> memref<1x!tpu.dma_semaphore, #tpu.memory_space<semaphore_mem>>
    %dma_wait3A_207 = tpu.memref_squeeze %dma_wait3A_206 : memref<1x!tpu.dma_semaphore, #tpu.memory_space<semaphore_mem>> -> memref<!tpu.dma_semaphore, #tpu.memory_space<semaphore_mem>>
    %dma_wait3A_208 = arith.constant 0 : i32
    %dma_wait3A_209 = arith.constant 0 : i32
    %dma_wait3A_210 = tpu.memref_slice %arg10[%dma_wait3A_208, %dma_wait3A_209] : memref<10016x32xf32, #tpu.memory_space<vmem_shared>> -> memref<96x32xf32, #tpu.memory_space<vmem_shared>>
    %dma_wait3A_211 = arith.constant 0 : i32
    %dma_wait3A_212 = arith.constant 0 : i32
    %dma_wait3A_213 = tpu.memref_slice %arg9[%dma_wait3A_197, %dma_wait3A_211, %dma_wait3A_212] : memref<6x96x32xf32, #tpu.memory_space<vmem>> -> memref<1x96x32xf32, #tpu.memory_space<vmem>>
    %dma_wait3A_214 = tpu.memref_squeeze %dma_wait3A_213 : memref<1x96x32xf32, #tpu.memory_space<vmem>> -> memref<96x32xf32, #tpu.memory_space<vmem>>
    tpu.wait_dma2 semaphore(%dma_wait3A_207 : memref<!tpu.dma_semaphore, #tpu.memory_space<semaphore_mem>>) src(%dma_wait3A_214 : memref<96x32xf32, #tpu.memory_space<vmem>>) dst(%dma_wait3A_210 : memref<96x32xf32, #tpu.memory_space<vmem_shared>>)
    %barrier3A_215 = arith.constant 0 : index
    tpu.barrier barrier_id(%barrier3A_215)
    %mul3A_216 = arith.constant 624 : i32
    %mul3A_217 = arith.muli %arg1, %mul3A_216 : i32
    %mul3A_218 = arith.constant 624 : i32
    %mul3A_219 = arith.muli %arg1, %mul3A_218 : i32
    "tpu.region"() ({
      %run_scoped3A = tpu.sem_alloc : memref<!tpu.dma_semaphore, #tpu.memory_space<semaphore_mem>>
      %dma_start3A_222 = arith.constant 0 : i32
      %dma_start3A_223 = tpu.memref_slice %arg6[%arg0, %mul3A_219, %dma_start3A_222] : memref<2x10000x32xf32, #tpu.memory_space<hbm>> -> memref<1x624x32xf32, #tpu.memory_space<hbm>>
      %dma_start3A_224 = tpu.memref_squeeze %dma_start3A_223 : memref<1x624x32xf32, #tpu.memory_space<hbm>> -> memref<624x32xf32, #tpu.memory_space<hbm>>
      %dma_start3A_225 = arith.constant 0 : i32
      %dma_start3A_226 = tpu.memref_slice %arg10[%mul3A_217, %dma_start3A_225] : memref<10016x32xf32, #tpu.memory_space<vmem_shared>> -> memref<624x32xf32, #tpu.memory_space<vmem_shared>>
      tpu.enqueue_dma source(%dma_start3A_226 : memref<624x32xf32, #tpu.memory_space<vmem_shared>>) target(%dma_start3A_224 : memref<624x32xf32, #tpu.memory_space<hbm>>) target_semaphore(%run_scoped3A : memref<!tpu.dma_semaphore, #tpu.memory_space<semaphore_mem>>)
      %dma_wait3A_227 = arith.constant 0 : i32
      %dma_wait3A_228 = tpu.memref_slice %arg6[%arg0, %mul3A_219, %dma_wait3A_227] : memref<2x10000x32xf32, #tpu.memory_space<hbm>> -> memref<1x624x32xf32, #tpu.memory_space<hbm>>
      %dma_wait3A_229 = tpu.memref_squeeze %dma_wait3A_228 : memref<1x624x32xf32, #tpu.memory_space<hbm>> -> memref<624x32xf32, #tpu.memory_space<hbm>>
      %dma_wait3A_230 = arith.constant 0 : i32
      %dma_wait3A_231 = tpu.memref_slice %arg10[%mul3A_217, %dma_wait3A_230] : memref<10016x32xf32, #tpu.memory_space<vmem_shared>> -> memref<624x32xf32, #tpu.memory_space<vmem_shared>>
      tpu.wait_dma2 semaphore(%run_scoped3A : memref<!tpu.dma_semaphore, #tpu.memory_space<semaphore_mem>>) src(%dma_wait3A_231 : memref<624x32xf32, #tpu.memory_space<vmem_shared>>) dst(%dma_wait3A_229 : memref<624x32xf32, #tpu.memory_space<hbm>>)
      tpu.yield
    }) : () -> ()
    %eq3A = arith.constant 0 : i32
    %eq3A_220 = arith.cmpi eq, %arg1, %eq3A : i32
    %convert_element_type3A = arith.extui %eq3A_220 : i1 to i32
    %cond3A = arith.constant 0 : i32
    %cond3A_221 = arith.cmpi ne, %convert_element_type3A, %cond3A : i32
    scf.if %cond3A_221 {
      "tpu.region"() ({
        %run_scoped3A = tpu.sem_alloc : memref<!tpu.dma_semaphore, #tpu.memory_space<semaphore_mem>>
        %dma_start3A_222 = arith.constant 9984 : i32
        %dma_start3A_223 = arith.constant 0 : i32
        %dma_start3A_224 = tpu.memref_slice %arg6[%arg0, %dma_start3A_222, %dma_start3A_223] : memref<2x10000x32xf32, #tpu.memory_space<hbm>> -> memref<1x16x32xf32, #tpu.memory_space<hbm>>
        %dma_start3A_225 = tpu.memref_squeeze %dma_start3A_224 : memref<1x16x32xf32, #tpu.memory_space<hbm>> -> memref<16x32xf32, #tpu.memory_space<hbm>>
        %dma_start3A_226 = arith.constant 9984 : i32
        %dma_start3A_227 = arith.constant 0 : i32
        %dma_start3A_228 = tpu.memref_slice %arg10[%dma_start3A_226, %dma_start3A_227] : memref<10016x32xf32, #tpu.memory_space<vmem_shared>> -> memref<16x32xf32, #tpu.memory_space<vmem_shared>>
        tpu.enqueue_dma source(%dma_start3A_228 : memref<16x32xf32, #tpu.memory_space<vmem_shared>>) target(%dma_start3A_225 : memref<16x32xf32, #tpu.memory_space<hbm>>) target_semaphore(%run_scoped3A : memref<!tpu.dma_semaphore, #tpu.memory_space<semaphore_mem>>)
        %dma_wait3A_229 = arith.constant 9984 : i32
        %dma_wait3A_230 = arith.constant 0 : i32
        %dma_wait3A_231 = tpu.memref_slice %arg6[%arg0, %dma_wait3A_229, %dma_wait3A_230] : memref<2x10000x32xf32, #tpu.memory_space<hbm>> -> memref<1x16x32xf32, #tpu.memory_space<hbm>>
        %dma_wait3A_232 = tpu.memref_squeeze %dma_wait3A_231 : memref<1x16x32xf32, #tpu.memory_space<hbm>> -> memref<16x32xf32, #tpu.memory_space<hbm>>
        %dma_wait3A_233 = arith.constant 9984 : i32
        %dma_wait3A_234 = arith.constant 0 : i32
        %dma_wait3A_235 = tpu.memref_slice %arg10[%dma_wait3A_233, %dma_wait3A_234] : memref<10016x32xf32, #tpu.memory_space<vmem_shared>> -> memref<16x32xf32, #tpu.memory_space<vmem_shared>>
        tpu.wait_dma2 semaphore(%run_scoped3A : memref<!tpu.dma_semaphore, #tpu.memory_space<semaphore_mem>>) src(%dma_wait3A_235 : memref<16x32xf32, #tpu.memory_space<vmem_shared>>) dst(%dma_wait3A_232 : memref<16x32xf32, #tpu.memory_space<hbm>>)
        tpu.yield
      }) : () -> ()
    } else {
    }
    return
  }
}

module attributes {stable_mosaic.version = 14 : i64} {
  func.func @_scale_body(%arg0: i32, %arg1: memref<2000x256xf32, #tpu.memory_space<vmem>>, %arg2: memref<2000x8xf32, #tpu.memory_space<vmem>>, %arg3: memref<2000x8xf32, #tpu.memory_space<vmem>>, %arg4: memref<2x2000x128xf32, #tpu.memory_space<vmem>>, %arg5: memref<2000x16xf32, #tpu.memory_space<vmem>>, %arg6: memref<2000x16xf32, #tpu.memory_space<vmem>>) attributes {dimension_semantics = [#tpu.dimension_semantics<arbitrary>], iteration_bounds = array<i64: 5>, scalar_prefetch = 0 : i64, scratch_operands = 0 : i64, tpu.core_type = #tpu.core_type<tc>, window_params = [{transform_indices = @transform_0, window_bounds = array<i64: 2000, 256>}, {transform_indices = @transform_1, window_bounds = array<i64: 2000, 8>}, {transform_indices = @transform_2, window_bounds = array<i64: 2000, 8>}, {transform_indices = @transform_3, window_bounds = array<i64: 2, 2000, 128>}, {transform_indices = @transform_4, window_bounds = array<i64: 2000, 16>}, {transform_indices = @transform_5, window_bounds = array<i64: 2000, 16>}]} {
    %get3A = arith.constant 0 : index
    %get3A_0 = arith.constant 0 : index
    %get3A_1 = vector.load %arg2[%get3A, %get3A_0] : memref<2000x8xf32, #tpu.memory_space<vmem>>, vector<2000x8xf32>
    %get3A_2 = arith.constant 0 : index
    %get3A_3 = arith.constant 0 : index
    %get3A_4 = vector.load %arg3[%get3A_2, %get3A_3] : memref<2000x8xf32, #tpu.memory_space<vmem>>, vector<2000x8xf32>
    %add3A = arith.addf %get3A_1, %get3A_4 : vector<2000x8xf32>
    %add3A_5 = arith.constant 1.000000e+00 : f32
    %add3A_6 = vector.broadcast %add3A_5 : f32 to vector<2000x8xf32>
    %add3A_7 = arith.addf %add3A, %add3A_6 : vector<2000x8xf32>
    %rsqrt3A = math.rsqrt %add3A_7 : vector<2000x8xf32>
    %div3A = arith.constant 1.000000e+00 : f32
    %div3A_8 = vector.broadcast %div3A : f32 to vector<2000x8xf32>
    %div3A_9 = arith.divf %div3A_8, %add3A_7 : vector<2000x8xf32>
    %concatenate3A = tpu.concatenate %rsqrt3A, %rsqrt3A in 1 : vector<2000x8xf32>, vector<2000x8xf32> -> vector<2000x16xf32>
    %swap3A = arith.constant 0 : index
    %swap3A_10 = arith.constant 0 : index
    %swap3A_11 = vector.load %arg5[%swap3A, %swap3A_10] : memref<2000x16xf32, #tpu.memory_space<vmem>>, vector<2000x16xf32>
    tpu.vector_store %arg5[%swap3A, %swap3A_10], %concatenate3A {strides = array<i32>} : memref<2000x16xf32, #tpu.memory_space<vmem>>, vector<2000x16xf32>,
    %concatenate3A_12 = tpu.concatenate %div3A_9, %div3A_9 in 1 : vector<2000x8xf32>, vector<2000x8xf32> -> vector<2000x16xf32>
    %swap3A_13 = arith.constant 0 : index
    %swap3A_14 = arith.constant 0 : index
    %swap3A_15 = vector.load %arg6[%swap3A_13, %swap3A_14] : memref<2000x16xf32, #tpu.memory_space<vmem>>, vector<2000x16xf32>
    tpu.vector_store %arg6[%swap3A_13, %swap3A_14], %concatenate3A_12 {strides = array<i32>} : memref<2000x16xf32, #tpu.memory_space<vmem>>, vector<2000x16xf32>,
    %get3A_16 = arith.constant 0 : index
    %get3A_17 = arith.constant 0 : index
    %get3A_18 = vector.load %arg1[%get3A_16, %get3A_17] : memref<2000x256xf32, #tpu.memory_space<vmem>>, vector<2000x256xf32>
    %slice3A = vector.extract_strided_slice %rsqrt3A {offsets = [0, 0], sizes = [2000, 1], strides = [1, 1]} : vector<2000x8xf32> to vector<2000x1xf32>
    %mul3A = vector.broadcast %slice3A : vector<2000x1xf32> to vector<2000x256xf32>
    %mul3A_19 = arith.mulf %get3A_18, %mul3A : vector<2000x256xf32>
    %slice3A_20 = vector.extract_strided_slice %mul3A_19 {offsets = [0, 0], sizes = [2000, 128], strides = [1, 1]} : vector<2000x256xf32> to vector<2000x128xf32>
    %swap3A_21 = arith.constant 0 : index
    %swap3A_22 = arith.constant 0 : index
    %swap3A_23 = arith.constant 0 : index
    %swap3A_24 = vector.load %arg4[%swap3A_21, %swap3A_22, %swap3A_23] : memref<2x2000x128xf32, #tpu.memory_space<vmem>>, vector<1x2000x128xf32>
    %swap3A_25 = vector.shape_cast %swap3A_24 : vector<1x2000x128xf32> to vector<2000x128xf32>
    %swap3A_26 = vector.shape_cast %slice3A_20 : vector<2000x128xf32> to vector<1x2000x128xf32>
    tpu.vector_store %arg4[%swap3A_21, %swap3A_22, %swap3A_23], %swap3A_26 {strides = array<i32>} : memref<2x2000x128xf32, #tpu.memory_space<vmem>>, vector<1x2000x128xf32>,
    %slice3A_27 = vector.extract_strided_slice %mul3A_19 {offsets = [0, 128], sizes = [2000, 128], strides = [1, 1]} : vector<2000x256xf32> to vector<2000x128xf32>
    %swap3A_28 = arith.constant 1 : index
    %swap3A_29 = arith.constant 0 : index
    %swap3A_30 = arith.constant 0 : index
    %swap3A_31 = vector.load %arg4[%swap3A_28, %swap3A_29, %swap3A_30] : memref<2x2000x128xf32, #tpu.memory_space<vmem>>, vector<1x2000x128xf32>
    %swap3A_32 = vector.shape_cast %swap3A_31 : vector<1x2000x128xf32> to vector<2000x128xf32>
    %swap3A_33 = vector.shape_cast %slice3A_27 : vector<2000x128xf32> to vector<1x2000x128xf32>
    tpu.vector_store %arg4[%swap3A_28, %swap3A_29, %swap3A_30], %swap3A_33 {strides = array<i32>} : memref<2x2000x128xf32, #tpu.memory_space<vmem>>, vector<1x2000x128xf32>,
    return
  }
  func.func @transform_0(%arg0: i32) -> (i32, i32) {
    %c0_i32 = arith.constant 0 : i32
    %c0_i32_0 = arith.constant 0 : i32
    return %arg0, %c0_i32 : i32, i32
  }
  func.func @transform_1(%arg0: i32) -> (i32, i32) {
    %c0_i32 = arith.constant 0 : i32
    %c0_i32_0 = arith.constant 0 : i32
    return %arg0, %c0_i32 : i32, i32
  }
  func.func @transform_2(%arg0: i32) -> (i32, i32) {
    %c0_i32 = arith.constant 0 : i32
    %c0_i32_0 = arith.constant 0 : i32
    return %arg0, %c0_i32 : i32, i32
  }
  func.func @transform_3(%arg0: i32) -> (i32, i32, i32) {
    %c0_i32 = arith.constant 0 : i32
    %c0_i32_0 = arith.constant 0 : i32
    %c0_i32_1 = arith.constant 0 : i32
    return %c0_i32, %arg0, %c0_i32_0 : i32, i32, i32
  }
  func.func @transform_4(%arg0: i32) -> (i32, i32) {
    %c0_i32 = arith.constant 0 : i32
    %c0_i32_0 = arith.constant 0 : i32
    return %arg0, %c0_i32 : i32, i32
  }
  func.func @transform_5(%arg0: i32) -> (i32, i32) {
    %c0_i32 = arith.constant 0 : i32
    %c0_i32_0 = arith.constant 0 : i32
    return %arg0, %c0_i32 : i32, i32
  }
}

module attributes {stable_mosaic.version = 14 : i64} {
  func.func @_dense_body(%arg0: i32, %arg1: memref<2x2000x128xf32, #tpu.memory_space<vmem>>, %arg2: memref<2000x256xf32, #tpu.memory_space<vmem>>, %arg3: memref<2000x16xf32, #tpu.memory_space<vmem>>, %arg4: memref<2000x16xf32, #tpu.memory_space<vmem>>, %arg5: memref<256x512xf32, #tpu.memory_space<vmem>>, %arg6: memref<1x512xf32, #tpu.memory_space<vmem>>, %arg7: memref<512x64xf32, #tpu.memory_space<vmem>>, %arg8: memref<2000x64xf32, #tpu.memory_space<vmem>>, %arg9: memref<2x2000x32xf32, #tpu.memory_space<vmem>>) attributes {dimension_semantics = [#tpu.dimension_semantics<arbitrary>], iteration_bounds = array<i64: 5>, scalar_prefetch = 0 : i64, scratch_operands = 0 : i64, tpu.core_type = #tpu.core_type<tc>, window_params = [{transform_indices = @transform_0, window_bounds = array<i64: 2, 2000, 128>}, {transform_indices = @transform_1, window_bounds = array<i64: 2000, 256>}, {transform_indices = @transform_2, window_bounds = array<i64: 2000, 16>}, {transform_indices = @transform_3, window_bounds = array<i64: 2000, 16>}, {pipeline_mode = #tpu.pipeline_mode<synchronous>, transform_indices = @transform_4, window_bounds = array<i64: 256, 512>}, {pipeline_mode = #tpu.pipeline_mode<synchronous>, transform_indices = @transform_5, window_bounds = array<i64: 1, 512>}, {pipeline_mode = #tpu.pipeline_mode<synchronous>, transform_indices = @transform_6, window_bounds = array<i64: 512, 64>}, {transform_indices = @transform_7, window_bounds = array<i64: 2000, 64>}, {transform_indices = @transform_8, window_bounds = array<i64: 2, 2000, 32>}]} {
    %get3A = arith.constant 0 : index
    %get3A_0 = arith.constant 0 : index
    %get3A_1 = vector.load %arg3[%get3A, %get3A_0] : memref<2000x16xf32, #tpu.memory_space<vmem>>, vector<2000x1xf32>
    %get3A_2 = arith.constant 0 : index
    %get3A_3 = arith.constant 0 : index
    %get3A_4 = arith.constant 0 : index
    %get3A_5 = vector.load %arg1[%get3A_2, %get3A_3, %get3A_4] : memref<2x2000x128xf32, #tpu.memory_space<vmem>>, vector<1x2000x128xf32>
    %get3A_6 = vector.shape_cast %get3A_5 : vector<1x2000x128xf32> to vector<2000x128xf32>
    %get3A_7 = arith.constant 1 : index
    %get3A_8 = arith.constant 0 : index
    %get3A_9 = arith.constant 0 : index
    %get3A_10 = vector.load %arg1[%get3A_7, %get3A_8, %get3A_9] : memref<2x2000x128xf32, #tpu.memory_space<vmem>>, vector<1x2000x128xf32>
    %get3A_11 = vector.shape_cast %get3A_10 : vector<1x2000x128xf32> to vector<2000x128xf32>
    %concatenate3A = tpu.concatenate %get3A_6, %get3A_11 in 1 : vector<2000x128xf32>, vector<2000x128xf32> -> vector<2000x256xf32>
    %mul3A = vector.broadcast %get3A_1 : vector<2000x1xf32> to vector<2000x256xf32>
    %mul3A_12 = arith.mulf %mul3A, %concatenate3A : vector<2000x256xf32>
    %get3A_13 = arith.constant 0 : index
    %get3A_14 = arith.constant 0 : index
    %get3A_15 = vector.load %arg4[%get3A_13, %get3A_14] : memref<2000x16xf32, #tpu.memory_space<vmem>>, vector<2000x1xf32>
    %get3A_16 = arith.constant 0 : index
    %get3A_17 = arith.constant 0 : index
    %get3A_18 = vector.load %arg2[%get3A_16, %get3A_17] : memref<2000x256xf32, #tpu.memory_space<vmem>>, vector<2000x256xf32>
    %mul3A_19 = vector.broadcast %get3A_15 : vector<2000x1xf32> to vector<2000x256xf32>
    %mul3A_20 = arith.mulf %mul3A_19, %get3A_18 : vector<2000x256xf32>
    %add3A = arith.addf %mul3A_12, %mul3A_20 : vector<2000x256xf32>
    %get3A_21 = arith.constant 0 : index
    %get3A_22 = arith.constant 0 : index
    %get3A_23 = vector.load %arg5[%get3A_21, %get3A_22] : memref<256x512xf32, #tpu.memory_space<vmem>>, vector<256x512xf32>
    %dot_general3A = arith.constant dense<0.000000e+00> : vector<2000x512xf32>
    %dot_general3A_24 = tpu.matmul %add3A, %get3A_23, %dot_general3A {dimension_numbers = #tpu.dot_dimension_numbers<[1], [0], [0], [1], [0, 0, 1, 1], [], []>, transpose_lhs_hint = false} : vector<2000x256xf32>, vector<256x512xf32>, vector<2000x512xf32> -> vector<2000x512xf32>
    %get3A_25 = arith.constant 0 : index
    %get3A_26 = arith.constant 0 : index
    %get3A_27 = vector.load %arg6[%get3A_25, %get3A_26] : memref<1x512xf32, #tpu.memory_space<vmem>>, vector<1x512xf32>
    %add3A_28 = vector.broadcast %get3A_27 : vector<1x512xf32> to vector<2000x512xf32>
    %add3A_29 = arith.addf %dot_general3A_24, %add3A_28 : vector<2000x512xf32>
    %max3A = arith.constant 0.000000e+00 : f32
    %max3A_30 = vector.broadcast %max3A : f32 to vector<2000x512xf32>
    %max3A_31 = arith.maximumf %add3A_29, %max3A_30 : vector<2000x512xf32>
    %get3A_32 = arith.constant 0 : index
    %get3A_33 = arith.constant 0 : index
    %get3A_34 = vector.load %arg7[%get3A_32, %get3A_33] : memref<512x64xf32, #tpu.memory_space<vmem>>, vector<512x64xf32>
    %dot_general3A_35 = arith.constant dense<0.000000e+00> : vector<2000x64xf32>
    %dot_general3A_36 = tpu.matmul %max3A_31, %get3A_34, %dot_general3A_35 {dimension_numbers = #tpu.dot_dimension_numbers<[1], [0], [0], [1], [0, 0, 1, 1], [], []>, transpose_lhs_hint = false} : vector<2000x512xf32>, vector<512x64xf32>, vector<2000x64xf32> -> vector<2000x64xf32>
    %swap3A = arith.constant 0 : index
    %swap3A_37 = arith.constant 0 : index
    %swap3A_38 = vector.load %arg8[%swap3A, %swap3A_37] : memref<2000x64xf32, #tpu.memory_space<vmem>>, vector<2000x64xf32>
    tpu.vector_store %arg8[%swap3A, %swap3A_37], %dot_general3A_36 {strides = array<i32>} : memref<2000x64xf32, #tpu.memory_space<vmem>>, vector<2000x64xf32>,
    %mul3A_39 = vector.broadcast %get3A_1 : vector<2000x1xf32> to vector<2000x64xf32>
    %mul3A_40 = arith.mulf %mul3A_39, %dot_general3A_36 : vector<2000x64xf32>
    %slice3A = vector.extract_strided_slice %mul3A_40 {offsets = [0, 0], sizes = [2000, 32], strides = [1, 1]} : vector<2000x64xf32> to vector<2000x32xf32>
    %swap3A_41 = arith.constant 0 : index
    %swap3A_42 = arith.constant 0 : index
    %swap3A_43 = arith.constant 0 : index
    %swap3A_44 = vector.load %arg9[%swap3A_41, %swap3A_42, %swap3A_43] : memref<2x2000x32xf32, #tpu.memory_space<vmem>>, vector<1x2000x32xf32>
    %swap3A_45 = vector.shape_cast %swap3A_44 : vector<1x2000x32xf32> to vector<2000x32xf32>
    %swap3A_46 = vector.shape_cast %slice3A : vector<2000x32xf32> to vector<1x2000x32xf32>
    tpu.vector_store %arg9[%swap3A_41, %swap3A_42, %swap3A_43], %swap3A_46 {strides = array<i32>} : memref<2x2000x32xf32, #tpu.memory_space<vmem>>, vector<1x2000x32xf32>,
    %slice3A_47 = vector.extract_strided_slice %mul3A_40 {offsets = [0, 32], sizes = [2000, 32], strides = [1, 1]} : vector<2000x64xf32> to vector<2000x32xf32>
    %swap3A_48 = arith.constant 1 : index
    %swap3A_49 = arith.constant 0 : index
    %swap3A_50 = arith.constant 0 : index
    %swap3A_51 = vector.load %arg9[%swap3A_48, %swap3A_49, %swap3A_50] : memref<2x2000x32xf32, #tpu.memory_space<vmem>>, vector<1x2000x32xf32>
    %swap3A_52 = vector.shape_cast %swap3A_51 : vector<1x2000x32xf32> to vector<2000x32xf32>
    %swap3A_53 = vector.shape_cast %slice3A_47 : vector<2000x32xf32> to vector<1x2000x32xf32>
    tpu.vector_store %arg9[%swap3A_48, %swap3A_49, %swap3A_50], %swap3A_53 {strides = array<i32>} : memref<2x2000x32xf32, #tpu.memory_space<vmem>>, vector<1x2000x32xf32>,
    return
  }
  func.func @transform_0(%arg0: i32) -> (i32, i32, i32) {
    %c0_i32 = arith.constant 0 : i32
    %c0_i32_0 = arith.constant 0 : i32
    %c0_i32_1 = arith.constant 0 : i32
    return %c0_i32, %arg0, %c0_i32_0 : i32, i32, i32
  }
  func.func @transform_1(%arg0: i32) -> (i32, i32) {
    %c0_i32 = arith.constant 0 : i32
    %c0_i32_0 = arith.constant 0 : i32
    return %arg0, %c0_i32 : i32, i32
  }
  func.func @transform_2(%arg0: i32) -> (i32, i32) {
    %c0_i32 = arith.constant 0 : i32
    %c0_i32_0 = arith.constant 0 : i32
    return %arg0, %c0_i32 : i32, i32
  }
  func.func @transform_3(%arg0: i32) -> (i32, i32) {
    %c0_i32 = arith.constant 0 : i32
    %c0_i32_0 = arith.constant 0 : i32
    return %arg0, %c0_i32 : i32, i32
  }
  func.func @transform_4(%arg0: i32) -> (i32, i32) {
    %c0_i32 = arith.constant 0 : i32
    %c0_i32_0 = arith.constant 0 : i32
    %c0_i32_1 = arith.constant 0 : i32
    return %c0_i32, %c0_i32_0 : i32, i32
  }
  func.func @transform_5(%arg0: i32) -> (i32, i32) {
    %c0_i32 = arith.constant 0 : i32
    %c0_i32_0 = arith.constant 0 : i32
    %c0_i32_1 = arith.constant 0 : i32
    return %c0_i32, %c0_i32_0 : i32, i32
  }
  func.func @transform_6(%arg0: i32) -> (i32, i32) {
    %c0_i32 = arith.constant 0 : i32
    %c0_i32_0 = arith.constant 0 : i32
    %c0_i32_1 = arith.constant 0 : i32
    return %c0_i32, %c0_i32_0 : i32, i32
  }
  func.func @transform_7(%arg0: i32) -> (i32, i32) {
    %c0_i32 = arith.constant 0 : i32
    %c0_i32_0 = arith.constant 0 : i32
    return %arg0, %c0_i32 : i32, i32
  }
  func.func @transform_8(%arg0: i32) -> (i32, i32, i32) {
    %c0_i32 = arith.constant 0 : i32
    %c0_i32_0 = arith.constant 0 : i32
    %c0_i32_1 = arith.constant 0 : i32
    return %c0_i32, %arg0, %c0_i32_0 : i32, i32, i32
  }
}

module attributes {stable_mosaic.version = 14 : i64} {
  func.func @_finish_body(%arg0: i32, %arg1: memref<2x2000x32xf32, #tpu.memory_space<vmem>>, %arg2: memref<2000x64xf32, #tpu.memory_space<vmem>>, %arg3: memref<2000x16xf32, #tpu.memory_space<vmem>>, %arg4: memref<2000x16xf32, #tpu.memory_space<vmem>>, %arg5: memref<1x64xf32, #tpu.memory_space<vmem>>, %arg6: memref<2000x64xf32, #tpu.memory_space<vmem>>) attributes {dimension_semantics = [#tpu.dimension_semantics<arbitrary>], iteration_bounds = array<i64: 5>, scalar_prefetch = 0 : i64, scratch_operands = 0 : i64, tpu.core_type = #tpu.core_type<tc>, window_params = [{transform_indices = @transform_0, window_bounds = array<i64: 2, 2000, 32>}, {transform_indices = @transform_1, window_bounds = array<i64: 2000, 64>}, {transform_indices = @transform_2, window_bounds = array<i64: 2000, 16>}, {transform_indices = @transform_3, window_bounds = array<i64: 2000, 16>}, {pipeline_mode = #tpu.pipeline_mode<synchronous>, transform_indices = @transform_4, window_bounds = array<i64: 1, 64>}, {transform_indices = @transform_5, window_bounds = array<i64: 2000, 64>}]} {
    %get3A = arith.constant 0 : index
    %get3A_0 = arith.constant 0 : index
    %get3A_1 = arith.constant 0 : index
    %get3A_2 = vector.load %arg1[%get3A, %get3A_0, %get3A_1] : memref<2x2000x32xf32, #tpu.memory_space<vmem>>, vector<1x2000x32xf32>
    %get3A_3 = vector.shape_cast %get3A_2 : vector<1x2000x32xf32> to vector<2000x32xf32>
    %get3A_4 = arith.constant 1 : index
    %get3A_5 = arith.constant 0 : index
    %get3A_6 = arith.constant 0 : index
    %get3A_7 = vector.load %arg1[%get3A_4, %get3A_5, %get3A_6] : memref<2x2000x32xf32, #tpu.memory_space<vmem>>, vector<1x2000x32xf32>
    %get3A_8 = vector.shape_cast %get3A_7 : vector<1x2000x32xf32> to vector<2000x32xf32>
    %concatenate3A = tpu.concatenate %get3A_3, %get3A_8 in 1 : vector<2000x32xf32>, vector<2000x32xf32> -> vector<2000x64xf32>
    %get3A_9 = arith.constant 0 : index
    %get3A_10 = arith.constant 0 : index
    %get3A_11 = vector.load %arg3[%get3A_9, %get3A_10] : memref<2000x16xf32, #tpu.memory_space<vmem>>, vector<2000x1xf32>
    %mul3A = vector.broadcast %get3A_11 : vector<2000x1xf32> to vector<2000x64xf32>
    %mul3A_12 = arith.mulf %mul3A, %concatenate3A : vector<2000x64xf32>
    %get3A_13 = arith.constant 0 : index
    %get3A_14 = arith.constant 0 : index
    %get3A_15 = vector.load %arg4[%get3A_13, %get3A_14] : memref<2000x16xf32, #tpu.memory_space<vmem>>, vector<2000x1xf32>
    %get3A_16 = arith.constant 0 : index
    %get3A_17 = arith.constant 0 : index
    %get3A_18 = vector.load %arg2[%get3A_16, %get3A_17] : memref<2000x64xf32, #tpu.memory_space<vmem>>, vector<2000x64xf32>
    %mul3A_19 = vector.broadcast %get3A_15 : vector<2000x1xf32> to vector<2000x64xf32>
    %mul3A_20 = arith.mulf %mul3A_19, %get3A_18 : vector<2000x64xf32>
    %add3A = arith.addf %mul3A_12, %mul3A_20 : vector<2000x64xf32>
    %get3A_21 = arith.constant 0 : index
    %get3A_22 = arith.constant 0 : index
    %get3A_23 = vector.load %arg5[%get3A_21, %get3A_22] : memref<1x64xf32, #tpu.memory_space<vmem>>, vector<1x64xf32>
    %add3A_24 = vector.broadcast %get3A_23 : vector<1x64xf32> to vector<2000x64xf32>
    %add3A_25 = arith.addf %add3A, %add3A_24 : vector<2000x64xf32>
    %swap3A = arith.constant 0 : index
    %swap3A_26 = arith.constant 0 : index
    %swap3A_27 = vector.load %arg6[%swap3A, %swap3A_26] : memref<2000x64xf32, #tpu.memory_space<vmem>>, vector<2000x64xf32>
    tpu.vector_store %arg6[%swap3A, %swap3A_26], %add3A_25 {strides = array<i32>} : memref<2000x64xf32, #tpu.memory_space<vmem>>, vector<2000x64xf32>,
    return
  }
  func.func @transform_0(%arg0: i32) -> (i32, i32, i32) {
    %c0_i32 = arith.constant 0 : i32
    %c0_i32_0 = arith.constant 0 : i32
    %c0_i32_1 = arith.constant 0 : i32
    return %c0_i32, %arg0, %c0_i32_0 : i32, i32, i32
  }
  func.func @transform_1(%arg0: i32) -> (i32, i32) {
    %c0_i32 = arith.constant 0 : i32
    %c0_i32_0 = arith.constant 0 : i32
    return %arg0, %c0_i32 : i32, i32
  }
  func.func @transform_2(%arg0: i32) -> (i32, i32) {
    %c0_i32 = arith.constant 0 : i32
    %c0_i32_0 = arith.constant 0 : i32
    return %arg0, %c0_i32 : i32, i32
  }
  func.func @transform_3(%arg0: i32) -> (i32, i32) {
    %c0_i32 = arith.constant 0 : i32
    %c0_i32_0 = arith.constant 0 : i32
    return %arg0, %c0_i32 : i32, i32
  }
  func.func @transform_4(%arg0: i32) -> (i32, i32) {
    %c0_i32 = arith.constant 0 : i32
    %c0_i32_0 = arith.constant 0 : i32
    %c0_i32_1 = arith.constant 0 : i32
    return %c0_i32, %c0_i32_0 : i32, i32
  }
  func.func @transform_5(%arg0: i32) -> (i32, i32) {
    %c0_i32 = arith.constant 0 : i32
    %c0_i32_0 = arith.constant 0 : i32
    return %arg0, %c0_i32 : i32, i32
  }
}

</mosaic_0001>

<sc_bundles>
// kernel: kernel.11.cloned.1.call-start
scs
__scs_entry_jumppad:
0x0: {  	(pc) =	sbr.rel $0x88, $3  }
0x1: {  	(tag) =	ssettag $0x0;
	lr =	simm.s32 $0x1  }
0x2: {  	[smem:$0x3F9B] =	sst lr;
	_ =	strace $0xD0000000  }
0x3: {  	_ = 	snop  }
0x4: {  	_ = 	snop  }
0x5: {  	_ = 	snop  }
0x6: {  	_ = 	snop  }
0x7: {  	_ = 	snop  }
__scs_overlays_trampoline_lowered:
0x8: {  	[smem:$0x3FAA] =	sst s0  }
0x9: {  	[smem:$0x3FAB] =	sst s1  }
0xa: {  	[smem:$0x3FAC] =	sst s2  }
0xb: {  	[smem:$0x3FAD] =	sst s3  }
0xc: {  	[smem:$0x3FAE] =	sst s4  }
0xd: {  	[smem:$0x3FAF] =	sst s5  }
0xe: {  	[smem:$0x3FB0] =	sst s6  }
0xf: {  	[smem:$0x3FB1] =	sst s7  }
0x10: {  	[smem:$0x3FB2] =	sst s8  }
0x11: {  	[smem:$0x3FB3] =	sst s9;
	s0 =	simm.s32 @!p0 $0x0  }
0x12: {  	s1 =	sld [smem:$0x3F99];
	s0 =	simm.s32 @p0 $0x1  }
0x13: {  	[smem:$0x3FB4] =	sst s0;
	s0 =	simm.s32 @!p1 $0x0  }
0x14: {  	s2 =	sld [smem:$0x3F98];
	s0 =	simm.s32 @p1 $0x1  }
0x15: {  	[smem:$0x3FB5] =	sst s0;
	s0 =	simm.s32 @!p2 $0x0  }
0x16: {  	s3 =	sld [smem:$0x3FDB];
	s0 =	simm.s32 @p2 $0x1  }
0x17: {  	s4 =	simm.s32 $0x1BF5;
	[smem:$0x3FB7] =	sst s0  }
0x18: {  	s0 =	sld [smem:$0x3F9A];
	_ =	swait.ge [sflag:s4], $0x0  }
0x19: {  	s7 =	sld [smem:$0x3F9B]  }
0x1a: {  	s8 =	sadd.s32 $0xFFFFE003, lr  }
0x1b: {  	s9 =	sadd.s32 $0xFFFFFEF7, lr;
	s5 =	simm.s32 $0xFFFFFFFF;
	p2 =	slt.u32 s8, $0xFFFFF086  }
0x1c: {  	p1 =	slt.u32 s9, $0xF7A;
	s5 =	simm.s32 @!p2 $0x0  }
0x1d: {  	s5 =	simm.s32 @p1 $0x1;
	p0 =	seq.s32 s7, s2  }
0x1e: {  	s7 =	smul.u32 @!p0 $0xF7A, s2;
	p2 =	seq.s32 @!p0 s5, $0x0  }
0x1f: {  	s9 =	smul.u32 $0xF7A, s1;
	s8 =	simm.s32 @!p0 $0x1BF5;
	p2 =	por !p2, p0  }
0x20: {  	[sflag:s8] =	ssyncset.s32 @!p0 $0xFFFFF086;
	s6 =	sadd.s32 @!p0 s3, s7;
	s7 =	simm.s32 @!p0 $0x108  }
0x21: {  	s3 =	sadd.s32 s3, s9;
	s6 =	sadd.s32 @!p0 $0x88, s6;
	s7 =	simm.s32 @p2 $0x1082  }
0x22: {  	[simem:s7], [sflag:s8] =	dma.local @!p0 [hbm:s6], $0xF7A  }
0x23: {  	s9 =	sor.u32 $0xD0000000, s2;
	s6 =	simm.s32 $0x108;
	_ =	swait.ge @!p0 [sflag:s8], $0x0  }
0x24: {  	s3 =	sadd.s32 $0x88, s3;
	s6 =	simm.s32 @!p1 $0x1082;
	[sflag:s4] =	ssyncset.s32 $0xFFFFF086  }
0x25: {  	[simem:s6], [sflag:s4] =	dma.local [hbm:s3], $0xF7A  }
0x26: {  	[smem:$0x3F9B] =	sst s1;
	(tag) =	ssettag s2;
	_ =	strace s9  }
0x27: {  	s1 =	sld [smem:$0x3FAB]  }
0x28: {  	s2 =	sld [smem:$0x3FAC]  }
0x29: {  	s4 =	sld [smem:$0x3FAE]  }
0x2a: {  	p0 =	seq.s32 s5, $0x0;
	s5 =	sld [smem:$0x3FAF]  }
0x2b: {  	s6 =	sld [smem:$0x3FB0]  }
0x2c: {  	s7 =	sld [smem:$0x3FB1]  }
0x2d: {  	s3 =	simm.s32 $0x108;
	s8 =	sld [smem:$0x3FB2]  }
0x2e: {  	s3 =	simm.s32 @!p0 $0x1082;
	s9 =	sld [smem:$0x3FB3]  }
0x2f: {  	lr =	sadd.s32 s0, s3;
	s0 =	sld [smem:$0x3FAA]  }
0x30: {  	s3 =	sld [smem:$0x3FAD]  }
0x31: {  	[smem:$0x3FB6] =	sst s10  }
0x32: {  	s10 =	sld [smem:$0x3FB4];
	_ =	sdelay $0x3  }
0x33: {  	p0 =	seq.s32 s10, $0x1;
	s10 =	sld [smem:$0x3FB6];
	_ =	sdelay $0x3  }
0x34: {  	[smem:$0x3FB6] =	sst s10  }
0x35: {  	s10 =	sld [smem:$0x3FB5];
	_ =	sdelay $0x3  }
0x36: {  	p1 =	seq.s32 s10, $0x1;
	s10 =	sld [smem:$0x3FB6];
	_ =	sdelay $0x3  }
0x37: {  	[smem:$0x3FB6] =	sst s10  }
0x38: {  	s10 =	sld [smem:$0x3FB7]  }
0x39: {  	_ = 	snop;
	(pc) =	sbr.ind lr, $3  }
0x3a: {  	_ = 	snop  }
0x3b: {  	_ = 	snop  }
0x3c: {  	p2 =	seq.s32 s10, $0x1;
	s10 =	sld [smem:$0x3FB6]  }
0x3d: {  	_ =	shalt  }
0x3e: {  	_ =	shalt  }
0x3f: {  	_ =	shalt  }
0x40: {  	_ =	shalt  }
0x41: {  	_ =	shalt  }
0x42: {  	_ =	shalt  }
0x43: {  	_ =	shalt  }
0x44: {  	_ =	shalt  }
0x45: {  	_ =	shalt  }
0x46: {  	_ =	shalt  }
0x47: {  	_ =	shalt  }
0x48: {  	_ =	shalt  }
0x49: {  	_ =	shalt  }
0x4a: {  	_ =	shalt  }
0x4b: {  	_ =	shalt  }
0x4c: {  	_ =	shalt  }
0x4d: {  	_ =	shalt  }
0x4e: {  	_ =	shalt  }
0x4f: {  	_ =	shalt  }
0x50: {  	_ =	shalt  }
0x51: {  	_ =	shalt  }
0x52: {  	_ =	shalt  }
0x53: {  	_ =	shalt  }
0x54: {  	_ =	shalt  }
0x55: {  	_ =	shalt  }
0x56: {  	_ =	shalt  }
0x57: {  	_ =	shalt  }
0x58: {  	_ =	shalt  }
0x59: {  	_ =	shalt  }
0x5a: {  	_ =	shalt  }
0x5b: {  	_ =	shalt  }
0x5c: {  	_ =	shalt  }
0x5d: {  	_ =	shalt  }
0x5e: {  	_ =	shalt  }
0x5f: {  	_ =	shalt  }
0x60: {  	_ =	shalt  }
0x61: {  	_ =	shalt  }
0x62: {  	_ =	shalt  }
0x63: {  	_ =	shalt  }
0x64: {  	_ =	shalt  }
0x65: {  	_ =	shalt  }
0x66: {  	_ =	shalt  }
0x67: {  	_ =	shalt  }
0x68: {  	_ =	shalt  }
0x69: {  	_ =	shalt  }
0x6a: {  	_ =	shalt  }
0x6b: {  	_ =	shalt  }
0x6c: {  	_ =	shalt  }
0x6d: {  	_ =	shalt  }
0x6e: {  	_ =	shalt  }
0x6f: {  	_ =	shalt  }
0x70: {  	_ =	shalt  }
0x71: {  	_ =	shalt  }
0x72: {  	_ =	shalt  }
0x73: {  	_ =	shalt  }
0x74: {  	_ =	shalt  }
0x75: {  	_ =	shalt  }
0x76: {  	_ =	shalt  }
0x77: {  	_ =	shalt  }
0x78: {  	_ =	shalt  }
0x79: {  	_ =	shalt  }
0x7a: {  	_ =	shalt  }
0x7b: {  	_ =	shalt  }
0x7c: {  	_ =	shalt  }
0x7d: {  	_ =	shalt  }
0x7e: {  	_ =	shalt  }
0x7f: {  	_ =	shalt  }
0x80: {  	_ =	shalt  }
0x81: {  	_ =	shalt  }
0x82: {  	_ =	shalt  }
0x83: {  	_ =	shalt  }
0x84: {  	_ =	shalt  }
0x85: {  	_ =	shalt  }
0x86: {  	_ =	shalt  }
0x87: {  	_ =	shalt  }
.Lfunc_end0:
.L_simem_size_0:
called_computation.1_lowered:
.L_overlay_start_0:
0x88: {  	s2 =	sld [smem:$0x3FD9]  }
0x89: {  	s3 =	sld [smem:$0x3FFE];
	_ =	sdelay $0x1  }
0x8a: {  	s1 =	srdreg.scid  }
0x8b: {  	s0 =	sand.u32 $0x1, s1  }
0x8c: {  	s17 =	sshll.u32 s0, $0xA;
	s2 =	sadd.s32 s3, s2  }
0x8d: {  	s2 =	sadd.s32 s2, s17  }
0x8e: {  	[smem:$0x3FC2] =	sst s2  }
0x8f: {  	_ = 	snop  }
0x90: {  	s2 =	sld [smem:$0x3FD0];
	(tm) =	ssettm $0x1  }
0x91: {  	s18 =	sld [smem:$0x3FFB];
	_ =	sdelay $0x3  }
0x92: {  	_ =	strace s18  }
0x93: {  	s3 =	sld [smem:$0x3FFC];
	_ =	sdelay $0x3  }
0x94: {  	_ =	strace s3  }
0x95: {  	s3 =	sld [smem:$0x3FFD];
	_ =	sdelay $0x3  }
0x96: {  	_ =	strace s3  }
0x97: {  	_ =	strace $0x8FFFFFFF  }
0x98: {  	s19 =	sld [smem:$0x3FDB];
	_ =	sdelay $0x1  }
0x99: {  	s4 =	simm.s32 $_scs_section_size  }
0x9a: {  	s5 =	simm.s32 $_size__tile_overlayer_lowered;
	s6 =	simm.s32 $_tile_overlayer_lowered  }
0x9b: {  	s22 =	simm.s32 $0x1BFF;
	s21 =	sshll.u32 s6, $0x1;
	s3 =	sadd.s32 s4, s19  }
0x9c: {  	s7 =	simm.s32 $0x0;
	s20 =	sshll.u32 s5, $0x1;
	s5 =	sadd.s32 s21, s3  }
0x9d: {  	[timem:s7], [sflag:s22] =	dma.local [hbm:s5], s20  }
0x9e: {  	_ =	swait.ge [sflag:s22], s20  }
0x9f: {  	s4 =	ssub.s32 $0x0, s20;
	[sflag:s22] =	ssyncset.done $0x0  }
0xa0: {  	[sflag:s22] =	ssyncadd.s32 s4;
	_ =	sdelay $0x1  }
0xa1: {  	s23 =	simm.s32 $0x1B8B  }
0xa2: {  	_ =	swait.ge [sflag:s23], $0x1  }
0xa3: {  	[sflag:s23] =	ssyncset.done $0x0  }
0xa4: {  	s25 =	simm.s32 $0x1B8E;
	s24 =	sld [smem:$0x3FFE];
	[sflag:s23] =	ssyncadd.s32 $0xFFFFFFFF  }
0xa5: {  	s26 =	simm.s32 $execute0_lowered;
	[smem:$0x3FD2] =	sst s25  }
0xa6: {  	s5 =	sshll.u32 s26, $0x1;
	_ =	strace $0x80000049;
	[dreg:$0x1] =	wrdreg $0xFFFFFFFF  }
0xa7: {  	s28 =	simm.s32 $_size_execute0_lowered;
	s3 =	sadd.s32 s3, s5;
	[dreg:$0x0] =	wrdreg $0x0  }
0xa8: {  	s5 =	sshll.u32 s28, $0x1;
	[dreg:$0x2] =	wrdreg s3  }
0xa9: {  	[dreg:$0x3] =	wrdreg s5  }
0xaa: {  	[dreg:$0x4] =	wrdreg $0xC0  }
0xab: {  	_ =	task [dreg:s7], $0x5FFFF  }
0xac: {  	[dreg:$0x1] =	wrdreg $0xFFFFFFFF  }
0xad: {  	[dreg:$0x0] =	wrdreg $0x60  }
0xae: {  	[dreg:$0x2] =	wrdreg s24  }
0xaf: {  	[dreg:$0x3] =	wrdreg s2  }
0xb0: {  	[dreg:$0x4] =	wrdreg $0xA6800  }
0xb1: {  	[dreg:$0x5] =	wrdreg $0x9  }
0xb2: {  	_ =	task.clear_ibuf [dreg:s7], $0x6FFFF;
	_ =	strace $0x90000049  }
0xb3: {  	s29 =	simm.s32 $0x9;
	_ =	strace $0x8000004B  }
0xb4: {  	_ =	swait.ge [sflag:s29], $0x1  }
0xb5: {  	[sflag:s29] =	ssyncadd.s32 $0xFFFFFFFF  }
0xb6: {  	_ =	strace $0x9000004B  }
0xb7: {  	_ =	sfence  }
0xb8: {  	s30 =	sld [smem:$0x0];
	_ =	sdelay $0x2  }
0xb9: {  	s31 =	sshll.u32 s1, $0xD;
	s1 =	sshrl.u32 s1, $0x2  }
0xba: {  	s3 =	sand.u32 $0x4000, s31;
	s1 =	sadd.s32 s1, s30  }
0xbb: {  	s0 =	sor.u32 s3, s0;
	s1 =	sshll.u32 s1, $0x11  }
0xbc: {  	s0 =	sor.u32 s1, s0  }
0xbd: {  	s0 =	sadd.s32 $0x8F2B, s0  }
0xbe: {  	[sflag:s0] =	ssyncadd.remote.s32 $0x1  }
0xbf: {  	_ =	sfence.sel $0xFFFF  }
0xc0: {  	[dreg:$0x0] =	wrdreg $0xFFFFFFFF;
	(pc) =	sbr.abs _section_cstart, $3  }
0xc1: {  	[dreg:$0x1] =	wrdreg $0xFFFFFFFF  }
0xc2: {  	_ =	task.clear_ibuf [dreg:s7], $0x2FFFF;
	_ =	strace $0x9FFFFFFF  }
0xc3: {  	(tm) =	ssettm $0x7FFFFFFF  }
tec
execute0_lowered:
.L_overlay_start_1:
0x0: {  	(tag) =	ssettag $0x1  }
0x1: {  	s0 =	rddreg [dreg:$0x0]  }
0x2: {  	s2 =	rddreg [dreg:$0x2]  }
0x3: {  	s3 =	simm.s32 $0x0;
	s1 =	srdreg.scid;
	s18 =	stileid.u32  }
0x4: {  	s17 =	simm.s32 $0x8;
	s21 =	simm.s32 $0x60;
	s28 =	simm.s32 $0x7  }
0x5: {  	s29 =	simm.s32 $0x4;
	s30 =	simm.s32 $0x5;
	s31 =	simm.s32 $0x6  }
0x6: {  	[smem:$0x7FF] =	sst s3;
	s1 =	sand.u32 $0x1, s1;
	s7 =	smul.u32 $0x2760, s18  }
0x7: {  	s5 =	sadd.s32 $0xBA00, s0;
	s6 =	sadd.s32 $0x6A00, s0;
	s24 =	smul.u32 $0x4E400, s18  }
0x8: {  	s8 =	sadd.s32 $0x15800, s0;
	s0 =	sadd.s32 $0x63A00, s0;
	s15 =	smul.u32 $0x13800, s18  }
0x9: {  	p0 =	sne.s32 s18, $0x0;
	s4 =	smul.u32 $0x27600, s1;
	s12 =	ssub.s32 $0x2, s1  }
0xa: {  	_ =	strace $0x8000004A;
	s1 =	smul.u32 $0x138800, s1;
	s13 =	sshrl.u32 s12, $0x1  }
0xb: {  	s11 =	sshrl.u32 s7, $0x3;
	s26 =	sadd.s32 s15, s2;
	s9 =	sadd.s32 s7, s4  }
0xc: {  	s11 =	sadd.s32 s6, s11;
	s16 =	ssub.s32 s12, s13;
	s4 =	sshrl.u32 s24, $0x2  }
0xd: {  	s14 =	sadd.s32 s15, s1;
	s1 =	sshrl.u32 s1, $0x3;
	s24 =	sshrl.u32 s26, $0x3  }
0xe: {  	s10 =	sshrl.u32 s9, $0x3;
	s25 =	sadd.s32 $0xB4, s11;
	s4 =	sadd.s32 s4, s2  }
.Ltmp0:
0xf: {  	s14 =	sshrl.u32 s14, $0x3;
	s1 =	sadd.s32 s0, s1;
	(pc) =	sbr.rel .LBB2_1-.Ltmp0, $4  }
0x10: {  	s16 =	smax.u32 s16, $0x1;
	s10 =	sadd.s32 s5, s10;
	[dreg:$0x6] =	wrdreg s25  }
0x11: {  	s14 =	sadd.s32 s0, s14;
	s15 =	sadd.s32 $0x27000, s1;
	s1 =	sadd.s32 $0x138000, s2  }
0x12: {  	s23 =	sshrl.u32 s4, $0x3;
	[dreg:$0x4] =	wrdreg s10;
	s10 =	sadd.s32 $0xB4, s10  }
0x13: {  	s0 =	simm.s32 $0x0;
	s25 =	sshrl.u32 @!p0 s1, $0x3;
	[dreg:$0x5] =	wrdreg s10  }
.LBB2_7:
0x14: {  	_ =	swait.ge [sflag:s29], $0x3000  }
0x15: {  	[sflag:s29] =	ssyncset.done $0x0  }
0x16: {  	[sflag:s29] =	ssyncadd.s32 $0xFFFFD000  }
0x17: {  	_ =	swait.ge [sflag:s30], $0x3000  }
0x18: {  	[sflag:s30] =	ssyncset.done $0x0  }
0x19: {  	[sflag:s30] =	ssyncadd.s32 $0xFFFFD000  }
0x1a: {  	_ =	swait.ge [sflag:s31], $0x3000  }
0x1b: {  	[sflag:s31] =	ssyncset.done $0x0  }
0x1c: {  	[sflag:s31] =	ssyncadd.s32 $0xFFFFD000  }
0x1d: {  	[bflag:$0x0] =	sbarrier.arrive $0xFFFF  }
0x1e: {  	[hbm:s14], [sflag:s1] =	dma.local [spmem:s24], $0x2700  }
0x1f: {  	_ =	swait.ge [sflag:s17], $0x2700  }
0x20: {  	s0 =	sadd.s32 $0x1, s0;
	[sflag:s17] =	ssyncset.done $0x0  }
0x21: {  	p1 =	sne.s32 s0, s16;
	[sflag:s17] =	ssyncadd.s32 $0xFFFFD900  }
0x22: {  	[hbm:s15], [sflag:s1] =	dma.local @!p0 [spmem:s25], $0x100  }
.Ltmp1:
0x23: {  	_ = 	snop;
	(pc) =	sbr.rel @!p1 .LBB2_8-.Ltmp1, $4  }
0x24: {  	s1 =	simm.s32 @!p0 $0x8  }
0x25: {  	_ =	swait.ge @!p0 [sflag:s1], $0x100  }
0x26: {  	[sflag:s1] =	ssyncset.done @!p0 $0x0  }
0x27: {  	[sflag:s1] =	ssyncadd.s32 @!p0 $0xFFFFFF00  }
.LBB2_1:
0x28: {  	s1 =	rddreg [dreg:$0x4]  }
0x29: {  	[tilespmem:s3], [sflag:$0x8] =	stream.linear.gather [hbm4b:s1+s3], $0x5A0, $0x38;
	[tilespmem:$0x1DF80] =	vst v63  }
0x2a: {  	_ =	swait.ge [sflag:s17], $0x5A0  }
0x2b: {  	[sflag:s17] =	ssyncset.done $0x0  }
0x2c: {  	s10 =	simm.s32 $0xB40;
	[sflag:s17] =	ssyncadd.s32 $0xFFFFFA60  }
0x2d: {  	[tilespmem:s10], [sflag:$0x8] =	stream.linear.gather [hbm4b:s11+s3], $0x5A0, $0x38;
	[tilespmem:$0x1DF80] =	vst v63  }
0x2e: {  	_ =	swait.ge [sflag:s17], $0x5A0  }
0x2f: {  	[sflag:s17] =	ssyncset.done $0x0  }
0x30: {  	s4 =	simm.s32 $0x5A0;
	s12 =	rddreg [dreg:$0x5];
	[sflag:s17] =	ssyncadd.s32 $0xFFFFFA60  }
0x31: {  	[tilespmem:s4], [sflag:$0x7] =	stream.linear.gather [hbm4b:s12+s3], $0x5A0, $0x38;
	[tilespmem:$0x1DF80] =	vst v63  }
0x32: {  	s18 =	simm.s32 $0x10E0;
	s22 =	stileid.u32;
	s13 =	rddreg [dreg:$0x6]  }
0x33: {  	[tilespmem:s18], [sflag:$0x7] =	stream.linear.gather [hbm4b:s13+s3], $0x5A0, $0x38;
	[tilespmem:$0x1DF80] =	vst v63  }
0x34: {  	s19 =	simm.s32 $0x1680;
	s1 =	sshll.u32 s22, $0x6  }
0x35: {  	[tilespmem:s19], [sflag:$0x1] =	stream.indirect.gather [hbm4b:s8+s21], $0x80, s3, s21, $0xb8;
	[tilespmem:$0x1DF80] =	vst v63  }
0x36: {  	s20 =	simm.s32 $0x4680;
	s1 =	sor.u32 $0x1C08, s1;
	s26 =	rddreg [dreg:$0x1]  }
0x37: {  	[tilespmem:s20], [sflag:$0x2] =	stream.indirect.gather [hbm4b:s8+s21], $0x80, s21, s21, $0xb8;
	[tilespmem:$0x1DF80] =	vst v63  }
0x38: {  	[spmem:s23], [sflag:s1] =	dma.local [hbm:s26], $0x2720  }
.Ltmp2:
0x39: {  	_ =	swait.ge [sflag:s17], $0x2720;
	(pc) =	sbr.rel .LBB2_2-.Ltmp2, $4  }
0x3a: {  	[sflag:s17] =	ssyncset.done $0x0  }
0x3b: {  	[sflag:s17] =	ssyncadd.s32 $0xFFFFD8E0  }
0x3c: {  	[bflag:$0x0] =	sbarrier.arrive $0xFFFF  }
0x3d: {  	s4 =	simm.s32 $0x2;
	s18 =	simm.s32 $0x0  }
.LBB2_3:
0x3e: {  	_ =	swait.ge [sflag:s28], $0x5A0  }
0x3f: {  	[sflag:s28] =	ssyncset.done $0x0  }
0x40: {  	[sflag:s28] =	ssyncadd.s32 $0xFFFFFA60  }
0x41: {  	_ =	swait.ge [sflag:s28], $0x5A0  }
0x42: {  	[sflag:s28] =	ssyncset.done $0x0  }
0x43: {  	[sflag:s28] =	ssyncadd.s32 $0xFFFFFA60  }
.LBB2_5:
0x44: {  	s26 =	smulhi.u32 $0x88888889, s4;
	s12 =	sadd.s32 $0x2, s18;
	s13 =	sadd.s32 $0x156, s22  }
0x45: {  	s13 =	sshrl.u32 s13, $0x9;
	s10 =	smul.u32 $0x89, s12  }
0x46: {  	s13 =	sand.u32 $0x7F, s13  }
0x47: {  	s26 =	sshrl.u32 s26, $0x3;
	s13 =	smul.u32 $0x3, s13;
	s10 =	sshrl.u32 s10, $0xB  }
0x48: {  	s26 =	smul.u32 $0xF, s26;
	s10 =	sand.u32 $0x1, s10  }
0x49: {  	p1 =	seq.s32 s10, $0x1;
	s10 =	simm.s32 $0xF  }
0x4a: {  	s12 =	ssub.s32 s12, s13;
	s13 =	ssub.s32 $0x2, s26;
	s10 =	simm.s32 @!p1 $0x0  }
0x4b: {  	s12 =	sand.u32 $0xFF, s12;
	p1 =	seq.s32 s18, $0x0;
	s10 =	sadd.s32 s18, s10  }
0x4c: {  	s26 =	sadd.s32 @!p1 $0x4, s12;
	s10 =	sadd.s32 s13, s10;
	s13 =	smul.u32 $0xC000, s12  }
0x4d: {  	_ =	swait.ge @!p1 [sflag:s26], $0x3000;
	s10 =	smul.u32 $0x180, s10  }
0x4e: {  	s12 =	sadd.s32 $0x1, s12;
	[sflag:s26] =	ssyncset.done @!p1 $0x0;
	s13 =	sshrl.u32 s13, $0x2  }
0x4f: {  	[sflag:s26] =	ssyncadd.s32 @!p1 $0xFFFFD000;
	s13 =	sadd.s32 $0x1680, s13;
	s10 =	sshra.s32 s10, $0x2  }
0x50: {  	[tilespmem:s13], [sflag:s12] =	stream.indirect.gather [hbm4b:s8+s21], $0x80, s10, s21, $0xb8;
	[tilespmem:$0x1DF80] =	vst v63  }
.LBB2_6:
0x51: {  	s10 =	smul.u32 $0x89, s18;
	s12 =	sshrl.u32 s22, $0x9  }
0x52: {  	s12 =	sand.u32 $0x7F, s12  }
0x53: {  	s10 =	sshrl.u32 s10, $0xB;
	s12 =	smul.u32 $0x3, s12  }
0x54: {  	s13 =	sand.u32 $0x1, s10  }
0x55: {  	p1 =	seq.s32 s13, $0x1;
	s13 =	simm.s32 $0xF;
	s12 =	ssub.s32 s18, s12  }
0x56: {  	s20 =	smul.u32 $0xFFFFFFF1, s20;
	s13 =	simm.s32 @!p1 $0x0;
	s12 =	sand.u32 $0xFF, s12  }
0x57: {  	s13 =	sadd.s32 s18, s13;
	s26 =	sadd.s32 $0x1, s12  }
0x58: {  	s22 =	smul.u32 $0xC000, s12;
	s13 =	sadd.s32 s20, s13;
	_ =	swait.ge [sflag:s26], $0x3000  }
0x59: {  	s10 =	sand.u32 $0x1F, s10;
	s13 =	smul.u32 $0x180, s13;
	[sflag:s26] =	ssyncset.done $0x0  }
0x5a: {  	s12 =	sadd.s32 $0x4, s12;
	[sflag:s26] =	ssyncadd.s32 $0xFFFFD000;
	s26 =	sadd.s32 $0xFFFFFFFF, s10  }
0x5b: {  	s20 =	sshrl.u32 s22, $0x2;
	s13 =	sshra.s32 s13, $0x2;
	p2 =	sgt.u32 s26, $0x4  }
0x5c: {  	s20 =	sadd.s32 $0x1680, s20;
	s13 =	sadd.s32 $0xB40, s13;
	p3 =	sne.s32 @!p2 s19, s18  }
0x5d: {  	[spmem:s2] =	stream.indirect.scatter.add.f32 [tilespmem:s20], [sflag:s12], $0x80, s13, s21, $0xb8;
	[tilespmem:$0x1DF80] =	vst v63  }
0x5e: {  	s10 =	sadd.s32 $0x1, s10;
	p1 =	por p3, p2  }
0x5f: {  	s12 =	smul.u32 @!p1 $0x5A0, s10;
	s10 =	sand.u32 @!p1 $0x1, s10  }
0x60: {  	p4 =	seq.s32 @!p1 s10, $0x1  }
0x61: {  	s10 =	sadd.s32 @!p1 s9, s12;
	p3 =	por @!p2 !p4, p3  }
0x62: {  	s13 =	simm.s32 @!p1 $0x5A0;
	p2 =	por !p3, p2;
	s10 =	sshrl.u32 @!p1 s10, $0x3  }
0x63: {  	s19 =	simm.s32 @!p1 $0x0;
	s13 =	simm.s32 @!p2 $0x0;
	s10 =	sadd.s32 @!p1 s5, s10  }
0x64: {  	[tilespmem:s13], [sflag:$0x7] =	stream.linear.gather @!p1 [hbm4b:s10+s19], $0x5A0, $0x38;
	[tilespmem:$0x1DF80] =	vst v63  }
0x65: {  	s10 =	sadd.s32 @!p1 s7, s12  }
0x66: {  	s10 =	sshrl.u32 @!p1 s10, $0x3  }
0x67: {  	s18 =	sadd.s32 $0x1, s18;
	s12 =	sadd.s32 @!p1 $0xB40, s13;
	s10 =	sadd.s32 @!p1 s6, s10  }
0x68: {  	[tilespmem:s12], [sflag:$0x7] =	stream.linear.gather @!p1 [hbm4b:s10+s19], $0x5A0, $0x38;
	[tilespmem:$0x1DF80] =	vst v63  }
0x69: {  	p1 =	sne.s32 s18, $0x69  }
.Ltmp3:
0x6a: {  	_ = 	snop;
	(pc) =	sbr.rel @!p1 .LBB2_7-.Ltmp3, $2  }
0x6b: {  	_ =	sdelay $0x2  }
0x6c: {  	s4 =	sadd.s32 $0x1, s4  }
.LBB2_2:
0x6d: {  	s19 =	smulhi.u32 $0x88888889, s18;
	_ =	sdelay $0x1  }
0x6e: {  	s20 =	sshrl.u32 s19, $0x3  }
0x6f: {  	s19 =	smul.u32 $0xF, s20;
	_ =	sdelay $0x1  }
0x70: {  	p1 =	sgt.u32 s18, $0x59;
	s22 =	sadd.s32 $0xC, s19  }
0x71: {  	p2 =	sne.s32 @!p1 s22, s18  }
0x72: {  	p1 =	por p1, p2  }
.Ltmp4:
0x73: {  	_ = 	snop;
	(pc) =	sbr.rel @!p1 .LBB2_3-.Ltmp4, $2  }
0x74: {  	_ =	sdelay $0x2  }
0x75: {  	s22 =	smul.u32 $0xAB, s18  }
0x76: {  	p1 =	sgt.u32 s18, $0x66  }
.Ltmp5:
0x77: {  	_ = 	snop;
	(pc) =	sbr.rel @p1 .LBB2_6-.Ltmp5, $4  }
.Ltmp6:
0x78: {  	_ = 	snop;
	(pc) =	sbr.rel @!p1 .LBB2_5-.Ltmp6, $4  }
0x79: {  	_ = 	snop  }
0x7a: {  	_ = 	snop  }
0x7b: {  	_ = 	snop  }
0x7c: {  	_ = 	snop  }
.LBB2_8:
0x7d: {  	_ =	sfence.sel $0x180000  }
0x7e: {  	[bflag:$0x0] =	sbarrier.arrive $0xFFFF  }
0x7f: {  	_ =	strace $0x9000004A  }
0x80: {  	[bflag:$0x2] =	sbarrier.arrive $0xFFFF  }
0x81: {  	s0 =	rddreg [dreg:$0x3]  }
0x82: {  	s0 =	sadd.s32 @!p0 $0x100000, s0  }
0x83: {  	[sflag:s0] =	ssyncadd.tile.s32 @!p0 $0x1;
	_ =	shalt  }
.Lfunc_end2:
_tile_overlayer_lowered:
.L_overlay_start_2:
0x84: {  	(tag) =	ssettag $0x2  }
0x85: {  	s0 =	rddreg [dreg:$0x0];
	s2 =	stileid.u32  }
0x86: {  	s1 =	rddreg [dreg:$0x1];
	p0 =	sne.s32 s2, $0x0  }
0x87: {  	s3 =	rddreg [dreg:$0x2];
	[bflag:$0x3] =	sbarrier.arrive $0xFFFF;
	s2 =	simm.s32 @!p0 $0x1C08  }
0x88: {  	[timem:s3], [sflag:s2] =	dma.local @!p0 [hbm:s0], s1  }
0x89: {  	s0 =	simm.s32 @!p0 $0x8  }
0x8a: {  	_ =	swait.ge @!p0 [sflag:s0], s1  }
0x8b: {  	s1 =	ssub.s32 @!p0 $0x0, s1;
	[sflag:s0] =	ssyncset.done @!p0 $0x0  }
0x8c: {  	[sflag:s0] =	ssyncadd.s32 @!p0 s1  }
0x8d: {  	[bflag:$0x3] =	sbarrier.arrive $0xFFFF  }
0x8e: {  	_ =	shalt  }

// kernel: kernel.14.cloned.1.call-start
scs
__scs_entry_jumppad:
0x0: {  	(pc) =	sbr.rel $0x88, $3  }
0x1: {  	(tag) =	ssettag $0x0;
	lr =	simm.s32 $0x1  }
0x2: {  	[smem:$0x3F9B] =	sst lr;
	_ =	strace $0xD0000000  }
0x3: {  	_ = 	snop  }
0x4: {  	_ = 	snop  }
0x5: {  	_ = 	snop  }
0x6: {  	_ = 	snop  }
0x7: {  	_ = 	snop  }
__scs_overlays_trampoline_lowered:
0x8: {  	[smem:$0x3FAA] =	sst s0  }
0x9: {  	[smem:$0x3FAB] =	sst s1  }
0xa: {  	[smem:$0x3FAC] =	sst s2  }
0xb: {  	[smem:$0x3FAD] =	sst s3  }
0xc: {  	[smem:$0x3FAE] =	sst s4  }
0xd: {  	[smem:$0x3FAF] =	sst s5  }
0xe: {  	[smem:$0x3FB0] =	sst s6  }
0xf: {  	[smem:$0x3FB1] =	sst s7  }
0x10: {  	[smem:$0x3FB2] =	sst s8  }
0x11: {  	[smem:$0x3FB3] =	sst s9;
	s0 =	simm.s32 @!p0 $0x0  }
0x12: {  	s1 =	sld [smem:$0x3F99];
	s0 =	simm.s32 @p0 $0x1  }
0x13: {  	[smem:$0x3FB4] =	sst s0;
	s0 =	simm.s32 @!p1 $0x0  }
0x14: {  	s2 =	sld [smem:$0x3F98];
	s0 =	simm.s32 @p1 $0x1  }
0x15: {  	[smem:$0x3FB5] =	sst s0;
	s0 =	simm.s32 @!p2 $0x0  }
0x16: {  	s3 =	sld [smem:$0x3FDB];
	s0 =	simm.s32 @p2 $0x1  }
0x17: {  	s4 =	simm.s32 $0x1BF5;
	[smem:$0x3FB7] =	sst s0  }
0x18: {  	s0 =	sld [smem:$0x3F9A];
	_ =	swait.ge [sflag:s4], $0x0  }
0x19: {  	s7 =	sld [smem:$0x3F9B]  }
0x1a: {  	s8 =	sadd.s32 $0xFFFFE003, lr  }
0x1b: {  	s9 =	sadd.s32 $0xFFFFFEF7, lr;
	s5 =	simm.s32 $0xFFFFFFFF;
	p2 =	slt.u32 s8, $0xFFFFF086  }
0x1c: {  	p1 =	slt.u32 s9, $0xF7A;
	s5 =	simm.s32 @!p2 $0x0  }
0x1d: {  	s5 =	simm.s32 @p1 $0x1;
	p0 =	seq.s32 s7, s2  }
0x1e: {  	s7 =	smul.u32 @!p0 $0xF7A, s2;
	p2 =	seq.s32 @!p0 s5, $0x0  }
0x1f: {  	s9 =	smul.u32 $0xF7A, s1;
	s8 =	simm.s32 @!p0 $0x1BF5;
	p2 =	por !p2, p0  }
0x20: {  	[sflag:s8] =	ssyncset.s32 @!p0 $0xFFFFF086;
	s6 =	sadd.s32 @!p0 s3, s7;
	s7 =	simm.s32 @!p0 $0x108  }
0x21: {  	s3 =	sadd.s32 s3, s9;
	s6 =	sadd.s32 @!p0 $0x88, s6;
	s7 =	simm.s32 @p2 $0x1082  }
0x22: {  	[simem:s7], [sflag:s8] =	dma.local @!p0 [hbm:s6], $0xF7A  }
0x23: {  	s9 =	sor.u32 $0xD0000000, s2;
	s6 =	simm.s32 $0x108;
	_ =	swait.ge @!p0 [sflag:s8], $0x0  }
0x24: {  	s3 =	sadd.s32 $0x88, s3;
	s6 =	simm.s32 @!p1 $0x1082;
	[sflag:s4] =	ssyncset.s32 $0xFFFFF086  }
0x25: {  	[simem:s6], [sflag:s4] =	dma.local [hbm:s3], $0xF7A  }
0x26: {  	[smem:$0x3F9B] =	sst s1;
	(tag) =	ssettag s2;
	_ =	strace s9  }
0x27: {  	s1 =	sld [smem:$0x3FAB]  }
0x28: {  	s2 =	sld [smem:$0x3FAC]  }
0x29: {  	s4 =	sld [smem:$0x3FAE]  }
0x2a: {  	p0 =	seq.s32 s5, $0x0;
	s5 =	sld [smem:$0x3FAF]  }
0x2b: {  	s6 =	sld [smem:$0x3FB0]  }
0x2c: {  	s7 =	sld [smem:$0x3FB1]  }
0x2d: {  	s3 =	simm.s32 $0x108;
	s8 =	sld [smem:$0x3FB2]  }
0x2e: {  	s3 =	simm.s32 @!p0 $0x1082;
	s9 =	sld [smem:$0x3FB3]  }
0x2f: {  	lr =	sadd.s32 s0, s3;
	s0 =	sld [smem:$0x3FAA]  }
0x30: {  	s3 =	sld [smem:$0x3FAD]  }
0x31: {  	[smem:$0x3FB6] =	sst s10  }
0x32: {  	s10 =	sld [smem:$0x3FB4];
	_ =	sdelay $0x3  }
0x33: {  	p0 =	seq.s32 s10, $0x1;
	s10 =	sld [smem:$0x3FB6];
	_ =	sdelay $0x3  }
0x34: {  	[smem:$0x3FB6] =	sst s10  }
0x35: {  	s10 =	sld [smem:$0x3FB5];
	_ =	sdelay $0x3  }
0x36: {  	p1 =	seq.s32 s10, $0x1;
	s10 =	sld [smem:$0x3FB6];
	_ =	sdelay $0x3  }
0x37: {  	[smem:$0x3FB6] =	sst s10  }
0x38: {  	s10 =	sld [smem:$0x3FB7]  }
0x39: {  	_ = 	snop;
	(pc) =	sbr.ind lr, $3  }
0x3a: {  	_ = 	snop  }
0x3b: {  	_ = 	snop  }
0x3c: {  	p2 =	seq.s32 s10, $0x1;
	s10 =	sld [smem:$0x3FB6]  }
0x3d: {  	_ =	shalt  }
0x3e: {  	_ =	shalt  }
0x3f: {  	_ =	shalt  }
0x40: {  	_ =	shalt  }
0x41: {  	_ =	shalt  }
0x42: {  	_ =	shalt  }
0x43: {  	_ =	shalt  }
0x44: {  	_ =	shalt  }
0x45: {  	_ =	shalt  }
0x46: {  	_ =	shalt  }
0x47: {  	_ =	shalt  }
0x48: {  	_ =	shalt  }
0x49: {  	_ =	shalt  }
0x4a: {  	_ =	shalt  }
0x4b: {  	_ =	shalt  }
0x4c: {  	_ =	shalt  }
0x4d: {  	_ =	shalt  }
0x4e: {  	_ =	shalt  }
0x4f: {  	_ =	shalt  }
0x50: {  	_ =	shalt  }
0x51: {  	_ =	shalt  }
0x52: {  	_ =	shalt  }
0x53: {  	_ =	shalt  }
0x54: {  	_ =	shalt  }
0x55: {  	_ =	shalt  }
0x56: {  	_ =	shalt  }
0x57: {  	_ =	shalt  }
0x58: {  	_ =	shalt  }
0x59: {  	_ =	shalt  }
0x5a: {  	_ =	shalt  }
0x5b: {  	_ =	shalt  }
0x5c: {  	_ =	shalt  }
0x5d: {  	_ =	shalt  }
0x5e: {  	_ =	shalt  }
0x5f: {  	_ =	shalt  }
0x60: {  	_ =	shalt  }
0x61: {  	_ =	shalt  }
0x62: {  	_ =	shalt  }
0x63: {  	_ =	shalt  }
0x64: {  	_ =	shalt  }
0x65: {  	_ =	shalt  }
0x66: {  	_ =	shalt  }
0x67: {  	_ =	shalt  }
0x68: {  	_ =	shalt  }
0x69: {  	_ =	shalt  }
0x6a: {  	_ =	shalt  }
0x6b: {  	_ =	shalt  }
0x6c: {  	_ =	shalt  }
0x6d: {  	_ =	shalt  }
0x6e: {  	_ =	shalt  }
0x6f: {  	_ =	shalt  }
0x70: {  	_ =	shalt  }
0x71: {  	_ =	shalt  }
0x72: {  	_ =	shalt  }
0x73: {  	_ =	shalt  }
0x74: {  	_ =	shalt  }
0x75: {  	_ =	shalt  }
0x76: {  	_ =	shalt  }
0x77: {  	_ =	shalt  }
0x78: {  	_ =	shalt  }
0x79: {  	_ =	shalt  }
0x7a: {  	_ =	shalt  }
0x7b: {  	_ =	shalt  }
0x7c: {  	_ =	shalt  }
0x7d: {  	_ =	shalt  }
0x7e: {  	_ =	shalt  }
0x7f: {  	_ =	shalt  }
0x80: {  	_ =	shalt  }
0x81: {  	_ =	shalt  }
0x82: {  	_ =	shalt  }
0x83: {  	_ =	shalt  }
0x84: {  	_ =	shalt  }
0x85: {  	_ =	shalt  }
0x86: {  	_ =	shalt  }
0x87: {  	_ =	shalt  }
.Lfunc_end0:
.L_simem_size_0:
called_computation.2_lowered:
.L_overlay_start_0:
0x88: {  	s2 =	sld [smem:$0x3FD9]  }
0x89: {  	s3 =	sld [smem:$0x3FFE];
	_ =	sdelay $0x1  }
0x8a: {  	s1 =	srdreg.scid  }
0x8b: {  	s0 =	sand.u32 $0x1, s1  }
0x8c: {  	s17 =	sshll.u32 s0, $0xA;
	s2 =	sadd.s32 s3, s2  }
0x8d: {  	s2 =	sadd.s32 s2, s17  }
0x8e: {  	[smem:$0x3FC2] =	sst s2  }
0x8f: {  	_ = 	snop  }
0x90: {  	s2 =	sld [smem:$0x3FD0];
	(tm) =	ssettm $0x1  }
0x91: {  	s18 =	sld [smem:$0x3FFB];
	_ =	sdelay $0x3  }
0x92: {  	_ =	strace s18  }
0x93: {  	s3 =	sld [smem:$0x3FFC];
	_ =	sdelay $0x3  }
0x94: {  	_ =	strace s3  }
0x95: {  	s3 =	sld [smem:$0x3FFD];
	_ =	sdelay $0x3  }
0x96: {  	_ =	strace s3  }
0x97: {  	_ =	strace $0x8FFFFFFF  }
0x98: {  	s19 =	sld [smem:$0x3FDB];
	_ =	sdelay $0x1  }
0x99: {  	s4 =	simm.s32 $_scs_section_size  }
0x9a: {  	s5 =	simm.s32 $_size__tile_overlayer_lowered;
	s6 =	simm.s32 $_tile_overlayer_lowered  }
0x9b: {  	s22 =	simm.s32 $0x1BFF;
	s21 =	sshll.u32 s6, $0x1;
	s3 =	sadd.s32 s4, s19  }
0x9c: {  	s7 =	simm.s32 $0x0;
	s20 =	sshll.u32 s5, $0x1;
	s5 =	sadd.s32 s21, s3  }
0x9d: {  	[timem:s7], [sflag:s22] =	dma.local [hbm:s5], s20  }
0x9e: {  	_ =	swait.ge [sflag:s22], s20  }
0x9f: {  	s4 =	ssub.s32 $0x0, s20;
	[sflag:s22] =	ssyncset.done $0x0  }
0xa0: {  	[sflag:s22] =	ssyncadd.s32 s4;
	_ =	sdelay $0x1  }
0xa1: {  	s23 =	simm.s32 $0x1B8B  }
0xa2: {  	_ =	swait.ge [sflag:s23], $0x1  }
0xa3: {  	[sflag:s23] =	ssyncset.done $0x0  }
0xa4: {  	s25 =	simm.s32 $0x1B8E;
	s24 =	sld [smem:$0x3FFE];
	[sflag:s23] =	ssyncadd.s32 $0xFFFFFFFF  }
0xa5: {  	s26 =	simm.s32 $execute0_lowered;
	[smem:$0x3FD2] =	sst s25  }
0xa6: {  	s5 =	sshll.u32 s26, $0x1;
	_ =	strace $0x8000004C;
	[dreg:$0x1] =	wrdreg $0xFFFFFFFF  }
0xa7: {  	s28 =	simm.s32 $_size_execute0_lowered;
	s3 =	sadd.s32 s3, s5;
	[dreg:$0x0] =	wrdreg $0x0  }
0xa8: {  	s5 =	sshll.u32 s28, $0x1;
	[dreg:$0x2] =	wrdreg s3  }
0xa9: {  	[dreg:$0x3] =	wrdreg s5  }
0xaa: {  	[dreg:$0x4] =	wrdreg $0xC0  }
0xab: {  	_ =	task [dreg:s7], $0x5FFFF  }
0xac: {  	[dreg:$0x1] =	wrdreg $0xFFFFFFFF  }
0xad: {  	[dreg:$0x0] =	wrdreg $0x60  }
0xae: {  	[dreg:$0x2] =	wrdreg s24  }
0xaf: {  	[dreg:$0x3] =	wrdreg s2  }
0xb0: {  	[dreg:$0x4] =	wrdreg $0x5E800  }
0xb1: {  	[dreg:$0x5] =	wrdreg $0x9  }
0xb2: {  	_ =	task.clear_ibuf [dreg:s7], $0x6FFFF;
	_ =	strace $0x9000004C  }
0xb3: {  	s29 =	simm.s32 $0x9;
	_ =	strace $0x8000004E  }
0xb4: {  	_ =	swait.ge [sflag:s29], $0x1  }
0xb5: {  	[sflag:s29] =	ssyncadd.s32 $0xFFFFFFFF  }
0xb6: {  	_ =	strace $0x9000004E  }
0xb7: {  	_ =	sfence  }
0xb8: {  	s30 =	sld [smem:$0x0];
	_ =	sdelay $0x2  }
0xb9: {  	s31 =	sshll.u32 s1, $0xD;
	s1 =	sshrl.u32 s1, $0x2  }
0xba: {  	s3 =	sand.u32 $0x4000, s31;
	s1 =	sadd.s32 s1, s30  }
0xbb: {  	s0 =	sor.u32 s3, s0;
	s1 =	sshll.u32 s1, $0x11  }
0xbc: {  	s0 =	sor.u32 s1, s0  }
0xbd: {  	s0 =	sadd.s32 $0x8F2B, s0  }
0xbe: {  	[sflag:s0] =	ssyncadd.remote.s32 $0x1  }
0xbf: {  	_ =	sfence.sel $0xFFFF  }
0xc0: {  	[dreg:$0x0] =	wrdreg $0xFFFFFFFF;
	(pc) =	sbr.abs _section_cstart, $3  }
0xc1: {  	[dreg:$0x1] =	wrdreg $0xFFFFFFFF  }
0xc2: {  	_ =	task.clear_ibuf [dreg:s7], $0x2FFFF;
	_ =	strace $0x9FFFFFFF  }
0xc3: {  	(tm) =	ssettm $0x7FFFFFFF  }
tec
execute0_lowered:
.L_overlay_start_1:
0x0: {  	(tag) =	ssettag $0x1  }
0x1: {  	s0 =	rddreg [dreg:$0x0]  }
0x2: {  	s1 =	rddreg [dreg:$0x1]  }
0x3: {  	s2 =	rddreg [dreg:$0x2];
	s3 =	simm.s32 $0x0  }
0x4: {  	s4 =	srdreg.scid;
	s14 =	stileid.u32;
	s17 =	simm.s32 $0xE  }
0x5: {  	s21 =	simm.s32 $0x60;
	s18 =	simm.s32 $0xD;
	s19 =	simm.s32 $0x7  }
0x6: {  	s20 =	simm.s32 $0x8;
	s22 =	simm.s32 $0x9;
	s28 =	simm.s32 $0xB  }
0x7: {  	s29 =	simm.s32 $0xC;
	s30 =	simm.s32 $0x0;
	[smem:$0x7FF] =	sst s3  }
0x8: {  	s4 =	sand.u32 $0x1, s4;
	s5 =	sadd.s32 $0xBA00, s0;
	s7 =	smul.u32 $0x2760, s14  }
0x9: {  	s6 =	sadd.s32 $0x6A00, s0;
	s9 =	sadd.s32 $0x1400, s0;
	s24 =	smul.u32 $0x13900, s14  }
0xa: {  	s0 =	sadd.s32 $0x15800, s0;
	s15 =	smul.u32 $0x4E00, s14;
	p0 =	sne.s32 s14, $0x0  }
0xb: {  	_ =	strace $0x8000004D;
	s8 =	smul.u32 $0x27600, s4;
	s12 =	ssub.s32 $0x2, s4  }
0xc: {  	[dreg:$0x4] =	wrdreg s9;
	s4 =	smul.u32 $0x4E200, s4;
	s13 =	sshrl.u32 s12, $0x1  }
0xd: {  	s11 =	sshrl.u32 s7, $0x3;
	s31 =	sadd.s32 s15, s2;
	s9 =	sadd.s32 s7, s8  }
0xe: {  	s11 =	sadd.s32 s6, s11;
	s12 =	ssub.s32 s12, s13;
	s8 =	sshrl.u32 s24, $0x2  }
0xf: {  	s26 =	sadd.s32 s15, s4;
	s4 =	sshrl.u32 s4, $0x3;
	s24 =	sshrl.u32 s31, $0x3  }
0x10: {  	s10 =	sshrl.u32 s9, $0x3;
	[dreg:$0x6] =	wrdreg s11;
	s25 =	sadd.s32 $0xB4, s11  }
0x11: {  	s8 =	sadd.s32 s8, s2;
	s13 =	sshrl.u32 s26, $0x3;
	s4 =	sadd.s32 s0, s4  }
.Ltmp0:
0x12: {  	s10 =	sadd.s32 s5, s10;
	[dreg:$0x8] =	wrdreg s25;
	(pc) =	sbr.rel .LBB2_1-.Ltmp0, $4  }
0x13: {  	s16 =	smax.u32 s12, $0x1;
	s0 =	sadd.s32 s0, s13;
	[dreg:$0x5] =	wrdreg s10  }
0x14: {  	s26 =	simm.s32 $0xA;
	s4 =	sadd.s32 $0x9C00, s4;
	[dreg:$0x9] =	wrdreg s0  }
0x15: {  	s10 =	sadd.s32 $0xB4, s10;
	[dreg:$0xa] =	wrdreg s4;
	s4 =	sadd.s32 $0x4E000, s2  }
0x16: {  	s23 =	sshrl.u32 s8, $0x3;
	[dreg:$0x7] =	wrdreg s10;
	s25 =	sshrl.u32 @!p0 s4, $0x3  }
.LBB2_7:
0x17: {  	_ =	swait.ge [sflag:s19], $0xC00  }
0x18: {  	[sflag:s19] =	ssyncset.done $0x0  }
0x19: {  	[sflag:s19] =	ssyncadd.s32 $0xFFFFF400  }
0x1a: {  	_ =	swait.ge [sflag:s20], $0xC00  }
0x1b: {  	[sflag:s20] =	ssyncset.done $0x0  }
0x1c: {  	[sflag:s20] =	ssyncadd.s32 $0xFFFFF400  }
0x1d: {  	_ =	swait.ge [sflag:s22], $0xC00  }
0x1e: {  	[sflag:s22] =	ssyncset.done $0x0  }
0x1f: {  	[sflag:s22] =	ssyncadd.s32 $0xFFFFF400  }
0x20: {  	_ =	swait.ge [sflag:s26], $0xC00  }
0x21: {  	[sflag:s26] =	ssyncset.done $0x0  }
0x22: {  	[sflag:s26] =	ssyncadd.s32 $0xFFFFF400  }
0x23: {  	_ =	swait.ge [sflag:s28], $0xC00  }
0x24: {  	[sflag:s28] =	ssyncset.done $0x0  }
0x25: {  	[sflag:s28] =	ssyncadd.s32 $0xFFFFF400  }
0x26: {  	_ =	swait.ge [sflag:s29], $0xC00  }
0x27: {  	[sflag:s29] =	ssyncset.done $0x0  }
0x28: {  	[sflag:s29] =	ssyncadd.s32 $0xFFFFF400  }
0x29: {  	[bflag:$0x0] =	sbarrier.arrive $0xFFFF  }
0x2a: {  	s0 =	rddreg [dreg:$0x9]  }
0x2b: {  	[hbm:s0], [sflag:s31] =	dma.local [spmem:s24], $0x9C0  }
0x2c: {  	_ =	swait.ge [sflag:s17], $0x9C0  }
0x2d: {  	s30 =	sadd.s32 $0x1, s30;
	[sflag:s17] =	ssyncset.done $0x0  }
0x2e: {  	p1 =	sne.s32 s30, s16;
	s0 =	rddreg [dreg:$0xa];
	[sflag:s17] =	ssyncadd.s32 $0xFFFFF640  }
0x2f: {  	[hbm:s0], [sflag:s31] =	dma.local @!p0 [spmem:s25], $0x40  }
.Ltmp1:
0x30: {  	_ = 	snop;
	(pc) =	sbr.rel @!p1 .LBB2_8-.Ltmp1, $4  }
0x31: {  	s0 =	simm.s32 @!p0 $0xE  }
0x32: {  	_ =	swait.ge @!p0 [sflag:s0], $0x40  }
0x33: {  	[sflag:s0] =	ssyncset.done @!p0 $0x0  }
0x34: {  	[sflag:s0] =	ssyncadd.s32 @!p0 $0xFFFFFFC0  }
.LBB2_1:
0x35: {  	s0 =	rddreg [dreg:$0x5]  }
0x36: {  	[tilespmem:s3], [sflag:$0xE] =	stream.linear.gather [hbm4b:s0+s3], $0x5A0, $0x38;
	[tilespmem:$0xACC0] =	vst v63  }
0x37: {  	_ =	swait.ge [sflag:s17], $0x5A0  }
0x38: {  	[sflag:s17] =	ssyncset.done $0x0  }
0x39: {  	s4 =	simm.s32 $0xB40;
	s8 =	rddreg [dreg:$0x6];
	[sflag:s17] =	ssyncadd.s32 $0xFFFFFA60  }
0x3a: {  	[tilespmem:s4], [sflag:$0xE] =	stream.linear.gather [hbm4b:s8+s3], $0x5A0, $0x38;
	[tilespmem:$0xACC0] =	vst v63  }
0x3b: {  	_ =	swait.ge [sflag:s17], $0x5A0  }
0x3c: {  	[sflag:s17] =	ssyncset.done $0x0  }
0x3d: {  	s11 =	simm.s32 $0x5A0;
	s10 =	rddreg [dreg:$0x7];
	[sflag:s17] =	ssyncadd.s32 $0xFFFFFA60  }
0x3e: {  	[tilespmem:s11], [sflag:$0xD] =	stream.linear.gather [hbm4b:s10+s3], $0x5A0, $0x38;
	[tilespmem:$0xACC0] =	vst v63  }
0x3f: {  	s13 =	simm.s32 $0x10E0;
	s12 =	rddreg [dreg:$0x8]  }
0x40: {  	[tilespmem:s13], [sflag:$0xD] =	stream.linear.gather [hbm4b:s12+s3], $0x5A0, $0x38;
	[tilespmem:$0xACC0] =	vst v63  }
0x41: {  	s14 =	simm.s32 $0x1680  }
0x42: {  	[tilespmem:s14], [sflag:$0x1] =	stream.indirect.gather [hbm4b:s1+s21], $0x20, s3, s21, $0xb8;
	[tilespmem:$0xACC0] =	vst v63  }
0x43: {  	s15 =	simm.s32 $0x2280;
	s4 =	simm.s32 $0xC0  }
0x44: {  	[tilespmem:s15], [sflag:$0x2] =	stream.indirect.gather [hbm4b:s1+s21], $0x20, s21, s21, $0xb8;
	[tilespmem:$0xACC0] =	vst v63  }
0x45: {  	s8 =	simm.s32 $0x2E80;
	s10 =	simm.s32 $0x120;
	s14 =	stileid.u32  }
0x46: {  	[tilespmem:s8], [sflag:$0x3] =	stream.indirect.gather [hbm4b:s1+s21], $0x20, s4, s21, $0xb8;
	[tilespmem:$0xACC0] =	vst v63  }
0x47: {  	s11 =	simm.s32 $0x3A80;
	s12 =	simm.s32 $0x180;
	s0 =	sshll.u32 s14, $0x6  }
0x48: {  	[tilespmem:s11], [sflag:$0x4] =	stream.indirect.gather [hbm4b:s1+s21], $0x20, s10, s21, $0xb8;
	[tilespmem:$0xACC0] =	vst v63  }
0x49: {  	s13 =	simm.s32 $0x4680;
	s31 =	sor.u32 $0x1C0E, s0;
	s15 =	rddreg [dreg:$0x4]  }
0x4a: {  	[tilespmem:s13], [sflag:$0x5] =	stream.indirect.gather [hbm4b:s1+s21], $0x20, s12, s21, $0xb8;
	[tilespmem:$0xACC0] =	vst v63  }
0x4b: {  	[spmem:s23], [sflag:s31] =	dma.local [hbm:s15], $0x9C8  }
.Ltmp2:
0x4c: {  	_ =	swait.ge [sflag:s17], $0x9C8;
	(pc) =	sbr.rel .LBB2_2-.Ltmp2, $4  }
0x4d: {  	[sflag:s17] =	ssyncset.done $0x0  }
0x4e: {  	[sflag:s17] =	ssyncadd.s32 $0xFFFFF638  }
0x4f: {  	[bflag:$0x0] =	sbarrier.arrive $0xFFFF  }
0x50: {  	s0 =	simm.s32 $0x5;
	s4 =	simm.s32 $0x0  }
.LBB2_3:
0x51: {  	_ =	swait.ge [sflag:s18], $0x5A0  }
0x52: {  	[sflag:s18] =	ssyncset.done $0x0  }
0x53: {  	[sflag:s18] =	ssyncadd.s32 $0xFFFFFA60  }
0x54: {  	_ =	swait.ge [sflag:s18], $0x5A0  }
0x55: {  	[sflag:s18] =	ssyncset.done $0x0  }
0x56: {  	[sflag:s18] =	ssyncadd.s32 $0xFFFFFA60  }
.LBB2_5:
0x57: {  	s10 =	smulhi.u32 $0x88888889, s0;
	s11 =	sadd.s32 $0x5, s4;
	s14 =	sadd.s32 $0x357, s13  }
0x58: {  	s14 =	sshrl.u32 s14, $0xA;
	s15 =	smul.u32 $0x89, s11  }
0x59: {  	s14 =	sand.u32 $0x3F, s14  }
0x5a: {  	s10 =	sshrl.u32 s10, $0x3;
	s14 =	smul.u32 $0x6, s14;
	s15 =	sshrl.u32 s15, $0xB  }
0x5b: {  	s10 =	smul.u32 $0xF, s10;
	s15 =	sand.u32 $0x1, s15  }
0x5c: {  	s11 =	ssub.s32 s11, s14;
	p1 =	seq.s32 s15, $0x1;
	s14 =	simm.s32 $0xF  }
0x5d: {  	s10 =	ssub.s32 $0x5, s10;
	s14 =	simm.s32 @!p1 $0x0  }
0x5e: {  	s11 =	sand.u32 $0xFF, s11;
	p1 =	seq.s32 s4, $0x0;
	s14 =	sadd.s32 s4, s14  }
0x5f: {  	s15 =	sadd.s32 @!p1 $0x7, s11;
	s10 =	sadd.s32 s10, s14;
	s14 =	smul.u32 $0x3000, s11  }
0x60: {  	_ =	swait.ge @!p1 [sflag:s15], $0xC00;
	s10 =	smul.u32 $0x180, s10  }
0x61: {  	s11 =	sadd.s32 $0x1, s11;
	[sflag:s15] =	ssyncset.done @!p1 $0x0;
	s14 =	sshrl.u32 s14, $0x2  }
0x62: {  	[sflag:s15] =	ssyncadd.s32 @!p1 $0xFFFFF400;
	s14 =	sadd.s32 $0x1680, s14;
	s10 =	sshra.s32 s10, $0x2  }
0x63: {  	[tilespmem:s14], [sflag:s11] =	stream.indirect.gather [hbm4b:s1+s21], $0x20, s10, s21, $0xb8;
	[tilespmem:$0xACC0] =	vst v63  }
.LBB2_6:
0x64: {  	s10 =	smul.u32 $0x89, s4;
	s11 =	sshrl.u32 s13, $0xA  }
0x65: {  	s11 =	sand.u32 $0x3F, s11  }
0x66: {  	s10 =	sshrl.u32 s10, $0xB;
	s11 =	smul.u32 $0x6, s11  }
0x67: {  	s13 =	simm.s32 $0xF;
	s14 =	sand.u32 $0x1, s10  }
0x68: {  	s12 =	smul.u32 $0xFFFFFFF1, s12;
	p1 =	seq.s32 s14, $0x1;
	s11 =	ssub.s32 s4, s11  }
0x69: {  	s10 =	sand.u32 $0x1F, s10;
	s13 =	simm.s32 @!p1 $0x0;
	s11 =	sand.u32 $0xFF, s11  }
0x6a: {  	s13 =	sadd.s32 s4, s13;
	s15 =	smul.u32 $0x3000, s11;
	s14 =	sadd.s32 $0x1, s11  }
0x6b: {  	s11 =	sadd.s32 $0x7, s11;
	s12 =	sadd.s32 s12, s13;
	_ =	swait.ge [sflag:s14], $0xC00  }
0x6c: {  	s12 =	smul.u32 $0x180, s12;
	s13 =	sshrl.u32 s15, $0x2;
	s15 =	sadd.s32 $0xFFFFFFFF, s10  }
0x6d: {  	[sflag:s14] =	ssyncset.done $0x0;
	s13 =	sadd.s32 $0x1680, s13;
	p2 =	sgt.u32 s15, $0x4  }
0x6e: {  	[sflag:s14] =	ssyncadd.s32 $0xFFFFF400;
	s12 =	sshra.s32 s12, $0x2;
	p3 =	sne.s32 @!p2 s8, s4  }
0x6f: {  	s8 =	sadd.s32 $0x1, s10;
	s12 =	sadd.s32 $0xB40, s12;
	p1 =	por p3, p2  }
0x70: {  	[spmem:s2] =	stream.indirect.scatter.add.f32 [tilespmem:s13], [sflag:s11], $0x20, s12, s21, $0xb8;
	[tilespmem:$0xACC0] =	vst v63  }
0x71: {  	s10 =	smul.u32 @!p1 $0x5A0, s8;
	s8 =	sand.u32 @!p1 $0x1, s8  }
0x72: {  	p4 =	seq.s32 @!p1 s8, $0x1  }
0x73: {  	s8 =	sadd.s32 @!p1 s9, s10;
	p3 =	por @!p2 !p4, p3  }
0x74: {  	s11 =	simm.s32 @!p1 $0x5A0;
	p2 =	por !p3, p2;
	s8 =	sshrl.u32 @!p1 s8, $0x3  }
0x75: {  	s12 =	simm.s32 @!p1 $0x0;
	s11 =	simm.s32 @!p2 $0x0;
	s8 =	sadd.s32 @!p1 s5, s8  }
0x76: {  	[tilespmem:s11], [sflag:$0xD] =	stream.linear.gather @!p1 [hbm4b:s8+s12], $0x5A0, $0x38;
	[tilespmem:$0xACC0] =	vst v63  }
0x77: {  	s8 =	sadd.s32 @!p1 s7, s10  }
0x78: {  	s8 =	sshrl.u32 @!p1 s8, $0x3  }
0x79: {  	s4 =	sadd.s32 $0x1, s4;
	s10 =	sadd.s32 @!p1 $0xB40, s11;
	s8 =	sadd.s32 @!p1 s6, s8  }
0x7a: {  	[tilespmem:s10], [sflag:$0xD] =	stream.linear.gather @!p1 [hbm4b:s8+s12], $0x5A0, $0x38;
	[tilespmem:$0xACC0] =	vst v63  }
0x7b: {  	p1 =	sne.s32 s4, $0x69  }
.Ltmp3:
0x7c: {  	_ = 	snop;
	(pc) =	sbr.rel @!p1 .LBB2_7-.Ltmp3, $2  }
0x7d: {  	_ =	sdelay $0x2  }
0x7e: {  	s0 =	sadd.s32 $0x1, s0  }
.LBB2_2:
0x7f: {  	s8 =	smulhi.u32 $0x88888889, s4;
	_ =	sdelay $0x1  }
0x80: {  	s12 =	sshrl.u32 s8, $0x3  }
0x81: {  	s8 =	smul.u32 $0xF, s12;
	_ =	sdelay $0x1  }
0x82: {  	p1 =	sgt.u32 s4, $0x59;
	s13 =	sadd.s32 $0x9, s8  }
0x83: {  	p2 =	sne.s32 @!p1 s13, s4  }
0x84: {  	p1 =	por p1, p2  }
.Ltmp4:
0x85: {  	_ = 	snop;
	(pc) =	sbr.rel @!p1 .LBB2_3-.Ltmp4, $2  }
0x86: {  	_ =	sdelay $0x2  }
0x87: {  	s13 =	smul.u32 $0xAB, s4  }
0x88: {  	p1 =	sgt.u32 s4, $0x63  }
.Ltmp5:
0x89: {  	_ = 	snop;
	(pc) =	sbr.rel @p1 .LBB2_6-.Ltmp5, $4  }
.Ltmp6:
0x8a: {  	_ = 	snop;
	(pc) =	sbr.rel @!p1 .LBB2_5-.Ltmp6, $4  }
0x8b: {  	_ = 	snop  }
0x8c: {  	_ = 	snop  }
0x8d: {  	_ = 	snop  }
0x8e: {  	_ = 	snop  }
.LBB2_8:
0x8f: {  	_ =	sfence.sel $0x180000  }
0x90: {  	[bflag:$0x0] =	sbarrier.arrive $0xFFFF  }
0x91: {  	_ =	strace $0x9000004D  }
0x92: {  	[bflag:$0x2] =	sbarrier.arrive $0xFFFF  }
0x93: {  	s0 =	rddreg [dreg:$0x3]  }
0x94: {  	s0 =	sadd.s32 @!p0 $0x100000, s0  }
0x95: {  	[sflag:s0] =	ssyncadd.tile.s32 @!p0 $0x1;
	_ =	shalt  }
.Lfunc_end2:
_tile_overlayer_lowered:
.L_overlay_start_2:
0x96: {  	(tag) =	ssettag $0x2  }
0x97: {  	s0 =	rddreg [dreg:$0x0];
	s2 =	stileid.u32  }
0x98: {  	s1 =	rddreg [dreg:$0x1];
	p0 =	sne.s32 s2, $0x0  }
0x99: {  	s3 =	rddreg [dreg:$0x2];
	[bflag:$0x3] =	sbarrier.arrive $0xFFFF;
	s2 =	simm.s32 @!p0 $0x1C0E  }
0x9a: {  	[timem:s3], [sflag:s2] =	dma.local @!p0 [hbm:s0], s1  }
0x9b: {  	s0 =	simm.s32 @!p0 $0xE  }
0x9c: {  	_ =	swait.ge @!p0 [sflag:s0], s1  }
0x9d: {  	s1 =	ssub.s32 @!p0 $0x0, s1;
	[sflag:s0] =	ssyncset.done @!p0 $0x0  }
0x9e: {  	[sflag:s0] =	ssyncadd.s32 @!p0 s1  }
0x9f: {  	[bflag:$0x3] =	sbarrier.arrive $0xFFFF  }
0xa0: {  	_ =	shalt  }

// kernel: kernel.8.cloned.1.call-start
scs
__scs_entry_jumppad:
0x0: {  	(pc) =	sbr.rel $0x88, $3  }
0x1: {  	(tag) =	ssettag $0x0;
	lr =	simm.s32 $0x1  }
0x2: {  	[smem:$0x3F9B] =	sst lr;
	_ =	strace $0xD0000000  }
0x3: {  	_ = 	snop  }
0x4: {  	_ = 	snop  }
0x5: {  	_ = 	snop  }
0x6: {  	_ = 	snop  }
0x7: {  	_ = 	snop  }
__scs_overlays_trampoline_lowered:
0x8: {  	[smem:$0x3FAA] =	sst s0  }
0x9: {  	[smem:$0x3FAB] =	sst s1  }
0xa: {  	[smem:$0x3FAC] =	sst s2  }
0xb: {  	[smem:$0x3FAD] =	sst s3  }
0xc: {  	[smem:$0x3FAE] =	sst s4  }
0xd: {  	[smem:$0x3FAF] =	sst s5  }
0xe: {  	[smem:$0x3FB0] =	sst s6  }
0xf: {  	[smem:$0x3FB1] =	sst s7  }
0x10: {  	[smem:$0x3FB2] =	sst s8  }
0x11: {  	[smem:$0x3FB3] =	sst s9;
	s0 =	simm.s32 @!p0 $0x0  }
0x12: {  	s1 =	sld [smem:$0x3F99];
	s0 =	simm.s32 @p0 $0x1  }
0x13: {  	[smem:$0x3FB4] =	sst s0;
	s0 =	simm.s32 @!p1 $0x0  }
0x14: {  	s2 =	sld [smem:$0x3F98];
	s0 =	simm.s32 @p1 $0x1  }
0x15: {  	[smem:$0x3FB5] =	sst s0;
	s0 =	simm.s32 @!p2 $0x0  }
0x16: {  	s3 =	sld [smem:$0x3FDB];
	s0 =	simm.s32 @p2 $0x1  }
0x17: {  	s4 =	simm.s32 $0x1BF5;
	[smem:$0x3FB7] =	sst s0  }
0x18: {  	s0 =	sld [smem:$0x3F9A];
	_ =	swait.ge [sflag:s4], $0x0  }
0x19: {  	s7 =	sld [smem:$0x3F9B]  }
0x1a: {  	s8 =	sadd.s32 $0xFFFFE003, lr  }
0x1b: {  	s9 =	sadd.s32 $0xFFFFFEF7, lr;
	s5 =	simm.s32 $0xFFFFFFFF;
	p2 =	slt.u32 s8, $0xFFFFF086  }
0x1c: {  	p1 =	slt.u32 s9, $0xF7A;
	s5 =	simm.s32 @!p2 $0x0  }
0x1d: {  	s5 =	simm.s32 @p1 $0x1;
	p0 =	seq.s32 s7, s2  }
0x1e: {  	s7 =	smul.u32 @!p0 $0xF7A, s2;
	p2 =	seq.s32 @!p0 s5, $0x0  }
0x1f: {  	s9 =	smul.u32 $0xF7A, s1;
	s8 =	simm.s32 @!p0 $0x1BF5;
	p2 =	por !p2, p0  }
0x20: {  	[sflag:s8] =	ssyncset.s32 @!p0 $0xFFFFF086;
	s6 =	sadd.s32 @!p0 s3, s7;
	s7 =	simm.s32 @!p0 $0x108  }
0x21: {  	s3 =	sadd.s32 s3, s9;
	s6 =	sadd.s32 @!p0 $0x88, s6;
	s7 =	simm.s32 @p2 $0x1082  }
0x22: {  	[simem:s7], [sflag:s8] =	dma.local @!p0 [hbm:s6], $0xF7A  }
0x23: {  	s9 =	sor.u32 $0xD0000000, s2;
	s6 =	simm.s32 $0x108;
	_ =	swait.ge @!p0 [sflag:s8], $0x0  }
0x24: {  	s3 =	sadd.s32 $0x88, s3;
	s6 =	simm.s32 @!p1 $0x1082;
	[sflag:s4] =	ssyncset.s32 $0xFFFFF086  }
0x25: {  	[simem:s6], [sflag:s4] =	dma.local [hbm:s3], $0xF7A  }
0x26: {  	[smem:$0x3F9B] =	sst s1;
	(tag) =	ssettag s2;
	_ =	strace s9  }
0x27: {  	s1 =	sld [smem:$0x3FAB]  }
0x28: {  	s2 =	sld [smem:$0x3FAC]  }
0x29: {  	s4 =	sld [smem:$0x3FAE]  }
0x2a: {  	p0 =	seq.s32 s5, $0x0;
	s5 =	sld [smem:$0x3FAF]  }
0x2b: {  	s6 =	sld [smem:$0x3FB0]  }
0x2c: {  	s7 =	sld [smem:$0x3FB1]  }
0x2d: {  	s3 =	simm.s32 $0x108;
	s8 =	sld [smem:$0x3FB2]  }
0x2e: {  	s3 =	simm.s32 @!p0 $0x1082;
	s9 =	sld [smem:$0x3FB3]  }
0x2f: {  	lr =	sadd.s32 s0, s3;
	s0 =	sld [smem:$0x3FAA]  }
0x30: {  	s3 =	sld [smem:$0x3FAD]  }
0x31: {  	[smem:$0x3FB6] =	sst s10  }
0x32: {  	s10 =	sld [smem:$0x3FB4];
	_ =	sdelay $0x3  }
0x33: {  	p0 =	seq.s32 s10, $0x1;
	s10 =	sld [smem:$0x3FB6];
	_ =	sdelay $0x3  }
0x34: {  	[smem:$0x3FB6] =	sst s10  }
0x35: {  	s10 =	sld [smem:$0x3FB5];
	_ =	sdelay $0x3  }
0x36: {  	p1 =	seq.s32 s10, $0x1;
	s10 =	sld [smem:$0x3FB6];
	_ =	sdelay $0x3  }
0x37: {  	[smem:$0x3FB6] =	sst s10  }
0x38: {  	s10 =	sld [smem:$0x3FB7]  }
0x39: {  	_ = 	snop;
	(pc) =	sbr.ind lr, $3  }
0x3a: {  	_ = 	snop  }
0x3b: {  	_ = 	snop  }
0x3c: {  	p2 =	seq.s32 s10, $0x1;
	s10 =	sld [smem:$0x3FB6]  }
0x3d: {  	_ =	shalt  }
0x3e: {  	_ =	shalt  }
0x3f: {  	_ =	shalt  }
0x40: {  	_ =	shalt  }
0x41: {  	_ =	shalt  }
0x42: {  	_ =	shalt  }
0x43: {  	_ =	shalt  }
0x44: {  	_ =	shalt  }
0x45: {  	_ =	shalt  }
0x46: {  	_ =	shalt  }
0x47: {  	_ =	shalt  }
0x48: {  	_ =	shalt  }
0x49: {  	_ =	shalt  }
0x4a: {  	_ =	shalt  }
0x4b: {  	_ =	shalt  }
0x4c: {  	_ =	shalt  }
0x4d: {  	_ =	shalt  }
0x4e: {  	_ =	shalt  }
0x4f: {  	_ =	shalt  }
0x50: {  	_ =	shalt  }
0x51: {  	_ =	shalt  }
0x52: {  	_ =	shalt  }
0x53: {  	_ =	shalt  }
0x54: {  	_ =	shalt  }
0x55: {  	_ =	shalt  }
0x56: {  	_ =	shalt  }
0x57: {  	_ =	shalt  }
0x58: {  	_ =	shalt  }
0x59: {  	_ =	shalt  }
0x5a: {  	_ =	shalt  }
0x5b: {  	_ =	shalt  }
0x5c: {  	_ =	shalt  }
0x5d: {  	_ =	shalt  }
0x5e: {  	_ =	shalt  }
0x5f: {  	_ =	shalt  }
0x60: {  	_ =	shalt  }
0x61: {  	_ =	shalt  }
0x62: {  	_ =	shalt  }
0x63: {  	_ =	shalt  }
0x64: {  	_ =	shalt  }
0x65: {  	_ =	shalt  }
0x66: {  	_ =	shalt  }
0x67: {  	_ =	shalt  }
0x68: {  	_ =	shalt  }
0x69: {  	_ =	shalt  }
0x6a: {  	_ =	shalt  }
0x6b: {  	_ =	shalt  }
0x6c: {  	_ =	shalt  }
0x6d: {  	_ =	shalt  }
0x6e: {  	_ =	shalt  }
0x6f: {  	_ =	shalt  }
0x70: {  	_ =	shalt  }
0x71: {  	_ =	shalt  }
0x72: {  	_ =	shalt  }
0x73: {  	_ =	shalt  }
0x74: {  	_ =	shalt  }
0x75: {  	_ =	shalt  }
0x76: {  	_ =	shalt  }
0x77: {  	_ =	shalt  }
0x78: {  	_ =	shalt  }
0x79: {  	_ =	shalt  }
0x7a: {  	_ =	shalt  }
0x7b: {  	_ =	shalt  }
0x7c: {  	_ =	shalt  }
0x7d: {  	_ =	shalt  }
0x7e: {  	_ =	shalt  }
0x7f: {  	_ =	shalt  }
0x80: {  	_ =	shalt  }
0x81: {  	_ =	shalt  }
0x82: {  	_ =	shalt  }
0x83: {  	_ =	shalt  }
0x84: {  	_ =	shalt  }
0x85: {  	_ =	shalt  }
0x86: {  	_ =	shalt  }
0x87: {  	_ =	shalt  }
.Lfunc_end0:
.L_simem_size_0:
called_computation_lowered:
.L_overlay_start_0:
0x88: {  	s2 =	sld [smem:$0x3FD9]  }
0x89: {  	s3 =	sld [smem:$0x3FFE];
	_ =	sdelay $0x1  }
0x8a: {  	s1 =	srdreg.scid  }
0x8b: {  	s0 =	sand.u32 $0x1, s1  }
0x8c: {  	s17 =	sshll.u32 s0, $0xA;
	s2 =	sadd.s32 s3, s2  }
0x8d: {  	s2 =	sadd.s32 s2, s17  }
0x8e: {  	[smem:$0x3FC2] =	sst s2  }
0x8f: {  	_ = 	snop  }
0x90: {  	s2 =	sld [smem:$0x3FD0];
	(tm) =	ssettm $0x1  }
0x91: {  	s18 =	sld [smem:$0x3FFB];
	_ =	sdelay $0x3  }
0x92: {  	_ =	strace s18  }
0x93: {  	s3 =	sld [smem:$0x3FFC];
	_ =	sdelay $0x3  }
0x94: {  	_ =	strace s3  }
0x95: {  	s3 =	sld [smem:$0x3FFD];
	_ =	sdelay $0x3  }
0x96: {  	_ =	strace s3  }
0x97: {  	_ =	strace $0x8FFFFFFF  }
0x98: {  	s19 =	sld [smem:$0x3FDB];
	_ =	sdelay $0x1  }
0x99: {  	s4 =	simm.s32 $_scs_section_size  }
0x9a: {  	s5 =	simm.s32 $_size__tile_overlayer_lowered;
	s6 =	simm.s32 $_tile_overlayer_lowered  }
0x9b: {  	s22 =	simm.s32 $0x1BFF;
	s21 =	sshll.u32 s6, $0x1;
	s3 =	sadd.s32 s4, s19  }
0x9c: {  	s7 =	simm.s32 $0x0;
	s20 =	sshll.u32 s5, $0x1;
	s5 =	sadd.s32 s21, s3  }
0x9d: {  	[timem:s7], [sflag:s22] =	dma.local [hbm:s5], s20  }
0x9e: {  	_ =	swait.ge [sflag:s22], s20  }
0x9f: {  	s4 =	ssub.s32 $0x0, s20;
	[sflag:s22] =	ssyncset.done $0x0  }
0xa0: {  	[sflag:s22] =	ssyncadd.s32 s4;
	_ =	sdelay $0x1  }
0xa1: {  	s23 =	simm.s32 $0x1B8B  }
0xa2: {  	_ =	swait.ge [sflag:s23], $0x1  }
0xa3: {  	[sflag:s23] =	ssyncset.done $0x0  }
0xa4: {  	s25 =	simm.s32 $0x1B8E;
	s24 =	sld [smem:$0x3FFE];
	[sflag:s23] =	ssyncadd.s32 $0xFFFFFFFF  }
0xa5: {  	s26 =	simm.s32 $execute0_lowered;
	[smem:$0x3FD2] =	sst s25  }
0xa6: {  	s5 =	sshll.u32 s26, $0x1;
	_ =	strace $0x80000046;
	[dreg:$0x1] =	wrdreg $0xFFFFFFFF  }
0xa7: {  	s28 =	simm.s32 $_size_execute0_lowered;
	s3 =	sadd.s32 s3, s5;
	[dreg:$0x0] =	wrdreg $0x0  }
0xa8: {  	s5 =	sshll.u32 s28, $0x1;
	[dreg:$0x2] =	wrdreg s3  }
0xa9: {  	[dreg:$0x3] =	wrdreg s5  }
0xaa: {  	[dreg:$0x4] =	wrdreg $0xC0  }
0xab: {  	_ =	task [dreg:s7], $0x5FFFF  }
0xac: {  	[dreg:$0x1] =	wrdreg $0xFFFFFFFF  }
0xad: {  	[dreg:$0x0] =	wrdreg $0x60  }
0xae: {  	[dreg:$0x2] =	wrdreg s2  }
0xaf: {  	[dreg:$0x3] =	wrdreg s24  }
0xb0: {  	[dreg:$0x4] =	wrdreg $0x18000  }
0xb1: {  	[dreg:$0x5] =	wrdreg $0x9  }
0xb2: {  	_ =	task.clear_ibuf [dreg:s7], $0x6FFFF;
	_ =	strace $0x90000046  }
0xb3: {  	s29 =	simm.s32 $0x9;
	_ =	strace $0x80000048  }
0xb4: {  	_ =	swait.ge [sflag:s29], $0x1  }
0xb5: {  	[sflag:s29] =	ssyncadd.s32 $0xFFFFFFFF  }
0xb6: {  	_ =	strace $0x90000048  }
0xb7: {  	_ =	sfence  }
0xb8: {  	s30 =	sld [smem:$0x0];
	_ =	sdelay $0x2  }
0xb9: {  	s31 =	sshll.u32 s1, $0xD;
	s1 =	sshrl.u32 s1, $0x2  }
0xba: {  	s3 =	sand.u32 $0x4000, s31;
	s1 =	sadd.s32 s1, s30  }
0xbb: {  	s0 =	sor.u32 s3, s0;
	s1 =	sshll.u32 s1, $0x11  }
0xbc: {  	s0 =	sor.u32 s1, s0  }
0xbd: {  	s0 =	sadd.s32 $0x8F2B, s0  }
0xbe: {  	[sflag:s0] =	ssyncadd.remote.s32 $0x1  }
0xbf: {  	_ =	sfence.sel $0xFFFF  }
0xc0: {  	[dreg:$0x0] =	wrdreg $0xFFFFFFFF;
	(pc) =	sbr.abs _section_cstart, $3  }
0xc1: {  	[dreg:$0x1] =	wrdreg $0xFFFFFFFF  }
0xc2: {  	_ =	task.clear_ibuf [dreg:s7], $0x2FFFF;
	_ =	strace $0x9FFFFFFF  }
0xc3: {  	(tm) =	ssettm $0x7FFFFFFF  }
tec
execute0_lowered:
.L_overlay_start_1:
0x0: {  	(tag) =	ssettag $0x1  }
0x1: {  	s0 =	rddreg [dreg:$0x0]  }
0x2: {  	s5 =	rddreg [dreg:$0x1]  }
0x3: {  	s1 =	rddreg [dreg:$0x2];
	s2 =	simm.s32 $0x0  }
0x4: {  	s3 =	srdreg.scid;
	s14 =	stileid.u32;
	s13 =	simm.s32 $0x80  }
0x5: {  	s28 =	simm.s32 $0xE80;
	s29 =	simm.s32 $0xF00;
	s30 =	simm.s32 $0xF80  }
0x6: {  	s31 =	simm.s32 $0x1000;
	s17 =	simm.s32 $0x1280;
	s18 =	simm.s32 $0x1300  }
0x7: {  	s19 =	simm.s32 $0x1380;
	s20 =	simm.s32 $0x1;
	s21 =	simm.s32 $0x0  }
0x8: {  	[smem:$0x7FF] =	sst s2;
	s6 =	sand.u32 $0x1, s3;
	s8 =	smul.u32 $0x1400, s14  }
0x9: {  	s3 =	sadd.s32 $0x1800, s5;
	s4 =	sadd.s32 $0x1400, s5;
	s9 =	smul.u32 $0x4E40, s14  }
0xa: {  	s11 =	smul.u32 $0x1380, s14;
	s12 =	sadd.s32 $0x1A00, s5;
	s16 =	sadd.s32 $0x13800, s1  }
0xb: {  	s26 =	sshll.u32 s14, $0x6;
	p0 =	sne.s32 s14, $0x0;
	s14 =	simm.s32 $0x1100  }
0xc: {  	s7 =	smul.u32 $0x14000, s6;
	_ =	strace $0x80000047;
	s10 =	ssub.s32 $0x2, s6  }
0xd: {  	s6 =	smul.u32 $0x13880, s6;
	s22 =	sshrl.u32 s10, $0x1;
	s23 =	sshrl.u32 s9, $0x2  }
0xe: {  	s15 =	sadd.s32 s11, s1;
	s9 =	simm.s32 $0x2;
	s7 =	sadd.s32 s8, s7  }
0xf: {  	s8 =	ssub.s32 s10, s22;
	s24 =	sadd.s32 s11, s6;
	s6 =	sshrl.u32 s6, $0x3  }
0x10: {  	s10 =	simm.s32 $0x1400;
	s11 =	sor.u32 $0x1C02, s26;
	s26 =	simm.s32 $0xE00  }
0x11: {  	s7 =	sshrl.u32 s7, $0x3;
	s25 =	sadd.s32 s12, s6;
	s8 =	smax.u32 s8, $0x1  }
0x12: {  	s5 =	sadd.s32 s0, s7;
	s0 =	sadd.s32 s23, s1;
	s7 =	sshrl.u32 s24, $0x3  }
0x13: {  	s24 =	sshrl.u32 s15, $0x3;
	s23 =	simm.s32 $0xD80;
	s15 =	simm.s32 $0x1180  }
0x14: {  	s6 =	sadd.s32 s12, s7;
	s7 =	sadd.s32 $0x2700, s25;
	s12 =	sshrl.u32 s0, $0x3  }
0x15: {  	s25 =	sshrl.u32 @!p0 s16, $0x3;
	s0 =	simm.s32 $0x1080;
	s16 =	simm.s32 $0x1200  }
.LBB2_1:
0x16: {  	[tilespmem:s2], [sflag:$0x2] =	stream.linear.gather [hbm4b:s5+s2], $0x1400, $0x38;
	[tilespmem:$0x2B90] =	vst v63  }
0x17: {  	_ =	swait.ge [sflag:s9], $0x1400  }
0x18: {  	[sflag:s9] =	ssyncset.done $0x0  }
0x19: {  	[sflag:s9] =	ssyncadd.s32 $0xFFFFEC00  }
0x1a: {  	[tilespmem:s10], [sflag:$0x2] =	stream.linear.gather [hbm4b:s3+s2], $0x400, $0x38;
	[tilespmem:$0x2B90] =	vst v63  }
0x1b: {  	_ =	swait.ge [sflag:s9], $0x400  }
0x1c: {  	[sflag:s9] =	ssyncset.done $0x0  }
0x1d: {  	[sflag:s9] =	ssyncadd.s32 $0xFFFFFC00  }
0x1e: {  	[spmem:s12], [sflag:s11] =	dma.local [hbm:s4], $0x272  }
0x1f: {  	_ =	swait.ge [sflag:s9], $0x272  }
0x20: {  	[sflag:s9] =	ssyncset.done $0x0  }
0x21: {  	[sflag:s9] =	ssyncadd.s32 $0xFFFFFD8E  }
0x22: {  	[bflag:$0x0] =	sbarrier.arrive $0xFFFF  }
0x23: {  	[spmem:s1] =	stream.indirect.scatter.add.f32 [tilespmem:s10], [sflag:$0x1], $0x8, s2, s13, $0xb8;
	[tilespmem:$0x2B90] =	vst v63  }
0x24: {  	_ = 	snop  }
0x25: {  	[spmem:s1] =	stream.indirect.scatter.add.f32 [tilespmem:s10], [sflag:$0x1], $0x8, s13, s13, $0xb8;
	[tilespmem:$0x2B90] =	vst v63  }
0x26: {  	s22 =	simm.s32 $0x100  }
0x27: {  	[spmem:s1] =	stream.indirect.scatter.add.f32 [tilespmem:s10], [sflag:$0x1], $0x8, s22, s13, $0xb8;
	[tilespmem:$0x2B90] =	vst v63  }
0x28: {  	s22 =	simm.s32 $0x180  }
0x29: {  	[spmem:s1] =	stream.indirect.scatter.add.f32 [tilespmem:s10], [sflag:$0x1], $0x8, s22, s13, $0xb8;
	[tilespmem:$0x2B90] =	vst v63  }
0x2a: {  	s22 =	simm.s32 $0x200  }
0x2b: {  	[spmem:s1] =	stream.indirect.scatter.add.f32 [tilespmem:s10], [sflag:$0x1], $0x8, s22, s13, $0xb8;
	[tilespmem:$0x2B90] =	vst v63  }
0x2c: {  	s22 =	simm.s32 $0x280  }
0x2d: {  	[spmem:s1] =	stream.indirect.scatter.add.f32 [tilespmem:s10], [sflag:$0x1], $0x8, s22, s13, $0xb8;
	[tilespmem:$0x2B90] =	vst v63  }
0x2e: {  	s22 =	simm.s32 $0x300  }
0x2f: {  	[spmem:s1] =	stream.indirect.scatter.add.f32 [tilespmem:s10], [sflag:$0x1], $0x8, s22, s13, $0xb8;
	[tilespmem:$0x2B90] =	vst v63  }
0x30: {  	s22 =	simm.s32 $0x380  }
0x31: {  	[spmem:s1] =	stream.indirect.scatter.add.f32 [tilespmem:s10], [sflag:$0x1], $0x8, s22, s13, $0xb8;
	[tilespmem:$0x2B90] =	vst v63  }
0x32: {  	s22 =	simm.s32 $0x400  }
0x33: {  	[spmem:s1] =	stream.indirect.scatter.add.f32 [tilespmem:s10], [sflag:$0x1], $0x8, s22, s13, $0xb8;
	[tilespmem:$0x2B90] =	vst v63  }
0x34: {  	s22 =	simm.s32 $0x480  }
0x35: {  	[spmem:s1] =	stream.indirect.scatter.add.f32 [tilespmem:s10], [sflag:$0x1], $0x8, s22, s13, $0xb8;
	[tilespmem:$0x2B90] =	vst v63  }
0x36: {  	s22 =	simm.s32 $0x500  }
0x37: {  	[spmem:s1] =	stream.indirect.scatter.add.f32 [tilespmem:s10], [sflag:$0x1], $0x8, s22, s13, $0xb8;
	[tilespmem:$0x2B90] =	vst v63  }
0x38: {  	s22 =	simm.s32 $0x580  }
0x39: {  	[spmem:s1] =	stream.indirect.scatter.add.f32 [tilespmem:s10], [sflag:$0x1], $0x8, s22, s13, $0xb8;
	[tilespmem:$0x2B90] =	vst v63  }
0x3a: {  	s22 =	simm.s32 $0x600  }
0x3b: {  	[spmem:s1] =	stream.indirect.scatter.add.f32 [tilespmem:s10], [sflag:$0x1], $0x8, s22, s13, $0xb8;
	[tilespmem:$0x2B90] =	vst v63  }
0x3c: {  	s22 =	simm.s32 $0x680  }
0x3d: {  	[spmem:s1] =	stream.indirect.scatter.add.f32 [tilespmem:s10], [sflag:$0x1], $0x8, s22, s13, $0xb8;
	[tilespmem:$0x2B90] =	vst v63  }
0x3e: {  	s22 =	simm.s32 $0x700  }
0x3f: {  	[spmem:s1] =	stream.indirect.scatter.add.f32 [tilespmem:s10], [sflag:$0x1], $0x8, s22, s13, $0xb8;
	[tilespmem:$0x2B90] =	vst v63  }
0x40: {  	s22 =	simm.s32 $0x780  }
0x41: {  	[spmem:s1] =	stream.indirect.scatter.add.f32 [tilespmem:s10], [sflag:$0x1], $0x8, s22, s13, $0xb8;
	[tilespmem:$0x2B90] =	vst v63  }
0x42: {  	s22 =	simm.s32 $0x800  }
0x43: {  	[spmem:s1] =	stream.indirect.scatter.add.f32 [tilespmem:s10], [sflag:$0x1], $0x8, s22, s13, $0xb8;
	[tilespmem:$0x2B90] =	vst v63  }
0x44: {  	s22 =	simm.s32 $0x880  }
0x45: {  	[spmem:s1] =	stream.indirect.scatter.add.f32 [tilespmem:s10], [sflag:$0x1], $0x8, s22, s13, $0xb8;
	[tilespmem:$0x2B90] =	vst v63  }
0x46: {  	s22 =	simm.s32 $0x900  }
0x47: {  	[spmem:s1] =	stream.indirect.scatter.add.f32 [tilespmem:s10], [sflag:$0x1], $0x8, s22, s13, $0xb8;
	[tilespmem:$0x2B90] =	vst v63  }
0x48: {  	s22 =	simm.s32 $0x980  }
0x49: {  	[spmem:s1] =	stream.indirect.scatter.add.f32 [tilespmem:s10], [sflag:$0x1], $0x8, s22, s13, $0xb8;
	[tilespmem:$0x2B90] =	vst v63  }
0x4a: {  	s22 =	simm.s32 $0xA00  }
0x4b: {  	[spmem:s1] =	stream.indirect.scatter.add.f32 [tilespmem:s10], [sflag:$0x1], $0x8, s22, s13, $0xb8;
	[tilespmem:$0x2B90] =	vst v63  }
0x4c: {  	s22 =	simm.s32 $0xA80  }
0x4d: {  	[spmem:s1] =	stream.indirect.scatter.add.f32 [tilespmem:s10], [sflag:$0x1], $0x8, s22, s13, $0xb8;
	[tilespmem:$0x2B90] =	vst v63  }
0x4e: {  	s22 =	simm.s32 $0xB00  }
0x4f: {  	[spmem:s1] =	stream.indirect.scatter.add.f32 [tilespmem:s10], [sflag:$0x1], $0x8, s22, s13, $0xb8;
	[tilespmem:$0x2B90] =	vst v63  }
0x50: {  	s22 =	simm.s32 $0xB80  }
0x51: {  	[spmem:s1] =	stream.indirect.scatter.add.f32 [tilespmem:s10], [sflag:$0x1], $0x8, s22, s13, $0xb8;
	[tilespmem:$0x2B90] =	vst v63  }
0x52: {  	s22 =	simm.s32 $0xC00  }
0x53: {  	[spmem:s1] =	stream.indirect.scatter.add.f32 [tilespmem:s10], [sflag:$0x1], $0x8, s22, s13, $0xb8;
	[tilespmem:$0x2B90] =	vst v63  }
0x54: {  	s22 =	simm.s32 $0xC80  }
0x55: {  	[spmem:s1] =	stream.indirect.scatter.add.f32 [tilespmem:s10], [sflag:$0x1], $0x8, s22, s13, $0xb8;
	[tilespmem:$0x2B90] =	vst v63  }
0x56: {  	s22 =	simm.s32 $0xD00  }
0x57: {  	[spmem:s1] =	stream.indirect.scatter.add.f32 [tilespmem:s10], [sflag:$0x1], $0x8, s22, s13, $0xb8;
	[tilespmem:$0x2B90] =	vst v63  }
0x58: {  	_ = 	snop  }
0x59: {  	[spmem:s1] =	stream.indirect.scatter.add.f32 [tilespmem:s10], [sflag:$0x1], $0x8, s23, s13, $0xb8;
	[tilespmem:$0x2B90] =	vst v63  }
0x5a: {  	_ = 	snop  }
0x5b: {  	[spmem:s1] =	stream.indirect.scatter.add.f32 [tilespmem:s10], [sflag:$0x1], $0x8, s26, s13, $0xb8;
	[tilespmem:$0x2B90] =	vst v63  }
0x5c: {  	_ = 	snop  }
0x5d: {  	[spmem:s1] =	stream.indirect.scatter.add.f32 [tilespmem:s10], [sflag:$0x1], $0x8, s28, s13, $0xb8;
	[tilespmem:$0x2B90] =	vst v63  }
0x5e: {  	_ = 	snop  }
0x5f: {  	[spmem:s1] =	stream.indirect.scatter.add.f32 [tilespmem:s10], [sflag:$0x1], $0x8, s29, s13, $0xb8;
	[tilespmem:$0x2B90] =	vst v63  }
0x60: {  	_ = 	snop  }
0x61: {  	[spmem:s1] =	stream.indirect.scatter.add.f32 [tilespmem:s10], [sflag:$0x1], $0x8, s30, s13, $0xb8;
	[tilespmem:$0x2B90] =	vst v63  }
0x62: {  	_ = 	snop  }
0x63: {  	[spmem:s1] =	stream.indirect.scatter.add.f32 [tilespmem:s10], [sflag:$0x1], $0x8, s31, s13, $0xb8;
	[tilespmem:$0x2B90] =	vst v63  }
0x64: {  	_ = 	snop  }
0x65: {  	[spmem:s1] =	stream.indirect.scatter.add.f32 [tilespmem:s10], [sflag:$0x1], $0x8, s0, s13, $0xb8;
	[tilespmem:$0x2B90] =	vst v63  }
0x66: {  	_ = 	snop  }
0x67: {  	[spmem:s1] =	stream.indirect.scatter.add.f32 [tilespmem:s10], [sflag:$0x1], $0x8, s14, s13, $0xb8;
	[tilespmem:$0x2B90] =	vst v63  }
0x68: {  	_ = 	snop  }
0x69: {  	[spmem:s1] =	stream.indirect.scatter.add.f32 [tilespmem:s10], [sflag:$0x1], $0x8, s15, s13, $0xb8;
	[tilespmem:$0x2B90] =	vst v63  }
0x6a: {  	_ = 	snop  }
0x6b: {  	[spmem:s1] =	stream.indirect.scatter.add.f32 [tilespmem:s10], [sflag:$0x1], $0x8, s16, s13, $0xb8;
	[tilespmem:$0x2B90] =	vst v63  }
0x6c: {  	_ = 	snop  }
0x6d: {  	[spmem:s1] =	stream.indirect.scatter.add.f32 [tilespmem:s10], [sflag:$0x1], $0x8, s17, s13, $0xb8;
	[tilespmem:$0x2B90] =	vst v63  }
0x6e: {  	_ = 	snop  }
0x6f: {  	[spmem:s1] =	stream.indirect.scatter.add.f32 [tilespmem:s10], [sflag:$0x1], $0x8, s18, s13, $0xb8;
	[tilespmem:$0x2B90] =	vst v63  }
0x70: {  	_ = 	snop  }
0x71: {  	[spmem:s1] =	stream.indirect.scatter.add.f32 [tilespmem:s10], [sflag:$0x1], $0x8, s19, s13, $0xb8;
	[tilespmem:$0x2B90] =	vst v63  }
0x72: {  	_ =	swait.ge [sflag:s20], $0x400  }
0x73: {  	s22 =	simm.s32 $0x27;
	[sflag:s20] =	ssyncset.done $0x0  }
.LBB2_2:
0x74: {  	p1 =	sne.s32 s22, $0x1;
	s22 =	sadd.s32 $0xFFFFFFFF, s22;
	[sflag:s20] =	ssyncadd.s32 $0xFFFFFC00  }
.Ltmp0:
0x75: {  	(pc) =	sbr.rel @p1 .LBB2_2-.Ltmp0, $3  }
0x76: {  	_ =	sdelay $0x1  }
0x77: {  	_ =	swait.ge [sflag:s20], $0x400  }
0x78: {  	[sflag:s20] =	ssyncset.done $0x0  }
0x79: {  	[sflag:s20] =	ssyncadd.s32 $0xFFFFFC00  }
0x7a: {  	[bflag:$0x0] =	sbarrier.arrive $0xFFFF  }
0x7b: {  	[hbm:s6], [sflag:s11] =	dma.local [spmem:s24], $0x270  }
0x7c: {  	s21 =	sadd.s32 $0x1, s21;
	_ =	swait.ge [sflag:s9], $0x270  }
0x7d: {  	p1 =	sne.s32 s21, s8;
	[sflag:s9] =	ssyncset.done $0x0  }
.Ltmp1:
0x7e: {  	s22 =	simm.s32 @!p0 $0x2;
	[sflag:s9] =	ssyncadd.s32 $0xFFFFFD90;
	(pc) =	sbr.rel @p1 .LBB2_1-.Ltmp1, $4  }
0x7f: {  	[hbm:s7], [sflag:s11] =	dma.local @!p0 [spmem:s25], $0x10  }
0x80: {  	_ =	swait.ge @!p0 [sflag:s22], $0x10  }
0x81: {  	[sflag:s22] =	ssyncset.done @!p0 $0x0  }
0x82: {  	[sflag:s22] =	ssyncadd.s32 @!p0 $0xFFFFFFF0  }
0x83: {  	_ =	sfence.sel $0x180000  }
0x84: {  	[bflag:$0x0] =	sbarrier.arrive $0xFFFF  }
0x85: {  	_ =	strace $0x90000047  }
0x86: {  	[bflag:$0x2] =	sbarrier.arrive $0xFFFF  }
0x87: {  	s0 =	rddreg [dreg:$0x3]  }
0x88: {  	s0 =	sadd.s32 @!p0 $0x100000, s0  }
0x89: {  	[sflag:s0] =	ssyncadd.tile.s32 @!p0 $0x1;
	_ =	shalt  }
.Lfunc_end2:
_tile_overlayer_lowered:
.L_overlay_start_2:
0x8a: {  	(tag) =	ssettag $0x2  }
0x8b: {  	s0 =	rddreg [dreg:$0x0];
	s2 =	stileid.u32  }
0x8c: {  	s1 =	rddreg [dreg:$0x1];
	p0 =	sne.s32 s2, $0x0  }
0x8d: {  	s3 =	rddreg [dreg:$0x2];
	[bflag:$0x3] =	sbarrier.arrive $0xFFFF;
	s2 =	simm.s32 @!p0 $0x1C02  }
0x8e: {  	[timem:s3], [sflag:s2] =	dma.local @!p0 [hbm:s0], s1  }
0x8f: {  	s0 =	simm.s32 @!p0 $0x2  }
0x90: {  	_ =	swait.ge @!p0 [sflag:s0], s1  }
0x91: {  	s1 =	ssub.s32 @!p0 $0x0, s1;
	[sflag:s0] =	ssyncset.done @!p0 $0x0  }
0x92: {  	[sflag:s0] =	ssyncadd.s32 @!p0 s1  }
0x93: {  	[bflag:$0x3] =	sbarrier.arrive $0xFFFF  }
0x94: {  	_ =	shalt  }

</sc_bundles>
